<compile_context>
chip_gen: v7x
topology: tpu7x:2x2x1
jax: 0.10.2.dev20260603
libtpu: 0.0.44.dev20260713+nightly
codegen_flags: <defaults>
</compile_context>

<pallas_src>
import functools

import jax
import jax.numpy as jnp
from jax import lax
from jax.experimental import pallas as pl
from jax.experimental.pallas import tpu as pltpu
from jax.experimental.pallas import tpu_sc as plsc

NN = 10000
NE = 320000
ET = NE + NN
NPAD = 10112
DUMMY = NN
GROUP = 128
STAGE = 8
G1 = 168
G2 = 88
EP1 = 16 * G1 * GROUP
EP2 = 32 * G2 * GROUP
ROWS_PER_TILE = NPAD // 16
ZPAD = 2000
_BLK2 = 2000
_BLK = 1000


def _sc_mesh():
    return plsc.VectorSubcoreMesh(core_axis_name="c", subcore_axis_name="s",
                                  num_cores=2, num_subcores=16)


def _zero_acc_rows(acc, zbuf, r0):
    for t in range(ROWS_PER_TILE // GROUP):
        pltpu.sync_copy(zbuf, acc.at[pl.ds(r0 + t * GROUP, GROUP)])
    rem = ROWS_PER_TILE % GROUP
    if rem:
        base = r0 + (ROWS_PER_TILE // GROUP) * GROUP
        pltpu.sync_copy(zbuf.at[pl.ds(0, rem)], acc.at[pl.ds(base, rem)])


def _make_agg(n_table_rows, n_groups):

    @functools.partial(
        pl.kernel,
        out_type=jax.ShapeDtypeStruct((2, NPAD, 128), jnp.float32),
        mesh=_sc_mesh(),
        scratch_types=[
            pltpu.VMEM((STAGE, GROUP), jnp.int32),
            pltpu.VMEM((STAGE, GROUP), jnp.int32),
            pltpu.VMEM((GROUP, 128), jnp.float32),
            pltpu.VMEM((GROUP, 128), jnp.float32),
            pltpu.VMEM_SHARED((NPAD, 128), jnp.float32),
            pltpu.SemaphoreType.DMA,
            pltpu.SemaphoreType.DMA,
            pltpu.SemaphoreType.DMA,
            pltpu.SemaphoreType.DMA,
        ],
    )
    def agg(table_hbm, zeros_hbm, src_hbm, dst_hbm, out_hbm,
            src_v, dst_v, val0, val1, acc, gsem0, gsem1, ssem0, ssem1):
        c = lax.axis_index("c")
        s = lax.axis_index("s")
        r0 = s * ROWS_PER_TILE
        pltpu.sync_copy(zeros_hbm, val0)
        _zero_acc_rows(acc, val0, r0)
        plsc.subcore_barrier()
        vals = (val0, val1)
        gsems = (gsem0, gsem1)
        ssems = (ssem0, ssem1)

        def outer(o, carry):
            pltpu.sync_copy(src_hbm.at[c, s, o], src_v)
            pltpu.sync_copy(dst_hbm.at[c, s, o], dst_v)
            sd = [None] * STAGE
            for g in range(STAGE):
                b = g & 1
                if g >= 2:
                    sd[g - 2].wait()
                gd = pltpu.async_copy(table_hbm.at[src_v.at[g]], vals[b],
                                      gsems[b])
                gd.wait()
                sd[g] = pltpu.async_copy(vals[b], acc.at[dst_v.at[g]],
                                         ssems[b], add=True)
            sd[STAGE - 2].wait()
            sd[STAGE - 1].wait()
            return carry

        lax.fori_loop(0, n_groups // STAGE, outer, 0)
        plsc.subcore_barrier()
        pltpu.sync_copy(acc.at[pl.ds(r0, ROWS_PER_TILE)],
                        out_hbm.at[c].at[pl.ds(r0, ROWS_PER_TILE)])

    return agg


def _make_deg(n_groups):

    @functools.partial(
        pl.kernel,
        out_type=jax.ShapeDtypeStruct((2, NPAD, 128), jnp.float32),
        mesh=_sc_mesh(),
        scratch_types=[
            pltpu.VMEM((STAGE, GROUP), jnp.int32),
            pltpu.VMEM((GROUP, 128), jnp.float32),
            pltpu.VMEM((GROUP, 128), jnp.float32),
            pltpu.VMEM_SHARED((NPAD, 128), jnp.float32),
            pltpu.SemaphoreType.DMA,
        ],
    )
    def deg(ones_hbm, zeros_hbm, dst_hbm, out_hbm,
            dst_v, ones_v, zero_v, acc, ssem):
        c = lax.axis_index("c")
        s = lax.axis_index("s")
        r0 = s * ROWS_PER_TILE
        pltpu.sync_copy(zeros_hbm, zero_v)
        _zero_acc_rows(acc, zero_v, r0)
        pltpu.sync_copy(ones_hbm, ones_v)
        plsc.subcore_barrier()

        def outer(o, carry):
            pltpu.sync_copy(dst_hbm.at[c, s, o], dst_v)
            sd = [pltpu.async_copy(ones_v, acc.at[dst_v.at[g]], ssem,
                                   add=True)
                  for g in range(STAGE)]
            for d in sd:
                d.wait()
            return carry

        lax.fori_loop(0, n_groups // STAGE, outer, 0)
        plsc.subcore_barrier()
        pltpu.sync_copy(acc.at[pl.ds(r0, ROWS_PER_TILE)],
                        out_hbm.at[c].at[pl.ds(r0, ROWS_PER_TILE)])

    return deg


def _dis_of(deg_ref):
    return lax.rsqrt(jnp.maximum(deg_ref[:, 0:1], 1.0))


def _tc1_body(deg_ref, x_ref, w_ref, o_ref):
    i = pl.program_id(0)

    @pl.when(i < 10)
    def _():
        dis = _dis_of(deg_ref)
        o_ref[...] = jnp.dot(x_ref[...] * dis, w_ref[...],
                             preferred_element_type=jnp.float32)

    @pl.when(i >= 10)
    def _():
        o_ref[...] = jnp.zeros_like(o_ref)


def _tc2_body(deg_ref, a0_ref, a1_ref, b1_ref, w_ref, o_ref):
    i = pl.program_id(0)

    @pl.when(i < 5)
    def _():
        dis = _dis_of(deg_ref)
        h = jnp.concatenate([a0_ref[0], a1_ref[0]], axis=1) * dis + b1_ref[...]
        h = jnp.maximum(h, 0.0)
        o_ref[...] = jnp.dot(h, w_ref[...],
                             preferred_element_type=jnp.float32) * dis

    @pl.when(i >= 5)
    def _():
        o_ref[...] = jnp.zeros_like(o_ref)


def _tc3_body(deg_ref, a0_ref, a1_ref, b2_ref, w1_ref, c1_ref, w2_ref,
              c2_ref, o_ref):
    dis = _dis_of(deg_ref)
    h = jnp.maximum((a0_ref[0] + a1_ref[0]) * dis + b2_ref[...], 0.0)
    p = jnp.dot(h, w1_ref[...], preferred_element_type=jnp.float32) + c1_ref[...]
    p = jnp.where(p > 0.0, p, jnp.exp(p) - 1.0)
    o_ref[...] = jnp.dot(p, w2_ref[...],
                         preferred_element_type=jnp.float32) + c2_ref[...]


def _row_spec(cols):
    return pl.BlockSpec((_BLK, cols), lambda i: (i, 0))


def _full_spec(r, c):
    return pl.BlockSpec((r, c), lambda i: (0, 0))


def kernel(x, edge_index, W1, b1, W2, b2, Wfc1, bfc1, Wfc2, bfc2):
    i32 = jnp.int32
    f32 = jnp.float32
    loop = jnp.arange(NN, dtype=i32)
    src = jnp.concatenate([edge_index[0], loop])
    dst = jnp.concatenate([edge_index[1], loop])

    pid1 = jnp.arange(EP1 - ET, dtype=i32)
    real1 = jnp.stack([src, src + NN])
    pads1 = jnp.broadcast_to(2 * NN + (pid1 % ZPAD), (2, EP1 - ET))
    src1 = jnp.concatenate([real1, pads1], axis=1).reshape(
        2, 16, G1 // STAGE, STAGE, GROUP)
    dstp1 = jnp.concatenate([dst, pid1 % NPAD])
    dst1 = jnp.broadcast_to(dstp1, (2, EP1)).reshape(
        2, 16, G1 // STAGE, STAGE, GROUP)
    pid2 = jnp.arange(EP2 - ET, dtype=i32)
    srcp2 = jnp.concatenate([src, NN + (pid2 % ZPAD)])
    dstp2 = jnp.concatenate([dst, pid2 % NPAD])
    src2 = srcp2.reshape(2, 16, G2 // STAGE, STAGE, GROUP)
    dst2 = dstp2.reshape(2, 16, G2 // STAGE, STAGE, GROUP)
    dstd = jnp.concatenate([dst, NN + (pid2 % (NPAD - NN))]).reshape(
        2, 16, G2 // STAGE, STAGE, GROUP)

    zeros128 = jnp.zeros((GROUP, 128), f32)
    ones128 = jnp.ones((GROUP, 128), f32)

    degp = _make_deg(G2)(ones128, zeros128, dstd)
    degs = degp[0, :NN, :16] + degp[1, :NN, :16]

    table1 = pl.pallas_call(
        _tc1_body,
        grid=(11,),
        in_specs=[pl.BlockSpec((_BLK2, 16), lambda i: (i % 5, 0)),
                  pl.BlockSpec((_BLK2, 128), lambda i: (i % 5, 0)),
                  pl.BlockSpec((128, 128), lambda i: (0, (i // 5) % 2))],
        out_specs=pl.BlockSpec((_BLK2, 128), lambda i: (i, 0)),
        out_shape=jax.ShapeDtypeStruct((2 * NN + ZPAD, 128), f32),
    )(degs, x, W1)

    agg1 = _make_agg(2 * NN + ZPAD, G1)(table1, zeros128, src1, dst1)

    table2 = pl.pallas_call(
        _tc2_body,
        grid=(6,),
        in_specs=[pl.BlockSpec((_BLK2, 16), lambda i: (i % 5, 0)),
                  pl.BlockSpec((1, _BLK2, 128), lambda i: (0, i % 5, 0)),
                  pl.BlockSpec((1, _BLK2, 128), lambda i: (1, i % 5, 0)),
                  _full_spec(1, 256), _full_spec(256, 128)],
        out_specs=pl.BlockSpec((_BLK2, 128), lambda i: (i, 0)),
        out_shape=jax.ShapeDtypeStruct((NN + ZPAD, 128), f32),
    )(degs, agg1, agg1, b1.reshape(1, 256), W2)

    agg2 = _make_agg(NN + ZPAD, G2)(table2, zeros128, src2, dst2)

    out = pl.pallas_call(
        _tc3_body,
        grid=(NN // _BLK,),
        in_specs=[_row_spec(16),
                  pl.BlockSpec((1, _BLK, 128), lambda i: (0, i, 0)),
                  pl.BlockSpec((1, _BLK, 128), lambda i: (1, i, 0)),
                  _full_spec(1, 128),
                  _full_spec(128, 128), _full_spec(1, 128),
                  _full_spec(128, 128), _full_spec(1, 128)],
        out_specs=_row_spec(128),
        out_shape=jax.ShapeDtypeStruct((NN, 128), f32),
    )(degs, agg2, agg2, b2.reshape(1, 128), Wfc1, bfc1.reshape(1, 128),
      Wfc2, bfc2.reshape(1, 128))
    return out

# --- scband reference (transcript-rebuilt; emitter-appended) ---
"""Pipeline reference for scband-mvmodel-18554258718859 (READ-ONLY COPY).

The authoritative reference and input builder live on the scoring server;
editing this copy changes nothing except your own understanding.
"""

import jax, jax.numpy as jnp
import numpy as np

N = 10000
E = 320000
D_IN = 128
D_HID = 256
D_OUT = 128
D_PROJ = 128


def setup_inputs(seed: int = 0) -> dict:
    key = jax.random.key(seed)
    ks = jax.random.split(key, 12)
    x = jax.random.normal(ks[0], (N, D_IN), dtype=jnp.float32)
    edge_index = jax.random.randint(ks[1], (2, E), 0, N, dtype=jnp.int32)
    W1 = jax.random.normal(ks[2], (D_IN, D_HID), dtype=jnp.float32) * (1.0 / np.sqrt(D_IN))
    b1 = jnp.zeros((D_HID,), dtype=jnp.float32)
    W2 = jax.random.normal(ks[3], (D_HID, D_OUT), dtype=jnp.float32) * (1.0 / np.sqrt(D_HID))
    b2 = jnp.zeros((D_OUT,), dtype=jnp.float32)
    Wfc1 = jax.random.normal(ks[4], (D_OUT, D_PROJ), dtype=jnp.float32) * (1.0 / np.sqrt(D_OUT))
    bfc1 = jnp.zeros((D_PROJ,), dtype=jnp.float32)
    Wfc2 = jax.random.normal(ks[5], (D_PROJ, D_OUT), dtype=jnp.float32) * (1.0 / np.sqrt(D_PROJ))
    bfc2 = jnp.zeros((D_OUT,), dtype=jnp.float32)
    return {"x": x, "edge_index": edge_index, "W1": W1, "b1": b1, "W2": W2, "b2": b2,
            "Wfc1": Wfc1, "bfc1": bfc1, "Wfc2": Wfc2, "bfc2": bfc2}


def _gcn_conv(x, src, dst, W, b):
    # GCNConv: x' = D^{-1/2} (A + I) D^{-1/2} (x W) + b  (self-loops already in src/dst)
    xw = x @ W
    ones = jnp.ones(src.shape[0], dtype=x.dtype)
    deg = jax.ops.segment_sum(ones, dst, num_segments=N)
    dis = jax.lax.rsqrt(jnp.maximum(deg, 1.0))
    norm = dis[src] * dis[dst]
    msg = xw[src] * norm[:, None]
    out = jax.ops.segment_sum(msg, dst, num_segments=N)
    return out + b


def reference(x, edge_index, W1, b1, W2, b2, Wfc1, bfc1, Wfc2, bfc2):
    loop = jnp.arange(N, dtype=edge_index.dtype)
    src = jnp.concatenate([edge_index[0], loop])
    dst = jnp.concatenate([edge_index[1], loop])
    # Encoder with k=2: conv1 (d_in -> 2*out), conv2 (2*out -> out), ReLU activation
    h = jax.nn.relu(_gcn_conv(x, src, dst, W1, b1))
    h = jax.nn.relu(_gcn_conv(h, src, dst, W2, b2))
    # projection head: fc2(elu(fc1(z)))
    p = jax.nn.elu(h @ Wfc1 + bfc1)
    return p @ Wfc2 + bfc2

if __name__ == "__main__":
    import jax
    _d = setup_inputs()
    print(jax.jit(kernel)(*tuple(_d.values())))

</pallas_src>

<mosaic_0001>
#map = affine_map<(d0, d1) -> (0, 0)>
#map1 = affine_map<(d0, d1) -> (0, 0, 0, 0, 0)>
#map2 = affine_map<(d0, d1) -> (0, 0, 0)>
module attributes {stable_mosaic.version = 14 : i64} {
  func.func @deg(%arg0: i32, %arg1: i32, %arg2: memref<128x128xf32, #tpu.memory_space<hbm>>, %arg3: memref<128x128xf32, #tpu.memory_space<hbm>>, %arg4: memref<2x16x11x8x128xi32, #tpu.memory_space<hbm>>, %arg5: memref<2x10112x128xf32, #tpu.memory_space<hbm>>, %arg6: memref<8x128xi32, #tpu.memory_space<vmem>>, %arg7: memref<128x128xf32, #tpu.memory_space<vmem>>, %arg8: memref<128x128xf32, #tpu.memory_space<vmem>>, %arg9: memref<10112x128xf32, #tpu.memory_space<vmem_shared>>, %arg10: memref<!tpu.dma_semaphore, #tpu.memory_space<semaphore_mem>>) attributes {dimension_semantics = [#tpu.dimension_semantics<core_parallel>, #tpu.dimension_semantics<subcore_parallel>], iteration_bounds = array<i64: 2, 16>, scalar_prefetch = 0 : i64, scratch_operands = 5 : i64, tpu.core_type = #tpu.core_type<sc_vector_subcore>, window_params = [{transform_indices = #map}, {transform_indices = #map}, {transform_indices = #map1}, {transform_indices = #map2}]} {
    %mul3A = arith.constant 632 : i32
    %mul3A_0 = arith.muli %arg1, %mul3A : i32
    "tpu.region"() ({
      %run_scoped3A = tpu.sem_alloc : memref<!tpu.dma_semaphore, #tpu.memory_space<semaphore_mem>>
      tpu.enqueue_dma source(%arg3 : memref<128x128xf32, #tpu.memory_space<hbm>>) target(%arg8 : memref<128x128xf32, #tpu.memory_space<vmem>>) target_semaphore(%run_scoped3A : memref<!tpu.dma_semaphore, #tpu.memory_space<semaphore_mem>>)
      tpu.wait_dma2 semaphore(%run_scoped3A : memref<!tpu.dma_semaphore, #tpu.memory_space<semaphore_mem>>) src(%arg3 : memref<128x128xf32, #tpu.memory_space<hbm>>) dst(%arg8 : memref<128x128xf32, #tpu.memory_space<vmem>>)
      tpu.yield
    }) : () -> ()
    %add3A = arith.constant 0 : i32
    %add3A_1 = arith.addi %mul3A_0, %add3A : i32
    "tpu.region"() ({
      %run_scoped3A = tpu.sem_alloc : memref<!tpu.dma_semaphore, #tpu.memory_space<semaphore_mem>>
      %dma_start3A = arith.constant 0 : i32
      %dma_start3A_16 = tpu.memref_slice %arg9[%add3A_1, %dma_start3A] : memref<10112x128xf32, #tpu.memory_space<vmem_shared>> -> memref<128x128xf32, #tpu.memory_space<vmem_shared>>
      %dma_start3A_17 = arith.constant 0 : i32
      %dma_start3A_18 = tpu.memref_slice %arg9[%add3A_1, %dma_start3A_17] : memref<10112x128xf32, #tpu.memory_space<vmem_shared>> -> memref<128x128xf32, #tpu.memory_space<vmem_shared>>
      tpu.enqueue_dma source(%arg8 : memref<128x128xf32, #tpu.memory_space<vmem>>) target(%dma_start3A_18 : memref<128x128xf32, #tpu.memory_space<vmem_shared>>) target_semaphore(%run_scoped3A : memref<!tpu.dma_semaphore, #tpu.memory_space<semaphore_mem>>)
      %dma_wait3A = arith.constant 0 : i32
      %dma_wait3A_19 = tpu.memref_slice %arg9[%add3A_1, %dma_wait3A] : memref<10112x128xf32, #tpu.memory_space<vmem_shared>> -> memref<128x128xf32, #tpu.memory_space<vmem_shared>>
      %dma_wait3A_20 = arith.constant 0 : i32
      %dma_wait3A_21 = tpu.memref_slice %arg9[%add3A_1, %dma_wait3A_20] : memref<10112x128xf32, #tpu.memory_space<vmem_shared>> -> memref<128x128xf32, #tpu.memory_space<vmem_shared>>
      tpu.wait_dma2 semaphore(%run_scoped3A : memref<!tpu.dma_semaphore, #tpu.memory_space<semaphore_mem>>) src(%arg8 : memref<128x128xf32, #tpu.memory_space<vmem>>) dst(%dma_wait3A_21 : memref<128x128xf32, #tpu.memory_space<vmem_shared>>)
      tpu.yield
    }) : () -> ()
    %add3A_2 = arith.constant 128 : i32
    %add3A_3 = arith.addi %mul3A_0, %add3A_2 : i32
    "tpu.region"() ({
      %run_scoped3A = tpu.sem_alloc : memref<!tpu.dma_semaphore, #tpu.memory_space<semaphore_mem>>
      %dma_start3A = arith.constant 0 : i32
      %dma_start3A_16 = tpu.memref_slice %arg9[%add3A_3, %dma_start3A] : memref<10112x128xf32, #tpu.memory_space<vmem_shared>> -> memref<128x128xf32, #tpu.memory_space<vmem_shared>>
      %dma_start3A_17 = arith.constant 0 : i32
      %dma_start3A_18 = tpu.memref_slice %arg9[%add3A_3, %dma_start3A_17] : memref<10112x128xf32, #tpu.memory_space<vmem_shared>> -> memref<128x128xf32, #tpu.memory_space<vmem_shared>>
      tpu.enqueue_dma source(%arg8 : memref<128x128xf32, #tpu.memory_space<vmem>>) target(%dma_start3A_18 : memref<128x128xf32, #tpu.memory_space<vmem_shared>>) target_semaphore(%run_scoped3A : memref<!tpu.dma_semaphore, #tpu.memory_space<semaphore_mem>>)
      %dma_wait3A = arith.constant 0 : i32
      %dma_wait3A_19 = tpu.memref_slice %arg9[%add3A_3, %dma_wait3A] : memref<10112x128xf32, #tpu.memory_space<vmem_shared>> -> memref<128x128xf32, #tpu.memory_space<vmem_shared>>
      %dma_wait3A_20 = arith.constant 0 : i32
      %dma_wait3A_21 = tpu.memref_slice %arg9[%add3A_3, %dma_wait3A_20] : memref<10112x128xf32, #tpu.memory_space<vmem_shared>> -> memref<128x128xf32, #tpu.memory_space<vmem_shared>>
      tpu.wait_dma2 semaphore(%run_scoped3A : memref<!tpu.dma_semaphore, #tpu.memory_space<semaphore_mem>>) src(%arg8 : memref<128x128xf32, #tpu.memory_space<vmem>>) dst(%dma_wait3A_21 : memref<128x128xf32, #tpu.memory_space<vmem_shared>>)
      tpu.yield
    }) : () -> ()
    %add3A_4 = arith.constant 256 : i32
    %add3A_5 = arith.addi %mul3A_0, %add3A_4 : i32
    "tpu.region"() ({
      %run_scoped3A = tpu.sem_alloc : memref<!tpu.dma_semaphore, #tpu.memory_space<semaphore_mem>>
      %dma_start3A = arith.constant 0 : i32
      %dma_start3A_16 = tpu.memref_slice %arg9[%add3A_5, %dma_start3A] : memref<10112x128xf32, #tpu.memory_space<vmem_shared>> -> memref<128x128xf32, #tpu.memory_space<vmem_shared>>
      %dma_start3A_17 = arith.constant 0 : i32
      %dma_start3A_18 = tpu.memref_slice %arg9[%add3A_5, %dma_start3A_17] : memref<10112x128xf32, #tpu.memory_space<vmem_shared>> -> memref<128x128xf32, #tpu.memory_space<vmem_shared>>
      tpu.enqueue_dma source(%arg8 : memref<128x128xf32, #tpu.memory_space<vmem>>) target(%dma_start3A_18 : memref<128x128xf32, #tpu.memory_space<vmem_shared>>) target_semaphore(%run_scoped3A : memref<!tpu.dma_semaphore, #tpu.memory_space<semaphore_mem>>)
      %dma_wait3A = arith.constant 0 : i32
      %dma_wait3A_19 = tpu.memref_slice %arg9[%add3A_5, %dma_wait3A] : memref<10112x128xf32, #tpu.memory_space<vmem_shared>> -> memref<128x128xf32, #tpu.memory_space<vmem_shared>>
      %dma_wait3A_20 = arith.constant 0 : i32
      %dma_wait3A_21 = tpu.memref_slice %arg9[%add3A_5, %dma_wait3A_20] : memref<10112x128xf32, #tpu.memory_space<vmem_shared>> -> memref<128x128xf32, #tpu.memory_space<vmem_shared>>
      tpu.wait_dma2 semaphore(%run_scoped3A : memref<!tpu.dma_semaphore, #tpu.memory_space<semaphore_mem>>) src(%arg8 : memref<128x128xf32, #tpu.memory_space<vmem>>) dst(%dma_wait3A_21 : memref<128x128xf32, #tpu.memory_space<vmem_shared>>)
      tpu.yield
    }) : () -> ()
    %add3A_6 = arith.constant 384 : i32
    %add3A_7 = arith.addi %mul3A_0, %add3A_6 : i32
    "tpu.region"() ({
      %run_scoped3A = tpu.sem_alloc : memref<!tpu.dma_semaphore, #tpu.memory_space<semaphore_mem>>
      %dma_start3A = arith.constant 0 : i32
      %dma_start3A_16 = tpu.memref_slice %arg9[%add3A_7, %dma_start3A] : memref<10112x128xf32, #tpu.memory_space<vmem_shared>> -> memref<128x128xf32, #tpu.memory_space<vmem_shared>>
      %dma_start3A_17 = arith.constant 0 : i32
      %dma_start3A_18 = tpu.memref_slice %arg9[%add3A_7, %dma_start3A_17] : memref<10112x128xf32, #tpu.memory_space<vmem_shared>> -> memref<128x128xf32, #tpu.memory_space<vmem_shared>>
      tpu.enqueue_dma source(%arg8 : memref<128x128xf32, #tpu.memory_space<vmem>>) target(%dma_start3A_18 : memref<128x128xf32, #tpu.memory_space<vmem_shared>>) target_semaphore(%run_scoped3A : memref<!tpu.dma_semaphore, #tpu.memory_space<semaphore_mem>>)
      %dma_wait3A = arith.constant 0 : i32
      %dma_wait3A_19 = tpu.memref_slice %arg9[%add3A_7, %dma_wait3A] : memref<10112x128xf32, #tpu.memory_space<vmem_shared>> -> memref<128x128xf32, #tpu.memory_space<vmem_shared>>
      %dma_wait3A_20 = arith.constant 0 : i32
      %dma_wait3A_21 = tpu.memref_slice %arg9[%add3A_7, %dma_wait3A_20] : memref<10112x128xf32, #tpu.memory_space<vmem_shared>> -> memref<128x128xf32, #tpu.memory_space<vmem_shared>>
      tpu.wait_dma2 semaphore(%run_scoped3A : memref<!tpu.dma_semaphore, #tpu.memory_space<semaphore_mem>>) src(%arg8 : memref<128x128xf32, #tpu.memory_space<vmem>>) dst(%dma_wait3A_21 : memref<128x128xf32, #tpu.memory_space<vmem_shared>>)
      tpu.yield
    }) : () -> ()
    %add3A_8 = arith.constant 512 : i32
    %add3A_9 = arith.addi %mul3A_0, %add3A_8 : i32
    "tpu.region"() ({
      %run_scoped3A = tpu.sem_alloc : memref<!tpu.dma_semaphore, #tpu.memory_space<semaphore_mem>>
      %dma_start3A = arith.constant 0 : i32
      %dma_start3A_16 = arith.constant 0 : i32
      %dma_start3A_17 = tpu.memref_slice %arg8[%dma_start3A, %dma_start3A_16] : memref<128x128xf32, #tpu.memory_space<vmem>> -> memref<120x128xf32, #tpu.memory_space<vmem>>
      %dma_start3A_18 = arith.constant 0 : i32
      %dma_start3A_19 = tpu.memref_slice %arg9[%add3A_9, %dma_start3A_18] : memref<10112x128xf32, #tpu.memory_space<vmem_shared>> -> memref<120x128xf32, #tpu.memory_space<vmem_shared>>
      %dma_start3A_20 = arith.constant 0 : i32
      %dma_start3A_21 = tpu.memref_slice %arg9[%add3A_9, %dma_start3A_20] : memref<10112x128xf32, #tpu.memory_space<vmem_shared>> -> memref<120x128xf32, #tpu.memory_space<vmem_shared>>
      %dma_start3A_22 = arith.constant 0 : i32
      %dma_start3A_23 = arith.constant 0 : i32
      %dma_start3A_24 = tpu.memref_slice %arg8[%dma_start3A_22, %dma_start3A_23] : memref<128x128xf32, #tpu.memory_space<vmem>> -> memref<120x128xf32, #tpu.memory_space<vmem>>
      tpu.enqueue_dma source(%dma_start3A_24 : memref<120x128xf32, #tpu.memory_space<vmem>>) target(%dma_start3A_21 : memref<120x128xf32, #tpu.memory_space<vmem_shared>>) target_semaphore(%run_scoped3A : memref<!tpu.dma_semaphore, #tpu.memory_space<semaphore_mem>>)
      %dma_wait3A = arith.constant 0 : i32
      %dma_wait3A_25 = arith.constant 0 : i32
      %dma_wait3A_26 = tpu.memref_slice %arg8[%dma_wait3A, %dma_wait3A_25] : memref<128x128xf32, #tpu.memory_space<vmem>> -> memref<120x128xf32, #tpu.memory_space<vmem>>
      %dma_wait3A_27 = arith.constant 0 : i32
      %dma_wait3A_28 = tpu.memref_slice %arg9[%add3A_9, %dma_wait3A_27] : memref<10112x128xf32, #tpu.memory_space<vmem_shared>> -> memref<120x128xf32, #tpu.memory_space<vmem_shared>>
      %dma_wait3A_29 = arith.constant 0 : i32
      %dma_wait3A_30 = tpu.memref_slice %arg9[%add3A_9, %dma_wait3A_29] : memref<10112x128xf32, #tpu.memory_space<vmem_shared>> -> memref<120x128xf32, #tpu.memory_space<vmem_shared>>
      %dma_wait3A_31 = arith.constant 0 : i32
      %dma_wait3A_32 = arith.constant 0 : i32
      %dma_wait3A_33 = tpu.memref_slice %arg8[%dma_wait3A_31, %dma_wait3A_32] : memref<128x128xf32, #tpu.memory_space<vmem>> -> memref<120x128xf32, #tpu.memory_space<vmem>>
      tpu.wait_dma2 semaphore(%run_scoped3A : memref<!tpu.dma_semaphore, #tpu.memory_space<semaphore_mem>>) src(%dma_wait3A_33 : memref<120x128xf32, #tpu.memory_space<vmem>>) dst(%dma_wait3A_30 : memref<120x128xf32, #tpu.memory_space<vmem_shared>>)
      tpu.yield
    }) : () -> ()
    "tpu.region"() ({
      %run_scoped3A = tpu.sem_alloc : memref<!tpu.dma_semaphore, #tpu.memory_space<semaphore_mem>>
      tpu.enqueue_dma source(%arg2 : memref<128x128xf32, #tpu.memory_space<hbm>>) target(%arg7 : memref<128x128xf32, #tpu.memory_space<vmem>>) target_semaphore(%run_scoped3A : memref<!tpu.dma_semaphore, #tpu.memory_space<semaphore_mem>>)
      tpu.wait_dma2 semaphore(%run_scoped3A : memref<!tpu.dma_semaphore, #tpu.memory_space<semaphore_mem>>) src(%arg2 : memref<128x128xf32, #tpu.memory_space<hbm>>) dst(%arg7 : memref<128x128xf32, #tpu.memory_space<vmem>>)
      tpu.yield
    }) : () -> ()
    %barrier3A = arith.constant 0 : index
    tpu.barrier barrier_id(%barrier3A)
    %scan3A = arith.constant 0 : i32
    %scan3A_10 = arith.constant 0 : i32
    %scan3A_11 = arith.constant 11 : i32
    %scan3A_12 = arith.addi %scan3A_10, %scan3A_11 : i32
    %scan3A_13 = arith.constant 1 : i32
    scf.for %scan3A_16 = %scan3A_10 to %scan3A_12 step %scan3A_13  : i32 {
      "tpu.region"() ({
        %run_scoped3A = tpu.sem_alloc : memref<!tpu.dma_semaphore, #tpu.memory_space<semaphore_mem>>
        %dma_start3A_127 = arith.constant 0 : i32
        %dma_start3A_128 = arith.constant 0 : i32
        %dma_start3A_129 = tpu.memref_slice %arg4[%arg0, %arg1, %scan3A_16, %dma_start3A_127, %dma_start3A_128] : memref<2x16x11x8x128xi32, #tpu.memory_space<hbm>> -> memref<1x1x1x8x128xi32, #tpu.memory_space<hbm>>
        %dma_start3A_130 = tpu.memref_squeeze %dma_start3A_129 : memref<1x1x1x8x128xi32, #tpu.memory_space<hbm>> -> memref<8x128xi32, #tpu.memory_space<hbm>>
        %dma_start3A_131 = arith.constant 0 : i32
        %dma_start3A_132 = arith.constant 0 : i32
        %dma_start3A_133 = tpu.memref_slice %arg4[%arg0, %arg1, %scan3A_16, %dma_start3A_131, %dma_start3A_132] : memref<2x16x11x8x128xi32, #tpu.memory_space<hbm>> -> memref<1x1x1x8x128xi32, #tpu.memory_space<hbm>>
        %dma_start3A_134 = tpu.memref_squeeze %dma_start3A_133 : memref<1x1x1x8x128xi32, #tpu.memory_space<hbm>> -> memref<8x128xi32, #tpu.memory_space<hbm>>
        tpu.enqueue_dma source(%dma_start3A_134 : memref<8x128xi32, #tpu.memory_space<hbm>>) target(%arg6 : memref<8x128xi32, #tpu.memory_space<vmem>>) target_semaphore(%run_scoped3A : memref<!tpu.dma_semaphore, #tpu.memory_space<semaphore_mem>>)
        %dma_wait3A_135 = arith.constant 0 : i32
        %dma_wait3A_136 = arith.constant 0 : i32
        %dma_wait3A_137 = tpu.memref_slice %arg4[%arg0, %arg1, %scan3A_16, %dma_wait3A_135, %dma_wait3A_136] : memref<2x16x11x8x128xi32, #tpu.memory_space<hbm>> -> memref<1x1x1x8x128xi32, #tpu.memory_space<hbm>>
        %dma_wait3A_138 = tpu.memref_squeeze %dma_wait3A_137 : memref<1x1x1x8x128xi32, #tpu.memory_space<hbm>> -> memref<8x128xi32, #tpu.memory_space<hbm>>
        %dma_wait3A_139 = arith.constant 0 : i32
        %dma_wait3A_140 = arith.constant 0 : i32
        %dma_wait3A_141 = tpu.memref_slice %arg4[%arg0, %arg1, %scan3A_16, %dma_wait3A_139, %dma_wait3A_140] : memref<2x16x11x8x128xi32, #tpu.memory_space<hbm>> -> memref<1x1x1x8x128xi32, #tpu.memory_space<hbm>>
        %dma_wait3A_142 = tpu.memref_squeeze %dma_wait3A_141 : memref<1x1x1x8x128xi32, #tpu.memory_space<hbm>> -> memref<8x128xi32, #tpu.memory_space<hbm>>
        tpu.wait_dma2 semaphore(%run_scoped3A : memref<!tpu.dma_semaphore, #tpu.memory_space<semaphore_mem>>) src(%dma_wait3A_142 : memref<8x128xi32, #tpu.memory_space<hbm>>) dst(%arg6 : memref<8x128xi32, #tpu.memory_space<vmem>>)
        tpu.yield
      }) : () -> ()
      %dma_start3A = arith.constant 0 : i32
      %dma_start3A_17 = arith.constant 0 : i32
      %dma_start3A_18 = tpu.memref_slice %arg6[%dma_start3A, %dma_start3A_17] : memref<8x128xi32, #tpu.memory_space<vmem>> -> memref<1x128xi32, #tpu.memory_space<vmem>>
      %dma_start3A_19 = tpu.memref_squeeze %dma_start3A_18 : memref<1x128xi32, #tpu.memory_space<vmem>> -> memref<128xi32, #tpu.memory_space<vmem>>
      %dma_start3A_20 = arith.constant 0 : i32
      %dma_start3A_21 = arith.constant 0 : i32
      %dma_start3A_22 = tpu.memref_slice %arg9[%dma_start3A_20, %dma_start3A_21] : memref<10112x128xf32, #tpu.memory_space<vmem_shared>> -> memref<10112x128xf32, #tpu.memory_space<vmem_shared>>
      tpu.enqueue_indirect_dma source(%arg7 : memref<128x128xf32, #tpu.memory_space<vmem>>) target(%dma_start3A_22 : memref<10112x128xf32, #tpu.memory_space<vmem_shared>>) offsets(%dma_start3A_19 : memref<128xi32, #tpu.memory_space<vmem>>) semaphore(%arg10 : memref<!tpu.dma_semaphore, #tpu.memory_space<semaphore_mem>>) {add = true}
      %dma_start3A_23 = arith.constant 1 : i32
      %dma_start3A_24 = arith.constant 0 : i32
      %dma_start3A_25 = tpu.memref_slice %arg6[%dma_start3A_23, %dma_start3A_24] : memref<8x128xi32, #tpu.memory_space<vmem>> -> memref<1x128xi32, #tpu.memory_space<vmem>>
      %dma_start3A_26 = tpu.memref_squeeze %dma_start3A_25 : memref<1x128xi32, #tpu.memory_space<vmem>> -> memref<128xi32, #tpu.memory_space<vmem>>
      %dma_start3A_27 = arith.constant 0 : i32
      %dma_start3A_28 = arith.constant 0 : i32
      %dma_start3A_29 = tpu.memref_slice %arg9[%dma_start3A_27, %dma_start3A_28] : memref<10112x128xf32, #tpu.memory_space<vmem_shared>> -> memref<10112x128xf32, #tpu.memory_space<vmem_shared>>
      tpu.enqueue_indirect_dma source(%arg7 : memref<128x128xf32, #tpu.memory_space<vmem>>) target(%dma_start3A_29 : memref<10112x128xf32, #tpu.memory_space<vmem_shared>>) offsets(%dma_start3A_26 : memref<128xi32, #tpu.memory_space<vmem>>) semaphore(%arg10 : memref<!tpu.dma_semaphore, #tpu.memory_space<semaphore_mem>>) {add = true}
      %dma_start3A_30 = arith.constant 2 : i32
      %dma_start3A_31 = arith.constant 0 : i32
      %dma_start3A_32 = tpu.memref_slice %arg6[%dma_start3A_30, %dma_start3A_31] : memref<8x128xi32, #tpu.memory_space<vmem>> -> memref<1x128xi32, #tpu.memory_space<vmem>>
      %dma_start3A_33 = tpu.memref_squeeze %dma_start3A_32 : memref<1x128xi32, #tpu.memory_space<vmem>> -> memref<128xi32, #tpu.memory_space<vmem>>
      %dma_start3A_34 = arith.constant 0 : i32
      %dma_start3A_35 = arith.constant 0 : i32
      %dma_start3A_36 = tpu.memref_slice %arg9[%dma_start3A_34, %dma_start3A_35] : memref<10112x128xf32, #tpu.memory_space<vmem_shared>> -> memref<10112x128xf32, #tpu.memory_space<vmem_shared>>
      tpu.enqueue_indirect_dma source(%arg7 : memref<128x128xf32, #tpu.memory_space<vmem>>) target(%dma_start3A_36 : memref<10112x128xf32, #tpu.memory_space<vmem_shared>>) offsets(%dma_start3A_33 : memref<128xi32, #tpu.memory_space<vmem>>) semaphore(%arg10 : memref<!tpu.dma_semaphore, #tpu.memory_space<semaphore_mem>>) {add = true}
      %dma_start3A_37 = arith.constant 3 : i32
      %dma_start3A_38 = arith.constant 0 : i32
      %dma_start3A_39 = tpu.memref_slice %arg6[%dma_start3A_37, %dma_start3A_38] : memref<8x128xi32, #tpu.memory_space<vmem>> -> memref<1x128xi32, #tpu.memory_space<vmem>>
      %dma_start3A_40 = tpu.memref_squeeze %dma_start3A_39 : memref<1x128xi32, #tpu.memory_space<vmem>> -> memref<128xi32, #tpu.memory_space<vmem>>
      %dma_start3A_41 = arith.constant 0 : i32
      %dma_start3A_42 = arith.constant 0 : i32
      %dma_start3A_43 = tpu.memref_slice %arg9[%dma_start3A_41, %dma_start3A_42] : memref<10112x128xf32, #tpu.memory_space<vmem_shared>> -> memref<10112x128xf32, #tpu.memory_space<vmem_shared>>
      tpu.enqueue_indirect_dma source(%arg7 : memref<128x128xf32, #tpu.memory_space<vmem>>) target(%dma_start3A_43 : memref<10112x128xf32, #tpu.memory_space<vmem_shared>>) offsets(%dma_start3A_40 : memref<128xi32, #tpu.memory_space<vmem>>) semaphore(%arg10 : memref<!tpu.dma_semaphore, #tpu.memory_space<semaphore_mem>>) {add = true}
      %dma_start3A_44 = arith.constant 4 : i32
      %dma_start3A_45 = arith.constant 0 : i32
      %dma_start3A_46 = tpu.memref_slice %arg6[%dma_start3A_44, %dma_start3A_45] : memref<8x128xi32, #tpu.memory_space<vmem>> -> memref<1x128xi32, #tpu.memory_space<vmem>>
      %dma_start3A_47 = tpu.memref_squeeze %dma_start3A_46 : memref<1x128xi32, #tpu.memory_space<vmem>> -> memref<128xi32, #tpu.memory_space<vmem>>
      %dma_start3A_48 = arith.constant 0 : i32
      %dma_start3A_49 = arith.constant 0 : i32
      %dma_start3A_50 = tpu.memref_slice %arg9[%dma_start3A_48, %dma_start3A_49] : memref<10112x128xf32, #tpu.memory_space<vmem_shared>> -> memref<10112x128xf32, #tpu.memory_space<vmem_shared>>
      tpu.enqueue_indirect_dma source(%arg7 : memref<128x128xf32, #tpu.memory_space<vmem>>) target(%dma_start3A_50 : memref<10112x128xf32, #tpu.memory_space<vmem_shared>>) offsets(%dma_start3A_47 : memref<128xi32, #tpu.memory_space<vmem>>) semaphore(%arg10 : memref<!tpu.dma_semaphore, #tpu.memory_space<semaphore_mem>>) {add = true}
      %dma_start3A_51 = arith.constant 5 : i32
      %dma_start3A_52 = arith.constant 0 : i32
      %dma_start3A_53 = tpu.memref_slice %arg6[%dma_start3A_51, %dma_start3A_52] : memref<8x128xi32, #tpu.memory_space<vmem>> -> memref<1x128xi32, #tpu.memory_space<vmem>>
      %dma_start3A_54 = tpu.memref_squeeze %dma_start3A_53 : memref<1x128xi32, #tpu.memory_space<vmem>> -> memref<128xi32, #tpu.memory_space<vmem>>
      %dma_start3A_55 = arith.constant 0 : i32
      %dma_start3A_56 = arith.constant 0 : i32
      %dma_start3A_57 = tpu.memref_slice %arg9[%dma_start3A_55, %dma_start3A_56] : memref<10112x128xf32, #tpu.memory_space<vmem_shared>> -> memref<10112x128xf32, #tpu.memory_space<vmem_shared>>
      tpu.enqueue_indirect_dma source(%arg7 : memref<128x128xf32, #tpu.memory_space<vmem>>) target(%dma_start3A_57 : memref<10112x128xf32, #tpu.memory_space<vmem_shared>>) offsets(%dma_start3A_54 : memref<128xi32, #tpu.memory_space<vmem>>) semaphore(%arg10 : memref<!tpu.dma_semaphore, #tpu.memory_space<semaphore_mem>>) {add = true}
      %dma_start3A_58 = arith.constant 6 : i32
      %dma_start3A_59 = arith.constant 0 : i32
      %dma_start3A_60 = tpu.memref_slice %arg6[%dma_start3A_58, %dma_start3A_59] : memref<8x128xi32, #tpu.memory_space<vmem>> -> memref<1x128xi32, #tpu.memory_space<vmem>>
      %dma_start3A_61 = tpu.memref_squeeze %dma_start3A_60 : memref<1x128xi32, #tpu.memory_space<vmem>> -> memref<128xi32, #tpu.memory_space<vmem>>
      %dma_start3A_62 = arith.constant 0 : i32
      %dma_start3A_63 = arith.constant 0 : i32
      %dma_start3A_64 = tpu.memref_slice %arg9[%dma_start3A_62, %dma_start3A_63] : memref<10112x128xf32, #tpu.memory_space<vmem_shared>> -> memref<10112x128xf32, #tpu.memory_space<vmem_shared>>
      tpu.enqueue_indirect_dma source(%arg7 : memref<128x128xf32, #tpu.memory_space<vmem>>) target(%dma_start3A_64 : memref<10112x128xf32, #tpu.memory_space<vmem_shared>>) offsets(%dma_start3A_61 : memref<128xi32, #tpu.memory_space<vmem>>) semaphore(%arg10 : memref<!tpu.dma_semaphore, #tpu.memory_space<semaphore_mem>>) {add = true}
      %dma_start3A_65 = arith.constant 7 : i32
      %dma_start3A_66 = arith.constant 0 : i32
      %dma_start3A_67 = tpu.memref_slice %arg6[%dma_start3A_65, %dma_start3A_66] : memref<8x128xi32, #tpu.memory_space<vmem>> -> memref<1x128xi32, #tpu.memory_space<vmem>>
      %dma_start3A_68 = tpu.memref_squeeze %dma_start3A_67 : memref<1x128xi32, #tpu.memory_space<vmem>> -> memref<128xi32, #tpu.memory_space<vmem>>
      %dma_start3A_69 = arith.constant 0 : i32
      %dma_start3A_70 = arith.constant 0 : i32
      %dma_start3A_71 = tpu.memref_slice %arg9[%dma_start3A_69, %dma_start3A_70] : memref<10112x128xf32, #tpu.memory_space<vmem_shared>> -> memref<10112x128xf32, #tpu.memory_space<vmem_shared>>
      tpu.enqueue_indirect_dma source(%arg7 : memref<128x128xf32, #tpu.memory_space<vmem>>) target(%dma_start3A_71 : memref<10112x128xf32, #tpu.memory_space<vmem_shared>>) offsets(%dma_start3A_68 : memref<128xi32, #tpu.memory_space<vmem>>) semaphore(%arg10 : memref<!tpu.dma_semaphore, #tpu.memory_space<semaphore_mem>>) {add = true}
      %dma_wait3A = arith.constant 0 : i32
      %dma_wait3A_72 = arith.constant 0 : i32
      %dma_wait3A_73 = tpu.memref_slice %arg6[%dma_wait3A, %dma_wait3A_72] : memref<8x128xi32, #tpu.memory_space<vmem>> -> memref<1x128xi32, #tpu.memory_space<vmem>>
      %dma_wait3A_74 = tpu.memref_squeeze %dma_wait3A_73 : memref<1x128xi32, #tpu.memory_space<vmem>> -> memref<128xi32, #tpu.memory_space<vmem>>
      %dma_wait3A_75 = arith.constant 0 : i32
      %dma_wait3A_76 = arith.constant 0 : i32
      %dma_wait3A_77 = tpu.memref_slice %arg9[%dma_wait3A_75, %dma_wait3A_76] : memref<10112x128xf32, #tpu.memory_space<vmem_shared>> -> memref<10112x128xf32, #tpu.memory_space<vmem_shared>>
      tpu.wait_indirect_dma semaphore(%arg10 : memref<!tpu.dma_semaphore, #tpu.memory_space<semaphore_mem>>) src(%arg7 : memref<128x128xf32, #tpu.memory_space<vmem>>) dst(%dma_wait3A_77 : memref<10112x128xf32, #tpu.memory_space<vmem_shared>>)
      %dma_wait3A_78 = arith.constant 1 : i32
      %dma_wait3A_79 = arith.constant 0 : i32
      %dma_wait3A_80 = tpu.memref_slice %arg6[%dma_wait3A_78, %dma_wait3A_79] : memref<8x128xi32, #tpu.memory_space<vmem>> -> memref<1x128xi32, #tpu.memory_space<vmem>>
      %dma_wait3A_81 = tpu.memref_squeeze %dma_wait3A_80 : memref<1x128xi32, #tpu.memory_space<vmem>> -> memref<128xi32, #tpu.memory_space<vmem>>
      %dma_wait3A_82 = arith.constant 0 : i32
      %dma_wait3A_83 = arith.constant 0 : i32
      %dma_wait3A_84 = tpu.memref_slice %arg9[%dma_wait3A_82, %dma_wait3A_83] : memref<10112x128xf32, #tpu.memory_space<vmem_shared>> -> memref<10112x128xf32, #tpu.memory_space<vmem_shared>>
      tpu.wait_indirect_dma semaphore(%arg10 : memref<!tpu.dma_semaphore, #tpu.memory_space<semaphore_mem>>) src(%arg7 : memref<128x128xf32, #tpu.memory_space<vmem>>) dst(%dma_wait3A_84 : memref<10112x128xf32, #tpu.memory_space<vmem_shared>>)
      %dma_wait3A_85 = arith.constant 2 : i32
      %dma_wait3A_86 = arith.constant 0 : i32
      %dma_wait3A_87 = tpu.memref_slice %arg6[%dma_wait3A_85, %dma_wait3A_86] : memref<8x128xi32, #tpu.memory_space<vmem>> -> memref<1x128xi32, #tpu.memory_space<vmem>>
      %dma_wait3A_88 = tpu.memref_squeeze %dma_wait3A_87 : memref<1x128xi32, #tpu.memory_space<vmem>> -> memref<128xi32, #tpu.memory_space<vmem>>
      %dma_wait3A_89 = arith.constant 0 : i32
      %dma_wait3A_90 = arith.constant 0 : i32
      %dma_wait3A_91 = tpu.memref_slice %arg9[%dma_wait3A_89, %dma_wait3A_90] : memref<10112x128xf32, #tpu.memory_space<vmem_shared>> -> memref<10112x128xf32, #tpu.memory_space<vmem_shared>>
      tpu.wait_indirect_dma semaphore(%arg10 : memref<!tpu.dma_semaphore, #tpu.memory_space<semaphore_mem>>) src(%arg7 : memref<128x128xf32, #tpu.memory_space<vmem>>) dst(%dma_wait3A_91 : memref<10112x128xf32, #tpu.memory_space<vmem_shared>>)
      %dma_wait3A_92 = arith.constant 3 : i32
      %dma_wait3A_93 = arith.constant 0 : i32
      %dma_wait3A_94 = tpu.memref_slice %arg6[%dma_wait3A_92, %dma_wait3A_93] : memref<8x128xi32, #tpu.memory_space<vmem>> -> memref<1x128xi32, #tpu.memory_space<vmem>>
      %dma_wait3A_95 = tpu.memref_squeeze %dma_wait3A_94 : memref<1x128xi32, #tpu.memory_space<vmem>> -> memref<128xi32, #tpu.memory_space<vmem>>
      %dma_wait3A_96 = arith.constant 0 : i32
      %dma_wait3A_97 = arith.constant 0 : i32
      %dma_wait3A_98 = tpu.memref_slice %arg9[%dma_wait3A_96, %dma_wait3A_97] : memref<10112x128xf32, #tpu.memory_space<vmem_shared>> -> memref<10112x128xf32, #tpu.memory_space<vmem_shared>>
      tpu.wait_indirect_dma semaphore(%arg10 : memref<!tpu.dma_semaphore, #tpu.memory_space<semaphore_mem>>) src(%arg7 : memref<128x128xf32, #tpu.memory_space<vmem>>) dst(%dma_wait3A_98 : memref<10112x128xf32, #tpu.memory_space<vmem_shared>>)
      %dma_wait3A_99 = arith.constant 4 : i32
      %dma_wait3A_100 = arith.constant 0 : i32
      %dma_wait3A_101 = tpu.memref_slice %arg6[%dma_wait3A_99, %dma_wait3A_100] : memref<8x128xi32, #tpu.memory_space<vmem>> -> memref<1x128xi32, #tpu.memory_space<vmem>>
      %dma_wait3A_102 = tpu.memref_squeeze %dma_wait3A_101 : memref<1x128xi32, #tpu.memory_space<vmem>> -> memref<128xi32, #tpu.memory_space<vmem>>
      %dma_wait3A_103 = arith.constant 0 : i32
      %dma_wait3A_104 = arith.constant 0 : i32
      %dma_wait3A_105 = tpu.memref_slice %arg9[%dma_wait3A_103, %dma_wait3A_104] : memref<10112x128xf32, #tpu.memory_space<vmem_shared>> -> memref<10112x128xf32, #tpu.memory_space<vmem_shared>>
      tpu.wait_indirect_dma semaphore(%arg10 : memref<!tpu.dma_semaphore, #tpu.memory_space<semaphore_mem>>) src(%arg7 : memref<128x128xf32, #tpu.memory_space<vmem>>) dst(%dma_wait3A_105 : memref<10112x128xf32, #tpu.memory_space<vmem_shared>>)
      %dma_wait3A_106 = arith.constant 5 : i32
      %dma_wait3A_107 = arith.constant 0 : i32
      %dma_wait3A_108 = tpu.memref_slice %arg6[%dma_wait3A_106, %dma_wait3A_107] : memref<8x128xi32, #tpu.memory_space<vmem>> -> memref<1x128xi32, #tpu.memory_space<vmem>>
      %dma_wait3A_109 = tpu.memref_squeeze %dma_wait3A_108 : memref<1x128xi32, #tpu.memory_space<vmem>> -> memref<128xi32, #tpu.memory_space<vmem>>
      %dma_wait3A_110 = arith.constant 0 : i32
      %dma_wait3A_111 = arith.constant 0 : i32
      %dma_wait3A_112 = tpu.memref_slice %arg9[%dma_wait3A_110, %dma_wait3A_111] : memref<10112x128xf32, #tpu.memory_space<vmem_shared>> -> memref<10112x128xf32, #tpu.memory_space<vmem_shared>>
      tpu.wait_indirect_dma semaphore(%arg10 : memref<!tpu.dma_semaphore, #tpu.memory_space<semaphore_mem>>) src(%arg7 : memref<128x128xf32, #tpu.memory_space<vmem>>) dst(%dma_wait3A_112 : memref<10112x128xf32, #tpu.memory_space<vmem_shared>>)
      %dma_wait3A_113 = arith.constant 6 : i32
      %dma_wait3A_114 = arith.constant 0 : i32
      %dma_wait3A_115 = tpu.memref_slice %arg6[%dma_wait3A_113, %dma_wait3A_114] : memref<8x128xi32, #tpu.memory_space<vmem>> -> memref<1x128xi32, #tpu.memory_space<vmem>>
      %dma_wait3A_116 = tpu.memref_squeeze %dma_wait3A_115 : memref<1x128xi32, #tpu.memory_space<vmem>> -> memref<128xi32, #tpu.memory_space<vmem>>
      %dma_wait3A_117 = arith.constant 0 : i32
      %dma_wait3A_118 = arith.constant 0 : i32
      %dma_wait3A_119 = tpu.memref_slice %arg9[%dma_wait3A_117, %dma_wait3A_118] : memref<10112x128xf32, #tpu.memory_space<vmem_shared>> -> memref<10112x128xf32, #tpu.memory_space<vmem_shared>>
      tpu.wait_indirect_dma semaphore(%arg10 : memref<!tpu.dma_semaphore, #tpu.memory_space<semaphore_mem>>) src(%arg7 : memref<128x128xf32, #tpu.memory_space<vmem>>) dst(%dma_wait3A_119 : memref<10112x128xf32, #tpu.memory_space<vmem_shared>>)
      %dma_wait3A_120 = arith.constant 7 : i32
      %dma_wait3A_121 = arith.constant 0 : i32
      %dma_wait3A_122 = tpu.memref_slice %arg6[%dma_wait3A_120, %dma_wait3A_121] : memref<8x128xi32, #tpu.memory_space<vmem>> -> memref<1x128xi32, #tpu.memory_space<vmem>>
      %dma_wait3A_123 = tpu.memref_squeeze %dma_wait3A_122 : memref<1x128xi32, #tpu.memory_space<vmem>> -> memref<128xi32, #tpu.memory_space<vmem>>
      %dma_wait3A_124 = arith.constant 0 : i32
      %dma_wait3A_125 = arith.constant 0 : i32
      %dma_wait3A_126 = tpu.memref_slice %arg9[%dma_wait3A_124, %dma_wait3A_125] : memref<10112x128xf32, #tpu.memory_space<vmem_shared>> -> memref<10112x128xf32, #tpu.memory_space<vmem_shared>>
      tpu.wait_indirect_dma semaphore(%arg10 : memref<!tpu.dma_semaphore, #tpu.memory_space<semaphore_mem>>) src(%arg7 : memref<128x128xf32, #tpu.memory_space<vmem>>) dst(%dma_wait3A_126 : memref<10112x128xf32, #tpu.memory_space<vmem_shared>>)
    }
    %scan3A_14 = arith.constant 11 : i32
    %barrier3A_15 = arith.constant 0 : index
    tpu.barrier barrier_id(%barrier3A_15)
    "tpu.region"() ({
      %run_scoped3A = tpu.sem_alloc : memref<!tpu.dma_semaphore, #tpu.memory_space<semaphore_mem>>
      %dma_start3A = arith.constant 0 : i32
      %dma_start3A_16 = arith.constant 0 : i32
      %dma_start3A_17 = tpu.memref_slice %arg5[%arg0, %dma_start3A, %dma_start3A_16] : memref<2x10112x128xf32, #tpu.memory_space<hbm>> -> memref<1x10112x128xf32, #tpu.memory_space<hbm>>
      %dma_start3A_18 = tpu.memref_squeeze %dma_start3A_17 : memref<1x10112x128xf32, #tpu.memory_space<hbm>> -> memref<10112x128xf32, #tpu.memory_space<hbm>>
      %dma_start3A_19 = arith.constant 0 : i32
      %dma_start3A_20 = tpu.memref_slice %dma_start3A_18[%mul3A_0, %dma_start3A_19] : memref<10112x128xf32, #tpu.memory_space<hbm>> -> memref<632x128xf32, #tpu.memory_space<hbm>>
      %dma_start3A_21 = arith.constant 0 : i32
      %dma_start3A_22 = tpu.memref_slice %arg9[%mul3A_0, %dma_start3A_21] : memref<10112x128xf32, #tpu.memory_space<vmem_shared>> -> memref<632x128xf32, #tpu.memory_space<vmem_shared>>
      tpu.enqueue_dma source(%dma_start3A_22 : memref<632x128xf32, #tpu.memory_space<vmem_shared>>) target(%dma_start3A_20 : memref<632x128xf32, #tpu.memory_space<hbm>>) target_semaphore(%run_scoped3A : memref<!tpu.dma_semaphore, #tpu.memory_space<semaphore_mem>>)
      %dma_wait3A = arith.constant 0 : i32
      %dma_wait3A_23 = arith.constant 0 : i32
      %dma_wait3A_24 = tpu.memref_slice %arg5[%arg0, %dma_wait3A, %dma_wait3A_23] : memref<2x10112x128xf32, #tpu.memory_space<hbm>> -> memref<1x10112x128xf32, #tpu.memory_space<hbm>>
      %dma_wait3A_25 = tpu.memref_squeeze %dma_wait3A_24 : memref<1x10112x128xf32, #tpu.memory_space<hbm>> -> memref<10112x128xf32, #tpu.memory_space<hbm>>
      %dma_wait3A_26 = arith.constant 0 : i32
      %dma_wait3A_27 = tpu.memref_slice %dma_wait3A_25[%mul3A_0, %dma_wait3A_26] : memref<10112x128xf32, #tpu.memory_space<hbm>> -> memref<632x128xf32, #tpu.memory_space<hbm>>
      %dma_wait3A_28 = arith.constant 0 : i32
      %dma_wait3A_29 = tpu.memref_slice %arg9[%mul3A_0, %dma_wait3A_28] : memref<10112x128xf32, #tpu.memory_space<vmem_shared>> -> memref<632x128xf32, #tpu.memory_space<vmem_shared>>
      tpu.wait_dma2 semaphore(%run_scoped3A : memref<!tpu.dma_semaphore, #tpu.memory_space<semaphore_mem>>) src(%dma_wait3A_29 : memref<632x128xf32, #tpu.memory_space<vmem_shared>>) dst(%dma_wait3A_27 : memref<632x128xf32, #tpu.memory_space<hbm>>)
      tpu.yield
    }) : () -> ()
    return
  }
}

#map = affine_map<(d0, d1) -> (0, 0)>
#map1 = affine_map<(d0, d1) -> (0, 0, 0, 0, 0)>
#map2 = affine_map<(d0, d1) -> (0, 0, 0)>
module attributes {stable_mosaic.version = 14 : i64} {
  func.func @agg(%arg0: i32, %arg1: i32, %arg2: memref<12000x128xf32, #tpu.memory_space<hbm>>, %arg3: memref<128x128xf32, #tpu.memory_space<hbm>>, %arg4: memref<2x16x11x8x128xi32, #tpu.memory_space<hbm>>, %arg5: memref<2x16x11x8x128xi32, #tpu.memory_space<hbm>>, %arg6: memref<2x10112x128xf32, #tpu.memory_space<hbm>>, %arg7: memref<8x128xi32, #tpu.memory_space<vmem>>, %arg8: memref<8x128xi32, #tpu.memory_space<vmem>>, %arg9: memref<128x128xf32, #tpu.memory_space<vmem>>, %arg10: memref<128x128xf32, #tpu.memory_space<vmem>>, %arg11: memref<10112x128xf32, #tpu.memory_space<vmem_shared>>, %arg12: memref<!tpu.dma_semaphore, #tpu.memory_space<semaphore_mem>>, %arg13: memref<!tpu.dma_semaphore, #tpu.memory_space<semaphore_mem>>, %arg14: memref<!tpu.dma_semaphore, #tpu.memory_space<semaphore_mem>>, %arg15: memref<!tpu.dma_semaphore, #tpu.memory_space<semaphore_mem>>) attributes {dimension_semantics = [#tpu.dimension_semantics<core_parallel>, #tpu.dimension_semantics<subcore_parallel>], iteration_bounds = array<i64: 2, 16>, scalar_prefetch = 0 : i64, scratch_operands = 9 : i64, tpu.core_type = #tpu.core_type<sc_vector_subcore>, window_params = [{transform_indices = #map}, {transform_indices = #map}, {transform_indices = #map1}, {transform_indices = #map1}, {transform_indices = #map2}]} {
    %mul3A = arith.constant 632 : i32
    %mul3A_0 = arith.muli %arg1, %mul3A : i32
    "tpu.region"() ({
      %run_scoped3A = tpu.sem_alloc : memref<!tpu.dma_semaphore, #tpu.memory_space<semaphore_mem>>
      tpu.enqueue_dma source(%arg3 : memref<128x128xf32, #tpu.memory_space<hbm>>) target(%arg9 : memref<128x128xf32, #tpu.memory_space<vmem>>) target_semaphore(%run_scoped3A : memref<!tpu.dma_semaphore, #tpu.memory_space<semaphore_mem>>)
      tpu.wait_dma2 semaphore(%run_scoped3A : memref<!tpu.dma_semaphore, #tpu.memory_space<semaphore_mem>>) src(%arg3 : memref<128x128xf32, #tpu.memory_space<hbm>>) dst(%arg9 : memref<128x128xf32, #tpu.memory_space<vmem>>)
      tpu.yield
    }) : () -> ()
    %add3A = arith.constant 0 : i32
    %add3A_1 = arith.addi %mul3A_0, %add3A : i32
    "tpu.region"() ({
      %run_scoped3A = tpu.sem_alloc : memref<!tpu.dma_semaphore, #tpu.memory_space<semaphore_mem>>
      %dma_start3A = arith.constant 0 : i32
      %dma_start3A_16 = tpu.memref_slice %arg11[%add3A_1, %dma_start3A] : memref<10112x128xf32, #tpu.memory_space<vmem_shared>> -> memref<128x128xf32, #tpu.memory_space<vmem_shared>>
      %dma_start3A_17 = arith.constant 0 : i32
      %dma_start3A_18 = tpu.memref_slice %arg11[%add3A_1, %dma_start3A_17] : memref<10112x128xf32, #tpu.memory_space<vmem_shared>> -> memref<128x128xf32, #tpu.memory_space<vmem_shared>>
      tpu.enqueue_dma source(%arg9 : memref<128x128xf32, #tpu.memory_space<vmem>>) target(%dma_start3A_18 : memref<128x128xf32, #tpu.memory_space<vmem_shared>>) target_semaphore(%run_scoped3A : memref<!tpu.dma_semaphore, #tpu.memory_space<semaphore_mem>>)
      %dma_wait3A = arith.constant 0 : i32
      %dma_wait3A_19 = tpu.memref_slice %arg11[%add3A_1, %dma_wait3A] : memref<10112x128xf32, #tpu.memory_space<vmem_shared>> -> memref<128x128xf32, #tpu.memory_space<vmem_shared>>
      %dma_wait3A_20 = arith.constant 0 : i32
      %dma_wait3A_21 = tpu.memref_slice %arg11[%add3A_1, %dma_wait3A_20] : memref<10112x128xf32, #tpu.memory_space<vmem_shared>> -> memref<128x128xf32, #tpu.memory_space<vmem_shared>>
      tpu.wait_dma2 semaphore(%run_scoped3A : memref<!tpu.dma_semaphore, #tpu.memory_space<semaphore_mem>>) src(%arg9 : memref<128x128xf32, #tpu.memory_space<vmem>>) dst(%dma_wait3A_21 : memref<128x128xf32, #tpu.memory_space<vmem_shared>>)
      tpu.yield
    }) : () -> ()
    %add3A_2 = arith.constant 128 : i32
    %add3A_3 = arith.addi %mul3A_0, %add3A_2 : i32
    "tpu.region"() ({
      %run_scoped3A = tpu.sem_alloc : memref<!tpu.dma_semaphore, #tpu.memory_space<semaphore_mem>>
      %dma_start3A = arith.constant 0 : i32
      %dma_start3A_16 = tpu.memref_slice %arg11[%add3A_3, %dma_start3A] : memref<10112x128xf32, #tpu.memory_space<vmem_shared>> -> memref<128x128xf32, #tpu.memory_space<vmem_shared>>
      %dma_start3A_17 = arith.constant 0 : i32
      %dma_start3A_18 = tpu.memref_slice %arg11[%add3A_3, %dma_start3A_17] : memref<10112x128xf32, #tpu.memory_space<vmem_shared>> -> memref<128x128xf32, #tpu.memory_space<vmem_shared>>
      tpu.enqueue_dma source(%arg9 : memref<128x128xf32, #tpu.memory_space<vmem>>) target(%dma_start3A_18 : memref<128x128xf32, #tpu.memory_space<vmem_shared>>) target_semaphore(%run_scoped3A : memref<!tpu.dma_semaphore, #tpu.memory_space<semaphore_mem>>)
      %dma_wait3A = arith.constant 0 : i32
      %dma_wait3A_19 = tpu.memref_slice %arg11[%add3A_3, %dma_wait3A] : memref<10112x128xf32, #tpu.memory_space<vmem_shared>> -> memref<128x128xf32, #tpu.memory_space<vmem_shared>>
      %dma_wait3A_20 = arith.constant 0 : i32
      %dma_wait3A_21 = tpu.memref_slice %arg11[%add3A_3, %dma_wait3A_20] : memref<10112x128xf32, #tpu.memory_space<vmem_shared>> -> memref<128x128xf32, #tpu.memory_space<vmem_shared>>
      tpu.wait_dma2 semaphore(%run_scoped3A : memref<!tpu.dma_semaphore, #tpu.memory_space<semaphore_mem>>) src(%arg9 : memref<128x128xf32, #tpu.memory_space<vmem>>) dst(%dma_wait3A_21 : memref<128x128xf32, #tpu.memory_space<vmem_shared>>)
      tpu.yield
    }) : () -> ()
    %add3A_4 = arith.constant 256 : i32
    %add3A_5 = arith.addi %mul3A_0, %add3A_4 : i32
    "tpu.region"() ({
      %run_scoped3A = tpu.sem_alloc : memref<!tpu.dma_semaphore, #tpu.memory_space<semaphore_mem>>
      %dma_start3A = arith.constant 0 : i32
      %dma_start3A_16 = tpu.memref_slice %arg11[%add3A_5, %dma_start3A] : memref<10112x128xf32, #tpu.memory_space<vmem_shared>> -> memref<128x128xf32, #tpu.memory_space<vmem_shared>>
      %dma_start3A_17 = arith.constant 0 : i32
      %dma_start3A_18 = tpu.memref_slice %arg11[%add3A_5, %dma_start3A_17] : memref<10112x128xf32, #tpu.memory_space<vmem_shared>> -> memref<128x128xf32, #tpu.memory_space<vmem_shared>>
      tpu.enqueue_dma source(%arg9 : memref<128x128xf32, #tpu.memory_space<vmem>>) target(%dma_start3A_18 : memref<128x128xf32, #tpu.memory_space<vmem_shared>>) target_semaphore(%run_scoped3A : memref<!tpu.dma_semaphore, #tpu.memory_space<semaphore_mem>>)
      %dma_wait3A = arith.constant 0 : i32
      %dma_wait3A_19 = tpu.memref_slice %arg11[%add3A_5, %dma_wait3A] : memref<10112x128xf32, #tpu.memory_space<vmem_shared>> -> memref<128x128xf32, #tpu.memory_space<vmem_shared>>
      %dma_wait3A_20 = arith.constant 0 : i32
      %dma_wait3A_21 = tpu.memref_slice %arg11[%add3A_5, %dma_wait3A_20] : memref<10112x128xf32, #tpu.memory_space<vmem_shared>> -> memref<128x128xf32, #tpu.memory_space<vmem_shared>>
      tpu.wait_dma2 semaphore(%run_scoped3A : memref<!tpu.dma_semaphore, #tpu.memory_space<semaphore_mem>>) src(%arg9 : memref<128x128xf32, #tpu.memory_space<vmem>>) dst(%dma_wait3A_21 : memref<128x128xf32, #tpu.memory_space<vmem_shared>>)
      tpu.yield
    }) : () -> ()
    %add3A_6 = arith.constant 384 : i32
    %add3A_7 = arith.addi %mul3A_0, %add3A_6 : i32
    "tpu.region"() ({
      %run_scoped3A = tpu.sem_alloc : memref<!tpu.dma_semaphore, #tpu.memory_space<semaphore_mem>>
      %dma_start3A = arith.constant 0 : i32
      %dma_start3A_16 = tpu.memref_slice %arg11[%add3A_7, %dma_start3A] : memref<10112x128xf32, #tpu.memory_space<vmem_shared>> -> memref<128x128xf32, #tpu.memory_space<vmem_shared>>
      %dma_start3A_17 = arith.constant 0 : i32
      %dma_start3A_18 = tpu.memref_slice %arg11[%add3A_7, %dma_start3A_17] : memref<10112x128xf32, #tpu.memory_space<vmem_shared>> -> memref<128x128xf32, #tpu.memory_space<vmem_shared>>
      tpu.enqueue_dma source(%arg9 : memref<128x128xf32, #tpu.memory_space<vmem>>) target(%dma_start3A_18 : memref<128x128xf32, #tpu.memory_space<vmem_shared>>) target_semaphore(%run_scoped3A : memref<!tpu.dma_semaphore, #tpu.memory_space<semaphore_mem>>)
      %dma_wait3A = arith.constant 0 : i32
      %dma_wait3A_19 = tpu.memref_slice %arg11[%add3A_7, %dma_wait3A] : memref<10112x128xf32, #tpu.memory_space<vmem_shared>> -> memref<128x128xf32, #tpu.memory_space<vmem_shared>>
      %dma_wait3A_20 = arith.constant 0 : i32
      %dma_wait3A_21 = tpu.memref_slice %arg11[%add3A_7, %dma_wait3A_20] : memref<10112x128xf32, #tpu.memory_space<vmem_shared>> -> memref<128x128xf32, #tpu.memory_space<vmem_shared>>
      tpu.wait_dma2 semaphore(%run_scoped3A : memref<!tpu.dma_semaphore, #tpu.memory_space<semaphore_mem>>) src(%arg9 : memref<128x128xf32, #tpu.memory_space<vmem>>) dst(%dma_wait3A_21 : memref<128x128xf32, #tpu.memory_space<vmem_shared>>)
      tpu.yield
    }) : () -> ()
    %add3A_8 = arith.constant 512 : i32
    %add3A_9 = arith.addi %mul3A_0, %add3A_8 : i32
    "tpu.region"() ({
      %run_scoped3A = tpu.sem_alloc : memref<!tpu.dma_semaphore, #tpu.memory_space<semaphore_mem>>
      %dma_start3A = arith.constant 0 : i32
      %dma_start3A_16 = arith.constant 0 : i32
      %dma_start3A_17 = tpu.memref_slice %arg9[%dma_start3A, %dma_start3A_16] : memref<128x128xf32, #tpu.memory_space<vmem>> -> memref<120x128xf32, #tpu.memory_space<vmem>>
      %dma_start3A_18 = arith.constant 0 : i32
      %dma_start3A_19 = tpu.memref_slice %arg11[%add3A_9, %dma_start3A_18] : memref<10112x128xf32, #tpu.memory_space<vmem_shared>> -> memref<120x128xf32, #tpu.memory_space<vmem_shared>>
      %dma_start3A_20 = arith.constant 0 : i32
      %dma_start3A_21 = tpu.memref_slice %arg11[%add3A_9, %dma_start3A_20] : memref<10112x128xf32, #tpu.memory_space<vmem_shared>> -> memref<120x128xf32, #tpu.memory_space<vmem_shared>>
      %dma_start3A_22 = arith.constant 0 : i32
      %dma_start3A_23 = arith.constant 0 : i32
      %dma_start3A_24 = tpu.memref_slice %arg9[%dma_start3A_22, %dma_start3A_23] : memref<128x128xf32, #tpu.memory_space<vmem>> -> memref<120x128xf32, #tpu.memory_space<vmem>>
      tpu.enqueue_dma source(%dma_start3A_24 : memref<120x128xf32, #tpu.memory_space<vmem>>) target(%dma_start3A_21 : memref<120x128xf32, #tpu.memory_space<vmem_shared>>) target_semaphore(%run_scoped3A : memref<!tpu.dma_semaphore, #tpu.memory_space<semaphore_mem>>)
      %dma_wait3A = arith.constant 0 : i32
      %dma_wait3A_25 = arith.constant 0 : i32
      %dma_wait3A_26 = tpu.memref_slice %arg9[%dma_wait3A, %dma_wait3A_25] : memref<128x128xf32, #tpu.memory_space<vmem>> -> memref<120x128xf32, #tpu.memory_space<vmem>>
      %dma_wait3A_27 = arith.constant 0 : i32
      %dma_wait3A_28 = tpu.memref_slice %arg11[%add3A_9, %dma_wait3A_27] : memref<10112x128xf32, #tpu.memory_space<vmem_shared>> -> memref<120x128xf32, #tpu.memory_space<vmem_shared>>
      %dma_wait3A_29 = arith.constant 0 : i32
      %dma_wait3A_30 = tpu.memref_slice %arg11[%add3A_9, %dma_wait3A_29] : memref<10112x128xf32, #tpu.memory_space<vmem_shared>> -> memref<120x128xf32, #tpu.memory_space<vmem_shared>>
      %dma_wait3A_31 = arith.constant 0 : i32
      %dma_wait3A_32 = arith.constant 0 : i32
      %dma_wait3A_33 = tpu.memref_slice %arg9[%dma_wait3A_31, %dma_wait3A_32] : memref<128x128xf32, #tpu.memory_space<vmem>> -> memref<120x128xf32, #tpu.memory_space<vmem>>
      tpu.wait_dma2 semaphore(%run_scoped3A : memref<!tpu.dma_semaphore, #tpu.memory_space<semaphore_mem>>) src(%dma_wait3A_33 : memref<120x128xf32, #tpu.memory_space<vmem>>) dst(%dma_wait3A_30 : memref<120x128xf32, #tpu.memory_space<vmem_shared>>)
      tpu.yield
    }) : () -> ()
    %barrier3A = arith.constant 0 : index
    tpu.barrier barrier_id(%barrier3A)
    %scan3A = arith.constant 0 : i32
    %scan3A_10 = arith.constant 0 : i32
    %scan3A_11 = arith.constant 11 : i32
    %scan3A_12 = arith.addi %scan3A_10, %scan3A_11 : i32
    %scan3A_13 = arith.constant 1 : i32
    scf.for %scan3A_16 = %scan3A_10 to %scan3A_12 step %scan3A_13  : i32 {
      "tpu.region"() ({
        %run_scoped3A = tpu.sem_alloc : memref<!tpu.dma_semaphore, #tpu.memory_space<semaphore_mem>>
        %dma_start3A_239 = arith.constant 0 : i32
        %dma_start3A_240 = arith.constant 0 : i32
        %dma_start3A_241 = tpu.memref_slice %arg4[%arg0, %arg1, %scan3A_16, %dma_start3A_239, %dma_start3A_240] : memref<2x16x11x8x128xi32, #tpu.memory_space<hbm>> -> memref<1x1x1x8x128xi32, #tpu.memory_space<hbm>>
        %dma_start3A_242 = tpu.memref_squeeze %dma_start3A_241 : memref<1x1x1x8x128xi32, #tpu.memory_space<hbm>> -> memref<8x128xi32, #tpu.memory_space<hbm>>
        %dma_start3A_243 = arith.constant 0 : i32
        %dma_start3A_244 = arith.constant 0 : i32
        %dma_start3A_245 = tpu.memref_slice %arg4[%arg0, %arg1, %scan3A_16, %dma_start3A_243, %dma_start3A_244] : memref<2x16x11x8x128xi32, #tpu.memory_space<hbm>> -> memref<1x1x1x8x128xi32, #tpu.memory_space<hbm>>
        %dma_start3A_246 = tpu.memref_squeeze %dma_start3A_245 : memref<1x1x1x8x128xi32, #tpu.memory_space<hbm>> -> memref<8x128xi32, #tpu.memory_space<hbm>>
        tpu.enqueue_dma source(%dma_start3A_246 : memref<8x128xi32, #tpu.memory_space<hbm>>) target(%arg7 : memref<8x128xi32, #tpu.memory_space<vmem>>) target_semaphore(%run_scoped3A : memref<!tpu.dma_semaphore, #tpu.memory_space<semaphore_mem>>)
        %dma_wait3A_247 = arith.constant 0 : i32
        %dma_wait3A_248 = arith.constant 0 : i32
        %dma_wait3A_249 = tpu.memref_slice %arg4[%arg0, %arg1, %scan3A_16, %dma_wait3A_247, %dma_wait3A_248] : memref<2x16x11x8x128xi32, #tpu.memory_space<hbm>> -> memref<1x1x1x8x128xi32, #tpu.memory_space<hbm>>
        %dma_wait3A_250 = tpu.memref_squeeze %dma_wait3A_249 : memref<1x1x1x8x128xi32, #tpu.memory_space<hbm>> -> memref<8x128xi32, #tpu.memory_space<hbm>>
        %dma_wait3A_251 = arith.constant 0 : i32
        %dma_wait3A_252 = arith.constant 0 : i32
        %dma_wait3A_253 = tpu.memref_slice %arg4[%arg0, %arg1, %scan3A_16, %dma_wait3A_251, %dma_wait3A_252] : memref<2x16x11x8x128xi32, #tpu.memory_space<hbm>> -> memref<1x1x1x8x128xi32, #tpu.memory_space<hbm>>
        %dma_wait3A_254 = tpu.memref_squeeze %dma_wait3A_253 : memref<1x1x1x8x128xi32, #tpu.memory_space<hbm>> -> memref<8x128xi32, #tpu.memory_space<hbm>>
        tpu.wait_dma2 semaphore(%run_scoped3A : memref<!tpu.dma_semaphore, #tpu.memory_space<semaphore_mem>>) src(%dma_wait3A_254 : memref<8x128xi32, #tpu.memory_space<hbm>>) dst(%arg7 : memref<8x128xi32, #tpu.memory_space<vmem>>)
        tpu.yield
      }) : () -> ()
      "tpu.region"() ({
        %run_scoped3A = tpu.sem_alloc : memref<!tpu.dma_semaphore, #tpu.memory_space<semaphore_mem>>
        %dma_start3A_239 = arith.constant 0 : i32
        %dma_start3A_240 = arith.constant 0 : i32
        %dma_start3A_241 = tpu.memref_slice %arg5[%arg0, %arg1, %scan3A_16, %dma_start3A_239, %dma_start3A_240] : memref<2x16x11x8x128xi32, #tpu.memory_space<hbm>> -> memref<1x1x1x8x128xi32, #tpu.memory_space<hbm>>
        %dma_start3A_242 = tpu.memref_squeeze %dma_start3A_241 : memref<1x1x1x8x128xi32, #tpu.memory_space<hbm>> -> memref<8x128xi32, #tpu.memory_space<hbm>>
        %dma_start3A_243 = arith.constant 0 : i32
        %dma_start3A_244 = arith.constant 0 : i32
        %dma_start3A_245 = tpu.memref_slice %arg5[%arg0, %arg1, %scan3A_16, %dma_start3A_243, %dma_start3A_244] : memref<2x16x11x8x128xi32, #tpu.memory_space<hbm>> -> memref<1x1x1x8x128xi32, #tpu.memory_space<hbm>>
        %dma_start3A_246 = tpu.memref_squeeze %dma_start3A_245 : memref<1x1x1x8x128xi32, #tpu.memory_space<hbm>> -> memref<8x128xi32, #tpu.memory_space<hbm>>
        tpu.enqueue_dma source(%dma_start3A_246 : memref<8x128xi32, #tpu.memory_space<hbm>>) target(%arg8 : memref<8x128xi32, #tpu.memory_space<vmem>>) target_semaphore(%run_scoped3A : memref<!tpu.dma_semaphore, #tpu.memory_space<semaphore_mem>>)
        %dma_wait3A_247 = arith.constant 0 : i32
        %dma_wait3A_248 = arith.constant 0 : i32
        %dma_wait3A_249 = tpu.memref_slice %arg5[%arg0, %arg1, %scan3A_16, %dma_wait3A_247, %dma_wait3A_248] : memref<2x16x11x8x128xi32, #tpu.memory_space<hbm>> -> memref<1x1x1x8x128xi32, #tpu.memory_space<hbm>>
        %dma_wait3A_250 = tpu.memref_squeeze %dma_wait3A_249 : memref<1x1x1x8x128xi32, #tpu.memory_space<hbm>> -> memref<8x128xi32, #tpu.memory_space<hbm>>
        %dma_wait3A_251 = arith.constant 0 : i32
        %dma_wait3A_252 = arith.constant 0 : i32
        %dma_wait3A_253 = tpu.memref_slice %arg5[%arg0, %arg1, %scan3A_16, %dma_wait3A_251, %dma_wait3A_252] : memref<2x16x11x8x128xi32, #tpu.memory_space<hbm>> -> memref<1x1x1x8x128xi32, #tpu.memory_space<hbm>>
        %dma_wait3A_254 = tpu.memref_squeeze %dma_wait3A_253 : memref<1x1x1x8x128xi32, #tpu.memory_space<hbm>> -> memref<8x128xi32, #tpu.memory_space<hbm>>
        tpu.wait_dma2 semaphore(%run_scoped3A : memref<!tpu.dma_semaphore, #tpu.memory_space<semaphore_mem>>) src(%dma_wait3A_254 : memref<8x128xi32, #tpu.memory_space<hbm>>) dst(%arg8 : memref<8x128xi32, #tpu.memory_space<vmem>>)
        tpu.yield
      }) : () -> ()
      %dma_start3A = arith.constant 0 : i32
      %dma_start3A_17 = arith.constant 0 : i32
      %dma_start3A_18 = tpu.memref_slice %arg7[%dma_start3A, %dma_start3A_17] : memref<8x128xi32, #tpu.memory_space<vmem>> -> memref<1x128xi32, #tpu.memory_space<vmem>>
      %dma_start3A_19 = tpu.memref_squeeze %dma_start3A_18 : memref<1x128xi32, #tpu.memory_space<vmem>> -> memref<128xi32, #tpu.memory_space<vmem>>
      %dma_start3A_20 = arith.constant 0 : i32
      %dma_start3A_21 = arith.constant 0 : i32
      %dma_start3A_22 = tpu.memref_slice %arg2[%dma_start3A_20, %dma_start3A_21] : memref<12000x128xf32, #tpu.memory_space<hbm>> -> memref<12000x128xf32, #tpu.memory_space<hbm>>
      tpu.enqueue_indirect_dma source(%dma_start3A_22 : memref<12000x128xf32, #tpu.memory_space<hbm>>) target(%arg9 : memref<128x128xf32, #tpu.memory_space<vmem>>) offsets(%dma_start3A_19 : memref<128xi32, #tpu.memory_space<vmem>>) semaphore(%arg12 : memref<!tpu.dma_semaphore, #tpu.memory_space<semaphore_mem>>)
      %dma_wait3A = arith.constant 0 : i32
      %dma_wait3A_23 = arith.constant 0 : i32
      %dma_wait3A_24 = tpu.memref_slice %arg7[%dma_wait3A, %dma_wait3A_23] : memref<8x128xi32, #tpu.memory_space<vmem>> -> memref<1x128xi32, #tpu.memory_space<vmem>>
      %dma_wait3A_25 = tpu.memref_squeeze %dma_wait3A_24 : memref<1x128xi32, #tpu.memory_space<vmem>> -> memref<128xi32, #tpu.memory_space<vmem>>
      %dma_wait3A_26 = arith.constant 0 : i32
      %dma_wait3A_27 = arith.constant 0 : i32
      %dma_wait3A_28 = tpu.memref_slice %arg2[%dma_wait3A_26, %dma_wait3A_27] : memref<12000x128xf32, #tpu.memory_space<hbm>> -> memref<12000x128xf32, #tpu.memory_space<hbm>>
      tpu.wait_indirect_dma semaphore(%arg12 : memref<!tpu.dma_semaphore, #tpu.memory_space<semaphore_mem>>) src(%dma_wait3A_28 : memref<12000x128xf32, #tpu.memory_space<hbm>>) dst(%arg9 : memref<128x128xf32, #tpu.memory_space<vmem>>)
      %dma_start3A_29 = arith.constant 0 : i32
      %dma_start3A_30 = arith.constant 0 : i32
      %dma_start3A_31 = tpu.memref_slice %arg8[%dma_start3A_29, %dma_start3A_30] : memref<8x128xi32, #tpu.memory_space<vmem>> -> memref<1x128xi32, #tpu.memory_space<vmem>>
      %dma_start3A_32 = tpu.memref_squeeze %dma_start3A_31 : memref<1x128xi32, #tpu.memory_space<vmem>> -> memref<128xi32, #tpu.memory_space<vmem>>
      %dma_start3A_33 = arith.constant 0 : i32
      %dma_start3A_34 = arith.constant 0 : i32
      %dma_start3A_35 = tpu.memref_slice %arg11[%dma_start3A_33, %dma_start3A_34] : memref<10112x128xf32, #tpu.memory_space<vmem_shared>> -> memref<10112x128xf32, #tpu.memory_space<vmem_shared>>
      tpu.enqueue_indirect_dma source(%arg9 : memref<128x128xf32, #tpu.memory_space<vmem>>) target(%dma_start3A_35 : memref<10112x128xf32, #tpu.memory_space<vmem_shared>>) offsets(%dma_start3A_32 : memref<128xi32, #tpu.memory_space<vmem>>) semaphore(%arg14 : memref<!tpu.dma_semaphore, #tpu.memory_space<semaphore_mem>>) {add = true}
      %dma_start3A_36 = arith.constant 1 : i32
      %dma_start3A_37 = arith.constant 0 : i32
      %dma_start3A_38 = tpu.memref_slice %arg7[%dma_start3A_36, %dma_start3A_37] : memref<8x128xi32, #tpu.memory_space<vmem>> -> memref<1x128xi32, #tpu.memory_space<vmem>>
      %dma_start3A_39 = tpu.memref_squeeze %dma_start3A_38 : memref<1x128xi32, #tpu.memory_space<vmem>> -> memref<128xi32, #tpu.memory_space<vmem>>
      %dma_start3A_40 = arith.constant 0 : i32
      %dma_start3A_41 = arith.constant 0 : i32
      %dma_start3A_42 = tpu.memref_slice %arg2[%dma_start3A_40, %dma_start3A_41] : memref<12000x128xf32, #tpu.memory_space<hbm>> -> memref<12000x128xf32, #tpu.memory_space<hbm>>
      tpu.enqueue_indirect_dma source(%dma_start3A_42 : memref<12000x128xf32, #tpu.memory_space<hbm>>) target(%arg10 : memref<128x128xf32, #tpu.memory_space<vmem>>) offsets(%dma_start3A_39 : memref<128xi32, #tpu.memory_space<vmem>>) semaphore(%arg13 : memref<!tpu.dma_semaphore, #tpu.memory_space<semaphore_mem>>)
      %dma_wait3A_43 = arith.constant 1 : i32
      %dma_wait3A_44 = arith.constant 0 : i32
      %dma_wait3A_45 = tpu.memref_slice %arg7[%dma_wait3A_43, %dma_wait3A_44] : memref<8x128xi32, #tpu.memory_space<vmem>> -> memref<1x128xi32, #tpu.memory_space<vmem>>
      %dma_wait3A_46 = tpu.memref_squeeze %dma_wait3A_45 : memref<1x128xi32, #tpu.memory_space<vmem>> -> memref<128xi32, #tpu.memory_space<vmem>>
      %dma_wait3A_47 = arith.constant 0 : i32
      %dma_wait3A_48 = arith.constant 0 : i32
      %dma_wait3A_49 = tpu.memref_slice %arg2[%dma_wait3A_47, %dma_wait3A_48] : memref<12000x128xf32, #tpu.memory_space<hbm>> -> memref<12000x128xf32, #tpu.memory_space<hbm>>
      tpu.wait_indirect_dma semaphore(%arg13 : memref<!tpu.dma_semaphore, #tpu.memory_space<semaphore_mem>>) src(%dma_wait3A_49 : memref<12000x128xf32, #tpu.memory_space<hbm>>) dst(%arg10 : memref<128x128xf32, #tpu.memory_space<vmem>>)
      %dma_start3A_50 = arith.constant 1 : i32
      %dma_start3A_51 = arith.constant 0 : i32
      %dma_start3A_52 = tpu.memref_slice %arg8[%dma_start3A_50, %dma_start3A_51] : memref<8x128xi32, #tpu.memory_space<vmem>> -> memref<1x128xi32, #tpu.memory_space<vmem>>
      %dma_start3A_53 = tpu.memref_squeeze %dma_start3A_52 : memref<1x128xi32, #tpu.memory_space<vmem>> -> memref<128xi32, #tpu.memory_space<vmem>>
      %dma_start3A_54 = arith.constant 0 : i32
      %dma_start3A_55 = arith.constant 0 : i32
      %dma_start3A_56 = tpu.memref_slice %arg11[%dma_start3A_54, %dma_start3A_55] : memref<10112x128xf32, #tpu.memory_space<vmem_shared>> -> memref<10112x128xf32, #tpu.memory_space<vmem_shared>>
      tpu.enqueue_indirect_dma source(%arg10 : memref<128x128xf32, #tpu.memory_space<vmem>>) target(%dma_start3A_56 : memref<10112x128xf32, #tpu.memory_space<vmem_shared>>) offsets(%dma_start3A_53 : memref<128xi32, #tpu.memory_space<vmem>>) semaphore(%arg15 : memref<!tpu.dma_semaphore, #tpu.memory_space<semaphore_mem>>) {add = true}
      %dma_wait3A_57 = arith.constant 0 : i32
      %dma_wait3A_58 = arith.constant 0 : i32
      %dma_wait3A_59 = tpu.memref_slice %arg8[%dma_wait3A_57, %dma_wait3A_58] : memref<8x128xi32, #tpu.memory_space<vmem>> -> memref<1x128xi32, #tpu.memory_space<vmem>>
      %dma_wait3A_60 = tpu.memref_squeeze %dma_wait3A_59 : memref<1x128xi32, #tpu.memory_space<vmem>> -> memref<128xi32, #tpu.memory_space<vmem>>
      %dma_wait3A_61 = arith.constant 0 : i32
      %dma_wait3A_62 = arith.constant 0 : i32
      %dma_wait3A_63 = tpu.memref_slice %arg11[%dma_wait3A_61, %dma_wait3A_62] : memref<10112x128xf32, #tpu.memory_space<vmem_shared>> -> memref<10112x128xf32, #tpu.memory_space<vmem_shared>>
      tpu.wait_indirect_dma semaphore(%arg14 : memref<!tpu.dma_semaphore, #tpu.memory_space<semaphore_mem>>) src(%arg9 : memref<128x128xf32, #tpu.memory_space<vmem>>) dst(%dma_wait3A_63 : memref<10112x128xf32, #tpu.memory_space<vmem_shared>>)
      %dma_start3A_64 = arith.constant 2 : i32
      %dma_start3A_65 = arith.constant 0 : i32
      %dma_start3A_66 = tpu.memref_slice %arg7[%dma_start3A_64, %dma_start3A_65] : memref<8x128xi32, #tpu.memory_space<vmem>> -> memref<1x128xi32, #tpu.memory_space<vmem>>
      %dma_start3A_67 = tpu.memref_squeeze %dma_start3A_66 : memref<1x128xi32, #tpu.memory_space<vmem>> -> memref<128xi32, #tpu.memory_space<vmem>>
      %dma_start3A_68 = arith.constant 0 : i32
      %dma_start3A_69 = arith.constant 0 : i32
      %dma_start3A_70 = tpu.memref_slice %arg2[%dma_start3A_68, %dma_start3A_69] : memref<12000x128xf32, #tpu.memory_space<hbm>> -> memref<12000x128xf32, #tpu.memory_space<hbm>>
      tpu.enqueue_indirect_dma source(%dma_start3A_70 : memref<12000x128xf32, #tpu.memory_space<hbm>>) target(%arg9 : memref<128x128xf32, #tpu.memory_space<vmem>>) offsets(%dma_start3A_67 : memref<128xi32, #tpu.memory_space<vmem>>) semaphore(%arg12 : memref<!tpu.dma_semaphore, #tpu.memory_space<semaphore_mem>>)
      %dma_wait3A_71 = arith.constant 2 : i32
      %dma_wait3A_72 = arith.constant 0 : i32
      %dma_wait3A_73 = tpu.memref_slice %arg7[%dma_wait3A_71, %dma_wait3A_72] : memref<8x128xi32, #tpu.memory_space<vmem>> -> memref<1x128xi32, #tpu.memory_space<vmem>>
      %dma_wait3A_74 = tpu.memref_squeeze %dma_wait3A_73 : memref<1x128xi32, #tpu.memory_space<vmem>> -> memref<128xi32, #tpu.memory_space<vmem>>
      %dma_wait3A_75 = arith.constant 0 : i32
      %dma_wait3A_76 = arith.constant 0 : i32
      %dma_wait3A_77 = tpu.memref_slice %arg2[%dma_wait3A_75, %dma_wait3A_76] : memref<12000x128xf32, #tpu.memory_space<hbm>> -> memref<12000x128xf32, #tpu.memory_space<hbm>>
      tpu.wait_indirect_dma semaphore(%arg12 : memref<!tpu.dma_semaphore, #tpu.memory_space<semaphore_mem>>) src(%dma_wait3A_77 : memref<12000x128xf32, #tpu.memory_space<hbm>>) dst(%arg9 : memref<128x128xf32, #tpu.memory_space<vmem>>)
      %dma_start3A_78 = arith.constant 2 : i32
      %dma_start3A_79 = arith.constant 0 : i32
      %dma_start3A_80 = tpu.memref_slice %arg8[%dma_start3A_78, %dma_start3A_79] : memref<8x128xi32, #tpu.memory_space<vmem>> -> memref<1x128xi32, #tpu.memory_space<vmem>>
      %dma_start3A_81 = tpu.memref_squeeze %dma_start3A_80 : memref<1x128xi32, #tpu.memory_space<vmem>> -> memref<128xi32, #tpu.memory_space<vmem>>
      %dma_start3A_82 = arith.constant 0 : i32
      %dma_start3A_83 = arith.constant 0 : i32
      %dma_start3A_84 = tpu.memref_slice %arg11[%dma_start3A_82, %dma_start3A_83] : memref<10112x128xf32, #tpu.memory_space<vmem_shared>> -> memref<10112x128xf32, #tpu.memory_space<vmem_shared>>
      tpu.enqueue_indirect_dma source(%arg9 : memref<128x128xf32, #tpu.memory_space<vmem>>) target(%dma_start3A_84 : memref<10112x128xf32, #tpu.memory_space<vmem_shared>>) offsets(%dma_start3A_81 : memref<128xi32, #tpu.memory_space<vmem>>) semaphore(%arg14 : memref<!tpu.dma_semaphore, #tpu.memory_space<semaphore_mem>>) {add = true}
      %dma_wait3A_85 = arith.constant 1 : i32
      %dma_wait3A_86 = arith.constant 0 : i32
      %dma_wait3A_87 = tpu.memref_slice %arg8[%dma_wait3A_85, %dma_wait3A_86] : memref<8x128xi32, #tpu.memory_space<vmem>> -> memref<1x128xi32, #tpu.memory_space<vmem>>
      %dma_wait3A_88 = tpu.memref_squeeze %dma_wait3A_87 : memref<1x128xi32, #tpu.memory_space<vmem>> -> memref<128xi32, #tpu.memory_space<vmem>>
      %dma_wait3A_89 = arith.constant 0 : i32
      %dma_wait3A_90 = arith.constant 0 : i32
      %dma_wait3A_91 = tpu.memref_slice %arg11[%dma_wait3A_89, %dma_wait3A_90] : memref<10112x128xf32, #tpu.memory_space<vmem_shared>> -> memref<10112x128xf32, #tpu.memory_space<vmem_shared>>
      tpu.wait_indirect_dma semaphore(%arg15 : memref<!tpu.dma_semaphore, #tpu.memory_space<semaphore_mem>>) src(%arg10 : memref<128x128xf32, #tpu.memory_space<vmem>>) dst(%dma_wait3A_91 : memref<10112x128xf32, #tpu.memory_space<vmem_shared>>)
      %dma_start3A_92 = arith.constant 3 : i32
      %dma_start3A_93 = arith.constant 0 : i32
      %dma_start3A_94 = tpu.memref_slice %arg7[%dma_start3A_92, %dma_start3A_93] : memref<8x128xi32, #tpu.memory_space<vmem>> -> memref<1x128xi32, #tpu.memory_space<vmem>>
      %dma_start3A_95 = tpu.memref_squeeze %dma_start3A_94 : memref<1x128xi32, #tpu.memory_space<vmem>> -> memref<128xi32, #tpu.memory_space<vmem>>
      %dma_start3A_96 = arith.constant 0 : i32
      %dma_start3A_97 = arith.constant 0 : i32
      %dma_start3A_98 = tpu.memref_slice %arg2[%dma_start3A_96, %dma_start3A_97] : memref<12000x128xf32, #tpu.memory_space<hbm>> -> memref<12000x128xf32, #tpu.memory_space<hbm>>
      tpu.enqueue_indirect_dma source(%dma_start3A_98 : memref<12000x128xf32, #tpu.memory_space<hbm>>) target(%arg10 : memref<128x128xf32, #tpu.memory_space<vmem>>) offsets(%dma_start3A_95 : memref<128xi32, #tpu.memory_space<vmem>>) semaphore(%arg13 : memref<!tpu.dma_semaphore, #tpu.memory_space<semaphore_mem>>)
      %dma_wait3A_99 = arith.constant 3 : i32
      %dma_wait3A_100 = arith.constant 0 : i32
      %dma_wait3A_101 = tpu.memref_slice %arg7[%dma_wait3A_99, %dma_wait3A_100] : memref<8x128xi32, #tpu.memory_space<vmem>> -> memref<1x128xi32, #tpu.memory_space<vmem>>
      %dma_wait3A_102 = tpu.memref_squeeze %dma_wait3A_101 : memref<1x128xi32, #tpu.memory_space<vmem>> -> memref<128xi32, #tpu.memory_space<vmem>>
      %dma_wait3A_103 = arith.constant 0 : i32
      %dma_wait3A_104 = arith.constant 0 : i32
      %dma_wait3A_105 = tpu.memref_slice %arg2[%dma_wait3A_103, %dma_wait3A_104] : memref<12000x128xf32, #tpu.memory_space<hbm>> -> memref<12000x128xf32, #tpu.memory_space<hbm>>
      tpu.wait_indirect_dma semaphore(%arg13 : memref<!tpu.dma_semaphore, #tpu.memory_space<semaphore_mem>>) src(%dma_wait3A_105 : memref<12000x128xf32, #tpu.memory_space<hbm>>) dst(%arg10 : memref<128x128xf32, #tpu.memory_space<vmem>>)
      %dma_start3A_106 = arith.constant 3 : i32
      %dma_start3A_107 = arith.constant 0 : i32
      %dma_start3A_108 = tpu.memref_slice %arg8[%dma_start3A_106, %dma_start3A_107] : memref<8x128xi32, #tpu.memory_space<vmem>> -> memref<1x128xi32, #tpu.memory_space<vmem>>
      %dma_start3A_109 = tpu.memref_squeeze %dma_start3A_108 : memref<1x128xi32, #tpu.memory_space<vmem>> -> memref<128xi32, #tpu.memory_space<vmem>>
      %dma_start3A_110 = arith.constant 0 : i32
      %dma_start3A_111 = arith.constant 0 : i32
      %dma_start3A_112 = tpu.memref_slice %arg11[%dma_start3A_110, %dma_start3A_111] : memref<10112x128xf32, #tpu.memory_space<vmem_shared>> -> memref<10112x128xf32, #tpu.memory_space<vmem_shared>>
      tpu.enqueue_indirect_dma source(%arg10 : memref<128x128xf32, #tpu.memory_space<vmem>>) target(%dma_start3A_112 : memref<10112x128xf32, #tpu.memory_space<vmem_shared>>) offsets(%dma_start3A_109 : memref<128xi32, #tpu.memory_space<vmem>>) semaphore(%arg15 : memref<!tpu.dma_semaphore, #tpu.memory_space<semaphore_mem>>) {add = true}
      %dma_wait3A_113 = arith.constant 2 : i32
      %dma_wait3A_114 = arith.constant 0 : i32
      %dma_wait3A_115 = tpu.memref_slice %arg8[%dma_wait3A_113, %dma_wait3A_114] : memref<8x128xi32, #tpu.memory_space<vmem>> -> memref<1x128xi32, #tpu.memory_space<vmem>>
      %dma_wait3A_116 = tpu.memref_squeeze %dma_wait3A_115 : memref<1x128xi32, #tpu.memory_space<vmem>> -> memref<128xi32, #tpu.memory_space<vmem>>
      %dma_wait3A_117 = arith.constant 0 : i32
      %dma_wait3A_118 = arith.constant 0 : i32
      %dma_wait3A_119 = tpu.memref_slice %arg11[%dma_wait3A_117, %dma_wait3A_118] : memref<10112x128xf32, #tpu.memory_space<vmem_shared>> -> memref<10112x128xf32, #tpu.memory_space<vmem_shared>>
      tpu.wait_indirect_dma semaphore(%arg14 : memref<!tpu.dma_semaphore, #tpu.memory_space<semaphore_mem>>) src(%arg9 : memref<128x128xf32, #tpu.memory_space<vmem>>) dst(%dma_wait3A_119 : memref<10112x128xf32, #tpu.memory_space<vmem_shared>>)
      %dma_start3A_120 = arith.constant 4 : i32
      %dma_start3A_121 = arith.constant 0 : i32
      %dma_start3A_122 = tpu.memref_slice %arg7[%dma_start3A_120, %dma_start3A_121] : memref<8x128xi32, #tpu.memory_space<vmem>> -> memref<1x128xi32, #tpu.memory_space<vmem>>
      %dma_start3A_123 = tpu.memref_squeeze %dma_start3A_122 : memref<1x128xi32, #tpu.memory_space<vmem>> -> memref<128xi32, #tpu.memory_space<vmem>>
      %dma_start3A_124 = arith.constant 0 : i32
      %dma_start3A_125 = arith.constant 0 : i32
      %dma_start3A_126 = tpu.memref_slice %arg2[%dma_start3A_124, %dma_start3A_125] : memref<12000x128xf32, #tpu.memory_space<hbm>> -> memref<12000x128xf32, #tpu.memory_space<hbm>>
      tpu.enqueue_indirect_dma source(%dma_start3A_126 : memref<12000x128xf32, #tpu.memory_space<hbm>>) target(%arg9 : memref<128x128xf32, #tpu.memory_space<vmem>>) offsets(%dma_start3A_123 : memref<128xi32, #tpu.memory_space<vmem>>) semaphore(%arg12 : memref<!tpu.dma_semaphore, #tpu.memory_space<semaphore_mem>>)
      %dma_wait3A_127 = arith.constant 4 : i32
      %dma_wait3A_128 = arith.constant 0 : i32
      %dma_wait3A_129 = tpu.memref_slice %arg7[%dma_wait3A_127, %dma_wait3A_128] : memref<8x128xi32, #tpu.memory_space<vmem>> -> memref<1x128xi32, #tpu.memory_space<vmem>>
      %dma_wait3A_130 = tpu.memref_squeeze %dma_wait3A_129 : memref<1x128xi32, #tpu.memory_space<vmem>> -> memref<128xi32, #tpu.memory_space<vmem>>
      %dma_wait3A_131 = arith.constant 0 : i32
      %dma_wait3A_132 = arith.constant 0 : i32
      %dma_wait3A_133 = tpu.memref_slice %arg2[%dma_wait3A_131, %dma_wait3A_132] : memref<12000x128xf32, #tpu.memory_space<hbm>> -> memref<12000x128xf32, #tpu.memory_space<hbm>>
      tpu.wait_indirect_dma semaphore(%arg12 : memref<!tpu.dma_semaphore, #tpu.memory_space<semaphore_mem>>) src(%dma_wait3A_133 : memref<12000x128xf32, #tpu.memory_space<hbm>>) dst(%arg9 : memref<128x128xf32, #tpu.memory_space<vmem>>)
      %dma_start3A_134 = arith.constant 4 : i32
      %dma_start3A_135 = arith.constant 0 : i32
      %dma_start3A_136 = tpu.memref_slice %arg8[%dma_start3A_134, %dma_start3A_135] : memref<8x128xi32, #tpu.memory_space<vmem>> -> memref<1x128xi32, #tpu.memory_space<vmem>>
      %dma_start3A_137 = tpu.memref_squeeze %dma_start3A_136 : memref<1x128xi32, #tpu.memory_space<vmem>> -> memref<128xi32, #tpu.memory_space<vmem>>
      %dma_start3A_138 = arith.constant 0 : i32
      %dma_start3A_139 = arith.constant 0 : i32
      %dma_start3A_140 = tpu.memref_slice %arg11[%dma_start3A_138, %dma_start3A_139] : memref<10112x128xf32, #tpu.memory_space<vmem_shared>> -> memref<10112x128xf32, #tpu.memory_space<vmem_shared>>
      tpu.enqueue_indirect_dma source(%arg9 : memref<128x128xf32, #tpu.memory_space<vmem>>) target(%dma_start3A_140 : memref<10112x128xf32, #tpu.memory_space<vmem_shared>>) offsets(%dma_start3A_137 : memref<128xi32, #tpu.memory_space<vmem>>) semaphore(%arg14 : memref<!tpu.dma_semaphore, #tpu.memory_space<semaphore_mem>>) {add = true}
      %dma_wait3A_141 = arith.constant 3 : i32
      %dma_wait3A_142 = arith.constant 0 : i32
      %dma_wait3A_143 = tpu.memref_slice %arg8[%dma_wait3A_141, %dma_wait3A_142] : memref<8x128xi32, #tpu.memory_space<vmem>> -> memref<1x128xi32, #tpu.memory_space<vmem>>
      %dma_wait3A_144 = tpu.memref_squeeze %dma_wait3A_143 : memref<1x128xi32, #tpu.memory_space<vmem>> -> memref<128xi32, #tpu.memory_space<vmem>>
      %dma_wait3A_145 = arith.constant 0 : i32
      %dma_wait3A_146 = arith.constant 0 : i32
      %dma_wait3A_147 = tpu.memref_slice %arg11[%dma_wait3A_145, %dma_wait3A_146] : memref<10112x128xf32, #tpu.memory_space<vmem_shared>> -> memref<10112x128xf32, #tpu.memory_space<vmem_shared>>
      tpu.wait_indirect_dma semaphore(%arg15 : memref<!tpu.dma_semaphore, #tpu.memory_space<semaphore_mem>>) src(%arg10 : memref<128x128xf32, #tpu.memory_space<vmem>>) dst(%dma_wait3A_147 : memref<10112x128xf32, #tpu.memory_space<vmem_shared>>)
      %dma_start3A_148 = arith.constant 5 : i32
      %dma_start3A_149 = arith.constant 0 : i32
      %dma_start3A_150 = tpu.memref_slice %arg7[%dma_start3A_148, %dma_start3A_149] : memref<8x128xi32, #tpu.memory_space<vmem>> -> memref<1x128xi32, #tpu.memory_space<vmem>>
      %dma_start3A_151 = tpu.memref_squeeze %dma_start3A_150 : memref<1x128xi32, #tpu.memory_space<vmem>> -> memref<128xi32, #tpu.memory_space<vmem>>
      %dma_start3A_152 = arith.constant 0 : i32
      %dma_start3A_153 = arith.constant 0 : i32
      %dma_start3A_154 = tpu.memref_slice %arg2[%dma_start3A_152, %dma_start3A_153] : memref<12000x128xf32, #tpu.memory_space<hbm>> -> memref<12000x128xf32, #tpu.memory_space<hbm>>
      tpu.enqueue_indirect_dma source(%dma_start3A_154 : memref<12000x128xf32, #tpu.memory_space<hbm>>) target(%arg10 : memref<128x128xf32, #tpu.memory_space<vmem>>) offsets(%dma_start3A_151 : memref<128xi32, #tpu.memory_space<vmem>>) semaphore(%arg13 : memref<!tpu.dma_semaphore, #tpu.memory_space<semaphore_mem>>)
      %dma_wait3A_155 = arith.constant 5 : i32
      %dma_wait3A_156 = arith.constant 0 : i32
      %dma_wait3A_157 = tpu.memref_slice %arg7[%dma_wait3A_155, %dma_wait3A_156] : memref<8x128xi32, #tpu.memory_space<vmem>> -> memref<1x128xi32, #tpu.memory_space<vmem>>
      %dma_wait3A_158 = tpu.memref_squeeze %dma_wait3A_157 : memref<1x128xi32, #tpu.memory_space<vmem>> -> memref<128xi32, #tpu.memory_space<vmem>>
      %dma_wait3A_159 = arith.constant 0 : i32
      %dma_wait3A_160 = arith.constant 0 : i32
      %dma_wait3A_161 = tpu.memref_slice %arg2[%dma_wait3A_159, %dma_wait3A_160] : memref<12000x128xf32, #tpu.memory_space<hbm>> -> memref<12000x128xf32, #tpu.memory_space<hbm>>
      tpu.wait_indirect_dma semaphore(%arg13 : memref<!tpu.dma_semaphore, #tpu.memory_space<semaphore_mem>>) src(%dma_wait3A_161 : memref<12000x128xf32, #tpu.memory_space<hbm>>) dst(%arg10 : memref<128x128xf32, #tpu.memory_space<vmem>>)
      %dma_start3A_162 = arith.constant 5 : i32
      %dma_start3A_163 = arith.constant 0 : i32
      %dma_start3A_164 = tpu.memref_slice %arg8[%dma_start3A_162, %dma_start3A_163] : memref<8x128xi32, #tpu.memory_space<vmem>> -> memref<1x128xi32, #tpu.memory_space<vmem>>
      %dma_start3A_165 = tpu.memref_squeeze %dma_start3A_164 : memref<1x128xi32, #tpu.memory_space<vmem>> -> memref<128xi32, #tpu.memory_space<vmem>>
      %dma_start3A_166 = arith.constant 0 : i32
      %dma_start3A_167 = arith.constant 0 : i32
      %dma_start3A_168 = tpu.memref_slice %arg11[%dma_start3A_166, %dma_start3A_167] : memref<10112x128xf32, #tpu.memory_space<vmem_shared>> -> memref<10112x128xf32, #tpu.memory_space<vmem_shared>>
      tpu.enqueue_indirect_dma source(%arg10 : memref<128x128xf32, #tpu.memory_space<vmem>>) target(%dma_start3A_168 : memref<10112x128xf32, #tpu.memory_space<vmem_shared>>) offsets(%dma_start3A_165 : memref<128xi32, #tpu.memory_space<vmem>>) semaphore(%arg15 : memref<!tpu.dma_semaphore, #tpu.memory_space<semaphore_mem>>) {add = true}
      %dma_wait3A_169 = arith.constant 4 : i32
      %dma_wait3A_170 = arith.constant 0 : i32
      %dma_wait3A_171 = tpu.memref_slice %arg8[%dma_wait3A_169, %dma_wait3A_170] : memref<8x128xi32, #tpu.memory_space<vmem>> -> memref<1x128xi32, #tpu.memory_space<vmem>>
      %dma_wait3A_172 = tpu.memref_squeeze %dma_wait3A_171 : memref<1x128xi32, #tpu.memory_space<vmem>> -> memref<128xi32, #tpu.memory_space<vmem>>
      %dma_wait3A_173 = arith.constant 0 : i32
      %dma_wait3A_174 = arith.constant 0 : i32
      %dma_wait3A_175 = tpu.memref_slice %arg11[%dma_wait3A_173, %dma_wait3A_174] : memref<10112x128xf32, #tpu.memory_space<vmem_shared>> -> memref<10112x128xf32, #tpu.memory_space<vmem_shared>>
      tpu.wait_indirect_dma semaphore(%arg14 : memref<!tpu.dma_semaphore, #tpu.memory_space<semaphore_mem>>) src(%arg9 : memref<128x128xf32, #tpu.memory_space<vmem>>) dst(%dma_wait3A_175 : memref<10112x128xf32, #tpu.memory_space<vmem_shared>>)
      %dma_start3A_176 = arith.constant 6 : i32
      %dma_start3A_177 = arith.constant 0 : i32
      %dma_start3A_178 = tpu.memref_slice %arg7[%dma_start3A_176, %dma_start3A_177] : memref<8x128xi32, #tpu.memory_space<vmem>> -> memref<1x128xi32, #tpu.memory_space<vmem>>
      %dma_start3A_179 = tpu.memref_squeeze %dma_start3A_178 : memref<1x128xi32, #tpu.memory_space<vmem>> -> memref<128xi32, #tpu.memory_space<vmem>>
      %dma_start3A_180 = arith.constant 0 : i32
      %dma_start3A_181 = arith.constant 0 : i32
      %dma_start3A_182 = tpu.memref_slice %arg2[%dma_start3A_180, %dma_start3A_181] : memref<12000x128xf32, #tpu.memory_space<hbm>> -> memref<12000x128xf32, #tpu.memory_space<hbm>>
      tpu.enqueue_indirect_dma source(%dma_start3A_182 : memref<12000x128xf32, #tpu.memory_space<hbm>>) target(%arg9 : memref<128x128xf32, #tpu.memory_space<vmem>>) offsets(%dma_start3A_179 : memref<128xi32, #tpu.memory_space<vmem>>) semaphore(%arg12 : memref<!tpu.dma_semaphore, #tpu.memory_space<semaphore_mem>>)
      %dma_wait3A_183 = arith.constant 6 : i32
      %dma_wait3A_184 = arith.constant 0 : i32
      %dma_wait3A_185 = tpu.memref_slice %arg7[%dma_wait3A_183, %dma_wait3A_184] : memref<8x128xi32, #tpu.memory_space<vmem>> -> memref<1x128xi32, #tpu.memory_space<vmem>>
      %dma_wait3A_186 = tpu.memref_squeeze %dma_wait3A_185 : memref<1x128xi32, #tpu.memory_space<vmem>> -> memref<128xi32, #tpu.memory_space<vmem>>
      %dma_wait3A_187 = arith.constant 0 : i32
      %dma_wait3A_188 = arith.constant 0 : i32
      %dma_wait3A_189 = tpu.memref_slice %arg2[%dma_wait3A_187, %dma_wait3A_188] : memref<12000x128xf32, #tpu.memory_space<hbm>> -> memref<12000x128xf32, #tpu.memory_space<hbm>>
      tpu.wait_indirect_dma semaphore(%arg12 : memref<!tpu.dma_semaphore, #tpu.memory_space<semaphore_mem>>) src(%dma_wait3A_189 : memref<12000x128xf32, #tpu.memory_space<hbm>>) dst(%arg9 : memref<128x128xf32, #tpu.memory_space<vmem>>)
      %dma_start3A_190 = arith.constant 6 : i32
      %dma_start3A_191 = arith.constant 0 : i32
      %dma_start3A_192 = tpu.memref_slice %arg8[%dma_start3A_190, %dma_start3A_191] : memref<8x128xi32, #tpu.memory_space<vmem>> -> memref<1x128xi32, #tpu.memory_space<vmem>>
      %dma_start3A_193 = tpu.memref_squeeze %dma_start3A_192 : memref<1x128xi32, #tpu.memory_space<vmem>> -> memref<128xi32, #tpu.memory_space<vmem>>
      %dma_start3A_194 = arith.constant 0 : i32
      %dma_start3A_195 = arith.constant 0 : i32
      %dma_start3A_196 = tpu.memref_slice %arg11[%dma_start3A_194, %dma_start3A_195] : memref<10112x128xf32, #tpu.memory_space<vmem_shared>> -> memref<10112x128xf32, #tpu.memory_space<vmem_shared>>
      tpu.enqueue_indirect_dma source(%arg9 : memref<128x128xf32, #tpu.memory_space<vmem>>) target(%dma_start3A_196 : memref<10112x128xf32, #tpu.memory_space<vmem_shared>>) offsets(%dma_start3A_193 : memref<128xi32, #tpu.memory_space<vmem>>) semaphore(%arg14 : memref<!tpu.dma_semaphore, #tpu.memory_space<semaphore_mem>>) {add = true}
      %dma_wait3A_197 = arith.constant 5 : i32
      %dma_wait3A_198 = arith.constant 0 : i32
      %dma_wait3A_199 = tpu.memref_slice %arg8[%dma_wait3A_197, %dma_wait3A_198] : memref<8x128xi32, #tpu.memory_space<vmem>> -> memref<1x128xi32, #tpu.memory_space<vmem>>
      %dma_wait3A_200 = tpu.memref_squeeze %dma_wait3A_199 : memref<1x128xi32, #tpu.memory_space<vmem>> -> memref<128xi32, #tpu.memory_space<vmem>>
      %dma_wait3A_201 = arith.constant 0 : i32
      %dma_wait3A_202 = arith.constant 0 : i32
      %dma_wait3A_203 = tpu.memref_slice %arg11[%dma_wait3A_201, %dma_wait3A_202] : memref<10112x128xf32, #tpu.memory_space<vmem_shared>> -> memref<10112x128xf32, #tpu.memory_space<vmem_shared>>
      tpu.wait_indirect_dma semaphore(%arg15 : memref<!tpu.dma_semaphore, #tpu.memory_space<semaphore_mem>>) src(%arg10 : memref<128x128xf32, #tpu.memory_space<vmem>>) dst(%dma_wait3A_203 : memref<10112x128xf32, #tpu.memory_space<vmem_shared>>)
      %dma_start3A_204 = arith.constant 7 : i32
      %dma_start3A_205 = arith.constant 0 : i32
      %dma_start3A_206 = tpu.memref_slice %arg7[%dma_start3A_204, %dma_start3A_205] : memref<8x128xi32, #tpu.memory_space<vmem>> -> memref<1x128xi32, #tpu.memory_space<vmem>>
      %dma_start3A_207 = tpu.memref_squeeze %dma_start3A_206 : memref<1x128xi32, #tpu.memory_space<vmem>> -> memref<128xi32, #tpu.memory_space<vmem>>
      %dma_start3A_208 = arith.constant 0 : i32
      %dma_start3A_209 = arith.constant 0 : i32
      %dma_start3A_210 = tpu.memref_slice %arg2[%dma_start3A_208, %dma_start3A_209] : memref<12000x128xf32, #tpu.memory_space<hbm>> -> memref<12000x128xf32, #tpu.memory_space<hbm>>
      tpu.enqueue_indirect_dma source(%dma_start3A_210 : memref<12000x128xf32, #tpu.memory_space<hbm>>) target(%arg10 : memref<128x128xf32, #tpu.memory_space<vmem>>) offsets(%dma_start3A_207 : memref<128xi32, #tpu.memory_space<vmem>>) semaphore(%arg13 : memref<!tpu.dma_semaphore, #tpu.memory_space<semaphore_mem>>)
      %dma_wait3A_211 = arith.constant 7 : i32
      %dma_wait3A_212 = arith.constant 0 : i32
      %dma_wait3A_213 = tpu.memref_slice %arg7[%dma_wait3A_211, %dma_wait3A_212] : memref<8x128xi32, #tpu.memory_space<vmem>> -> memref<1x128xi32, #tpu.memory_space<vmem>>
      %dma_wait3A_214 = tpu.memref_squeeze %dma_wait3A_213 : memref<1x128xi32, #tpu.memory_space<vmem>> -> memref<128xi32, #tpu.memory_space<vmem>>
      %dma_wait3A_215 = arith.constant 0 : i32
      %dma_wait3A_216 = arith.constant 0 : i32
      %dma_wait3A_217 = tpu.memref_slice %arg2[%dma_wait3A_215, %dma_wait3A_216] : memref<12000x128xf32, #tpu.memory_space<hbm>> -> memref<12000x128xf32, #tpu.memory_space<hbm>>
      tpu.wait_indirect_dma semaphore(%arg13 : memref<!tpu.dma_semaphore, #tpu.memory_space<semaphore_mem>>) src(%dma_wait3A_217 : memref<12000x128xf32, #tpu.memory_space<hbm>>) dst(%arg10 : memref<128x128xf32, #tpu.memory_space<vmem>>)
      %dma_start3A_218 = arith.constant 7 : i32
      %dma_start3A_219 = arith.constant 0 : i32
      %dma_start3A_220 = tpu.memref_slice %arg8[%dma_start3A_218, %dma_start3A_219] : memref<8x128xi32, #tpu.memory_space<vmem>> -> memref<1x128xi32, #tpu.memory_space<vmem>>
      %dma_start3A_221 = tpu.memref_squeeze %dma_start3A_220 : memref<1x128xi32, #tpu.memory_space<vmem>> -> memref<128xi32, #tpu.memory_space<vmem>>
      %dma_start3A_222 = arith.constant 0 : i32
      %dma_start3A_223 = arith.constant 0 : i32
      %dma_start3A_224 = tpu.memref_slice %arg11[%dma_start3A_222, %dma_start3A_223] : memref<10112x128xf32, #tpu.memory_space<vmem_shared>> -> memref<10112x128xf32, #tpu.memory_space<vmem_shared>>
      tpu.enqueue_indirect_dma source(%arg10 : memref<128x128xf32, #tpu.memory_space<vmem>>) target(%dma_start3A_224 : memref<10112x128xf32, #tpu.memory_space<vmem_shared>>) offsets(%dma_start3A_221 : memref<128xi32, #tpu.memory_space<vmem>>) semaphore(%arg15 : memref<!tpu.dma_semaphore, #tpu.memory_space<semaphore_mem>>) {add = true}
      %dma_wait3A_225 = arith.constant 6 : i32
      %dma_wait3A_226 = arith.constant 0 : i32
      %dma_wait3A_227 = tpu.memref_slice %arg8[%dma_wait3A_225, %dma_wait3A_226] : memref<8x128xi32, #tpu.memory_space<vmem>> -> memref<1x128xi32, #tpu.memory_space<vmem>>
      %dma_wait3A_228 = tpu.memref_squeeze %dma_wait3A_227 : memref<1x128xi32, #tpu.memory_space<vmem>> -> memref<128xi32, #tpu.memory_space<vmem>>
      %dma_wait3A_229 = arith.constant 0 : i32
      %dma_wait3A_230 = arith.constant 0 : i32
      %dma_wait3A_231 = tpu.memref_slice %arg11[%dma_wait3A_229, %dma_wait3A_230] : memref<10112x128xf32, #tpu.memory_space<vmem_shared>> -> memref<10112x128xf32, #tpu.memory_space<vmem_shared>>
      tpu.wait_indirect_dma semaphore(%arg14 : memref<!tpu.dma_semaphore, #tpu.memory_space<semaphore_mem>>) src(%arg9 : memref<128x128xf32, #tpu.memory_space<vmem>>) dst(%dma_wait3A_231 : memref<10112x128xf32, #tpu.memory_space<vmem_shared>>)
      %dma_wait3A_232 = arith.constant 7 : i32
      %dma_wait3A_233 = arith.constant 0 : i32
      %dma_wait3A_234 = tpu.memref_slice %arg8[%dma_wait3A_232, %dma_wait3A_233] : memref<8x128xi32, #tpu.memory_space<vmem>> -> memref<1x128xi32, #tpu.memory_space<vmem>>
      %dma_wait3A_235 = tpu.memref_squeeze %dma_wait3A_234 : memref<1x128xi32, #tpu.memory_space<vmem>> -> memref<128xi32, #tpu.memory_space<vmem>>
      %dma_wait3A_236 = arith.constant 0 : i32
      %dma_wait3A_237 = arith.constant 0 : i32
      %dma_wait3A_238 = tpu.memref_slice %arg11[%dma_wait3A_236, %dma_wait3A_237] : memref<10112x128xf32, #tpu.memory_space<vmem_shared>> -> memref<10112x128xf32, #tpu.memory_space<vmem_shared>>
      tpu.wait_indirect_dma semaphore(%arg15 : memref<!tpu.dma_semaphore, #tpu.memory_space<semaphore_mem>>) src(%arg10 : memref<128x128xf32, #tpu.memory_space<vmem>>) dst(%dma_wait3A_238 : memref<10112x128xf32, #tpu.memory_space<vmem_shared>>)
    }
    %scan3A_14 = arith.constant 11 : i32
    %barrier3A_15 = arith.constant 0 : index
    tpu.barrier barrier_id(%barrier3A_15)
    "tpu.region"() ({
      %run_scoped3A = tpu.sem_alloc : memref<!tpu.dma_semaphore, #tpu.memory_space<semaphore_mem>>
      %dma_start3A = arith.constant 0 : i32
      %dma_start3A_16 = arith.constant 0 : i32
      %dma_start3A_17 = tpu.memref_slice %arg6[%arg0, %dma_start3A, %dma_start3A_16] : memref<2x10112x128xf32, #tpu.memory_space<hbm>> -> memref<1x10112x128xf32, #tpu.memory_space<hbm>>
      %dma_start3A_18 = tpu.memref_squeeze %dma_start3A_17 : memref<1x10112x128xf32, #tpu.memory_space<hbm>> -> memref<10112x128xf32, #tpu.memory_space<hbm>>
      %dma_start3A_19 = arith.constant 0 : i32
      %dma_start3A_20 = tpu.memref_slice %dma_start3A_18[%mul3A_0, %dma_start3A_19] : memref<10112x128xf32, #tpu.memory_space<hbm>> -> memref<632x128xf32, #tpu.memory_space<hbm>>
      %dma_start3A_21 = arith.constant 0 : i32
      %dma_start3A_22 = tpu.memref_slice %arg11[%mul3A_0, %dma_start3A_21] : memref<10112x128xf32, #tpu.memory_space<vmem_shared>> -> memref<632x128xf32, #tpu.memory_space<vmem_shared>>
      tpu.enqueue_dma source(%dma_start3A_22 : memref<632x128xf32, #tpu.memory_space<vmem_shared>>) target(%dma_start3A_20 : memref<632x128xf32, #tpu.memory_space<hbm>>) target_semaphore(%run_scoped3A : memref<!tpu.dma_semaphore, #tpu.memory_space<semaphore_mem>>)
      %dma_wait3A = arith.constant 0 : i32
      %dma_wait3A_23 = arith.constant 0 : i32
      %dma_wait3A_24 = tpu.memref_slice %arg6[%arg0, %dma_wait3A, %dma_wait3A_23] : memref<2x10112x128xf32, #tpu.memory_space<hbm>> -> memref<1x10112x128xf32, #tpu.memory_space<hbm>>
      %dma_wait3A_25 = tpu.memref_squeeze %dma_wait3A_24 : memref<1x10112x128xf32, #tpu.memory_space<hbm>> -> memref<10112x128xf32, #tpu.memory_space<hbm>>
      %dma_wait3A_26 = arith.constant 0 : i32
      %dma_wait3A_27 = tpu.memref_slice %dma_wait3A_25[%mul3A_0, %dma_wait3A_26] : memref<10112x128xf32, #tpu.memory_space<hbm>> -> memref<632x128xf32, #tpu.memory_space<hbm>>
      %dma_wait3A_28 = arith.constant 0 : i32
      %dma_wait3A_29 = tpu.memref_slice %arg11[%mul3A_0, %dma_wait3A_28] : memref<10112x128xf32, #tpu.memory_space<vmem_shared>> -> memref<632x128xf32, #tpu.memory_space<vmem_shared>>
      tpu.wait_dma2 semaphore(%run_scoped3A : memref<!tpu.dma_semaphore, #tpu.memory_space<semaphore_mem>>) src(%dma_wait3A_29 : memref<632x128xf32, #tpu.memory_space<vmem_shared>>) dst(%dma_wait3A_27 : memref<632x128xf32, #tpu.memory_space<hbm>>)
      tpu.yield
    }) : () -> ()
    return
  }
}

#map = affine_map<(d0, d1) -> (0, 0)>
#map1 = affine_map<(d0, d1) -> (0, 0, 0, 0, 0)>
#map2 = affine_map<(d0, d1) -> (0, 0, 0)>
module attributes {stable_mosaic.version = 14 : i64} {
  func.func @agg(%arg0: i32, %arg1: i32, %arg2: memref<22000x128xf32, #tpu.memory_space<hbm>>, %arg3: memref<128x128xf32, #tpu.memory_space<hbm>>, %arg4: memref<2x16x21x8x128xi32, #tpu.memory_space<hbm>>, %arg5: memref<2x16x21x8x128xi32, #tpu.memory_space<hbm>>, %arg6: memref<2x10112x128xf32, #tpu.memory_space<hbm>>, %arg7: memref<8x128xi32, #tpu.memory_space<vmem>>, %arg8: memref<8x128xi32, #tpu.memory_space<vmem>>, %arg9: memref<128x128xf32, #tpu.memory_space<vmem>>, %arg10: memref<128x128xf32, #tpu.memory_space<vmem>>, %arg11: memref<10112x128xf32, #tpu.memory_space<vmem_shared>>, %arg12: memref<!tpu.dma_semaphore, #tpu.memory_space<semaphore_mem>>, %arg13: memref<!tpu.dma_semaphore, #tpu.memory_space<semaphore_mem>>, %arg14: memref<!tpu.dma_semaphore, #tpu.memory_space<semaphore_mem>>, %arg15: memref<!tpu.dma_semaphore, #tpu.memory_space<semaphore_mem>>) attributes {dimension_semantics = [#tpu.dimension_semantics<core_parallel>, #tpu.dimension_semantics<subcore_parallel>], iteration_bounds = array<i64: 2, 16>, scalar_prefetch = 0 : i64, scratch_operands = 9 : i64, tpu.core_type = #tpu.core_type<sc_vector_subcore>, window_params = [{transform_indices = #map}, {transform_indices = #map}, {transform_indices = #map1}, {transform_indices = #map1}, {transform_indices = #map2}]} {
    %mul3A = arith.constant 632 : i32
    %mul3A_0 = arith.muli %arg1, %mul3A : i32
    "tpu.region"() ({
      %run_scoped3A = tpu.sem_alloc : memref<!tpu.dma_semaphore, #tpu.memory_space<semaphore_mem>>
      tpu.enqueue_dma source(%arg3 : memref<128x128xf32, #tpu.memory_space<hbm>>) target(%arg9 : memref<128x128xf32, #tpu.memory_space<vmem>>) target_semaphore(%run_scoped3A : memref<!tpu.dma_semaphore, #tpu.memory_space<semaphore_mem>>)
      tpu.wait_dma2 semaphore(%run_scoped3A : memref<!tpu.dma_semaphore, #tpu.memory_space<semaphore_mem>>) src(%arg3 : memref<128x128xf32, #tpu.memory_space<hbm>>) dst(%arg9 : memref<128x128xf32, #tpu.memory_space<vmem>>)
      tpu.yield
    }) : () -> ()
    %add3A = arith.constant 0 : i32
    %add3A_1 = arith.addi %mul3A_0, %add3A : i32
    "tpu.region"() ({
      %run_scoped3A = tpu.sem_alloc : memref<!tpu.dma_semaphore, #tpu.memory_space<semaphore_mem>>
      %dma_start3A = arith.constant 0 : i32
      %dma_start3A_16 = tpu.memref_slice %arg11[%add3A_1, %dma_start3A] : memref<10112x128xf32, #tpu.memory_space<vmem_shared>> -> memref<128x128xf32, #tpu.memory_space<vmem_shared>>
      %dma_start3A_17 = arith.constant 0 : i32
      %dma_start3A_18 = tpu.memref_slice %arg11[%add3A_1, %dma_start3A_17] : memref<10112x128xf32, #tpu.memory_space<vmem_shared>> -> memref<128x128xf32, #tpu.memory_space<vmem_shared>>
      tpu.enqueue_dma source(%arg9 : memref<128x128xf32, #tpu.memory_space<vmem>>) target(%dma_start3A_18 : memref<128x128xf32, #tpu.memory_space<vmem_shared>>) target_semaphore(%run_scoped3A : memref<!tpu.dma_semaphore, #tpu.memory_space<semaphore_mem>>)
      %dma_wait3A = arith.constant 0 : i32
      %dma_wait3A_19 = tpu.memref_slice %arg11[%add3A_1, %dma_wait3A] : memref<10112x128xf32, #tpu.memory_space<vmem_shared>> -> memref<128x128xf32, #tpu.memory_space<vmem_shared>>
      %dma_wait3A_20 = arith.constant 0 : i32
      %dma_wait3A_21 = tpu.memref_slice %arg11[%add3A_1, %dma_wait3A_20] : memref<10112x128xf32, #tpu.memory_space<vmem_shared>> -> memref<128x128xf32, #tpu.memory_space<vmem_shared>>
      tpu.wait_dma2 semaphore(%run_scoped3A : memref<!tpu.dma_semaphore, #tpu.memory_space<semaphore_mem>>) src(%arg9 : memref<128x128xf32, #tpu.memory_space<vmem>>) dst(%dma_wait3A_21 : memref<128x128xf32, #tpu.memory_space<vmem_shared>>)
      tpu.yield
    }) : () -> ()
    %add3A_2 = arith.constant 128 : i32
    %add3A_3 = arith.addi %mul3A_0, %add3A_2 : i32
    "tpu.region"() ({
      %run_scoped3A = tpu.sem_alloc : memref<!tpu.dma_semaphore, #tpu.memory_space<semaphore_mem>>
      %dma_start3A = arith.constant 0 : i32
      %dma_start3A_16 = tpu.memref_slice %arg11[%add3A_3, %dma_start3A] : memref<10112x128xf32, #tpu.memory_space<vmem_shared>> -> memref<128x128xf32, #tpu.memory_space<vmem_shared>>
      %dma_start3A_17 = arith.constant 0 : i32
      %dma_start3A_18 = tpu.memref_slice %arg11[%add3A_3, %dma_start3A_17] : memref<10112x128xf32, #tpu.memory_space<vmem_shared>> -> memref<128x128xf32, #tpu.memory_space<vmem_shared>>
      tpu.enqueue_dma source(%arg9 : memref<128x128xf32, #tpu.memory_space<vmem>>) target(%dma_start3A_18 : memref<128x128xf32, #tpu.memory_space<vmem_shared>>) target_semaphore(%run_scoped3A : memref<!tpu.dma_semaphore, #tpu.memory_space<semaphore_mem>>)
      %dma_wait3A = arith.constant 0 : i32
      %dma_wait3A_19 = tpu.memref_slice %arg11[%add3A_3, %dma_wait3A] : memref<10112x128xf32, #tpu.memory_space<vmem_shared>> -> memref<128x128xf32, #tpu.memory_space<vmem_shared>>
      %dma_wait3A_20 = arith.constant 0 : i32
      %dma_wait3A_21 = tpu.memref_slice %arg11[%add3A_3, %dma_wait3A_20] : memref<10112x128xf32, #tpu.memory_space<vmem_shared>> -> memref<128x128xf32, #tpu.memory_space<vmem_shared>>
      tpu.wait_dma2 semaphore(%run_scoped3A : memref<!tpu.dma_semaphore, #tpu.memory_space<semaphore_mem>>) src(%arg9 : memref<128x128xf32, #tpu.memory_space<vmem>>) dst(%dma_wait3A_21 : memref<128x128xf32, #tpu.memory_space<vmem_shared>>)
      tpu.yield
    }) : () -> ()
    %add3A_4 = arith.constant 256 : i32
    %add3A_5 = arith.addi %mul3A_0, %add3A_4 : i32
    "tpu.region"() ({
      %run_scoped3A = tpu.sem_alloc : memref<!tpu.dma_semaphore, #tpu.memory_space<semaphore_mem>>
      %dma_start3A = arith.constant 0 : i32
      %dma_start3A_16 = tpu.memref_slice %arg11[%add3A_5, %dma_start3A] : memref<10112x128xf32, #tpu.memory_space<vmem_shared>> -> memref<128x128xf32, #tpu.memory_space<vmem_shared>>
      %dma_start3A_17 = arith.constant 0 : i32
      %dma_start3A_18 = tpu.memref_slice %arg11[%add3A_5, %dma_start3A_17] : memref<10112x128xf32, #tpu.memory_space<vmem_shared>> -> memref<128x128xf32, #tpu.memory_space<vmem_shared>>
      tpu.enqueue_dma source(%arg9 : memref<128x128xf32, #tpu.memory_space<vmem>>) target(%dma_start3A_18 : memref<128x128xf32, #tpu.memory_space<vmem_shared>>) target_semaphore(%run_scoped3A : memref<!tpu.dma_semaphore, #tpu.memory_space<semaphore_mem>>)
      %dma_wait3A = arith.constant 0 : i32
      %dma_wait3A_19 = tpu.memref_slice %arg11[%add3A_5, %dma_wait3A] : memref<10112x128xf32, #tpu.memory_space<vmem_shared>> -> memref<128x128xf32, #tpu.memory_space<vmem_shared>>
      %dma_wait3A_20 = arith.constant 0 : i32
      %dma_wait3A_21 = tpu.memref_slice %arg11[%add3A_5, %dma_wait3A_20] : memref<10112x128xf32, #tpu.memory_space<vmem_shared>> -> memref<128x128xf32, #tpu.memory_space<vmem_shared>>
      tpu.wait_dma2 semaphore(%run_scoped3A : memref<!tpu.dma_semaphore, #tpu.memory_space<semaphore_mem>>) src(%arg9 : memref<128x128xf32, #tpu.memory_space<vmem>>) dst(%dma_wait3A_21 : memref<128x128xf32, #tpu.memory_space<vmem_shared>>)
      tpu.yield
    }) : () -> ()
    %add3A_6 = arith.constant 384 : i32
    %add3A_7 = arith.addi %mul3A_0, %add3A_6 : i32
    "tpu.region"() ({
      %run_scoped3A = tpu.sem_alloc : memref<!tpu.dma_semaphore, #tpu.memory_space<semaphore_mem>>
      %dma_start3A = arith.constant 0 : i32
      %dma_start3A_16 = tpu.memref_slice %arg11[%add3A_7, %dma_start3A] : memref<10112x128xf32, #tpu.memory_space<vmem_shared>> -> memref<128x128xf32, #tpu.memory_space<vmem_shared>>
      %dma_start3A_17 = arith.constant 0 : i32
      %dma_start3A_18 = tpu.memref_slice %arg11[%add3A_7, %dma_start3A_17] : memref<10112x128xf32, #tpu.memory_space<vmem_shared>> -> memref<128x128xf32, #tpu.memory_space<vmem_shared>>
      tpu.enqueue_dma source(%arg9 : memref<128x128xf32, #tpu.memory_space<vmem>>) target(%dma_start3A_18 : memref<128x128xf32, #tpu.memory_space<vmem_shared>>) target_semaphore(%run_scoped3A : memref<!tpu.dma_semaphore, #tpu.memory_space<semaphore_mem>>)
      %dma_wait3A = arith.constant 0 : i32
      %dma_wait3A_19 = tpu.memref_slice %arg11[%add3A_7, %dma_wait3A] : memref<10112x128xf32, #tpu.memory_space<vmem_shared>> -> memref<128x128xf32, #tpu.memory_space<vmem_shared>>
      %dma_wait3A_20 = arith.constant 0 : i32
      %dma_wait3A_21 = tpu.memref_slice %arg11[%add3A_7, %dma_wait3A_20] : memref<10112x128xf32, #tpu.memory_space<vmem_shared>> -> memref<128x128xf32, #tpu.memory_space<vmem_shared>>
      tpu.wait_dma2 semaphore(%run_scoped3A : memref<!tpu.dma_semaphore, #tpu.memory_space<semaphore_mem>>) src(%arg9 : memref<128x128xf32, #tpu.memory_space<vmem>>) dst(%dma_wait3A_21 : memref<128x128xf32, #tpu.memory_space<vmem_shared>>)
      tpu.yield
    }) : () -> ()
    %add3A_8 = arith.constant 512 : i32
    %add3A_9 = arith.addi %mul3A_0, %add3A_8 : i32
    "tpu.region"() ({
      %run_scoped3A = tpu.sem_alloc : memref<!tpu.dma_semaphore, #tpu.memory_space<semaphore_mem>>
      %dma_start3A = arith.constant 0 : i32
      %dma_start3A_16 = arith.constant 0 : i32
      %dma_start3A_17 = tpu.memref_slice %arg9[%dma_start3A, %dma_start3A_16] : memref<128x128xf32, #tpu.memory_space<vmem>> -> memref<120x128xf32, #tpu.memory_space<vmem>>
      %dma_start3A_18 = arith.constant 0 : i32
      %dma_start3A_19 = tpu.memref_slice %arg11[%add3A_9, %dma_start3A_18] : memref<10112x128xf32, #tpu.memory_space<vmem_shared>> -> memref<120x128xf32, #tpu.memory_space<vmem_shared>>
      %dma_start3A_20 = arith.constant 0 : i32
      %dma_start3A_21 = tpu.memref_slice %arg11[%add3A_9, %dma_start3A_20] : memref<10112x128xf32, #tpu.memory_space<vmem_shared>> -> memref<120x128xf32, #tpu.memory_space<vmem_shared>>
      %dma_start3A_22 = arith.constant 0 : i32
      %dma_start3A_23 = arith.constant 0 : i32
      %dma_start3A_24 = tpu.memref_slice %arg9[%dma_start3A_22, %dma_start3A_23] : memref<128x128xf32, #tpu.memory_space<vmem>> -> memref<120x128xf32, #tpu.memory_space<vmem>>
      tpu.enqueue_dma source(%dma_start3A_24 : memref<120x128xf32, #tpu.memory_space<vmem>>) target(%dma_start3A_21 : memref<120x128xf32, #tpu.memory_space<vmem_shared>>) target_semaphore(%run_scoped3A : memref<!tpu.dma_semaphore, #tpu.memory_space<semaphore_mem>>)
      %dma_wait3A = arith.constant 0 : i32
      %dma_wait3A_25 = arith.constant 0 : i32
      %dma_wait3A_26 = tpu.memref_slice %arg9[%dma_wait3A, %dma_wait3A_25] : memref<128x128xf32, #tpu.memory_space<vmem>> -> memref<120x128xf32, #tpu.memory_space<vmem>>
      %dma_wait3A_27 = arith.constant 0 : i32
      %dma_wait3A_28 = tpu.memref_slice %arg11[%add3A_9, %dma_wait3A_27] : memref<10112x128xf32, #tpu.memory_space<vmem_shared>> -> memref<120x128xf32, #tpu.memory_space<vmem_shared>>
      %dma_wait3A_29 = arith.constant 0 : i32
      %dma_wait3A_30 = tpu.memref_slice %arg11[%add3A_9, %dma_wait3A_29] : memref<10112x128xf32, #tpu.memory_space<vmem_shared>> -> memref<120x128xf32, #tpu.memory_space<vmem_shared>>
      %dma_wait3A_31 = arith.constant 0 : i32
      %dma_wait3A_32 = arith.constant 0 : i32
      %dma_wait3A_33 = tpu.memref_slice %arg9[%dma_wait3A_31, %dma_wait3A_32] : memref<128x128xf32, #tpu.memory_space<vmem>> -> memref<120x128xf32, #tpu.memory_space<vmem>>
      tpu.wait_dma2 semaphore(%run_scoped3A : memref<!tpu.dma_semaphore, #tpu.memory_space<semaphore_mem>>) src(%dma_wait3A_33 : memref<120x128xf32, #tpu.memory_space<vmem>>) dst(%dma_wait3A_30 : memref<120x128xf32, #tpu.memory_space<vmem_shared>>)
      tpu.yield
    }) : () -> ()
    %barrier3A = arith.constant 0 : index
    tpu.barrier barrier_id(%barrier3A)
    %scan3A = arith.constant 0 : i32
    %scan3A_10 = arith.constant 0 : i32
    %scan3A_11 = arith.constant 21 : i32
    %scan3A_12 = arith.addi %scan3A_10, %scan3A_11 : i32
    %scan3A_13 = arith.constant 1 : i32
    scf.for %scan3A_16 = %scan3A_10 to %scan3A_12 step %scan3A_13  : i32 {
      "tpu.region"() ({
        %run_scoped3A = tpu.sem_alloc : memref<!tpu.dma_semaphore, #tpu.memory_space<semaphore_mem>>
        %dma_start3A_239 = arith.constant 0 : i32
        %dma_start3A_240 = arith.constant 0 : i32
        %dma_start3A_241 = tpu.memref_slice %arg4[%arg0, %arg1, %scan3A_16, %dma_start3A_239, %dma_start3A_240] : memref<2x16x21x8x128xi32, #tpu.memory_space<hbm>> -> memref<1x1x1x8x128xi32, #tpu.memory_space<hbm>>
        %dma_start3A_242 = tpu.memref_squeeze %dma_start3A_241 : memref<1x1x1x8x128xi32, #tpu.memory_space<hbm>> -> memref<8x128xi32, #tpu.memory_space<hbm>>
        %dma_start3A_243 = arith.constant 0 : i32
        %dma_start3A_244 = arith.constant 0 : i32
        %dma_start3A_245 = tpu.memref_slice %arg4[%arg0, %arg1, %scan3A_16, %dma_start3A_243, %dma_start3A_244] : memref<2x16x21x8x128xi32, #tpu.memory_space<hbm>> -> memref<1x1x1x8x128xi32, #tpu.memory_space<hbm>>
        %dma_start3A_246 = tpu.memref_squeeze %dma_start3A_245 : memref<1x1x1x8x128xi32, #tpu.memory_space<hbm>> -> memref<8x128xi32, #tpu.memory_space<hbm>>
        tpu.enqueue_dma source(%dma_start3A_246 : memref<8x128xi32, #tpu.memory_space<hbm>>) target(%arg7 : memref<8x128xi32, #tpu.memory_space<vmem>>) target_semaphore(%run_scoped3A : memref<!tpu.dma_semaphore, #tpu.memory_space<semaphore_mem>>)
        %dma_wait3A_247 = arith.constant 0 : i32
        %dma_wait3A_248 = arith.constant 0 : i32
        %dma_wait3A_249 = tpu.memref_slice %arg4[%arg0, %arg1, %scan3A_16, %dma_wait3A_247, %dma_wait3A_248] : memref<2x16x21x8x128xi32, #tpu.memory_space<hbm>> -> memref<1x1x1x8x128xi32, #tpu.memory_space<hbm>>
        %dma_wait3A_250 = tpu.memref_squeeze %dma_wait3A_249 : memref<1x1x1x8x128xi32, #tpu.memory_space<hbm>> -> memref<8x128xi32, #tpu.memory_space<hbm>>
        %dma_wait3A_251 = arith.constant 0 : i32
        %dma_wait3A_252 = arith.constant 0 : i32
        %dma_wait3A_253 = tpu.memref_slice %arg4[%arg0, %arg1, %scan3A_16, %dma_wait3A_251, %dma_wait3A_252] : memref<2x16x21x8x128xi32, #tpu.memory_space<hbm>> -> memref<1x1x1x8x128xi32, #tpu.memory_space<hbm>>
        %dma_wait3A_254 = tpu.memref_squeeze %dma_wait3A_253 : memref<1x1x1x8x128xi32, #tpu.memory_space<hbm>> -> memref<8x128xi32, #tpu.memory_space<hbm>>
        tpu.wait_dma2 semaphore(%run_scoped3A : memref<!tpu.dma_semaphore, #tpu.memory_space<semaphore_mem>>) src(%dma_wait3A_254 : memref<8x128xi32, #tpu.memory_space<hbm>>) dst(%arg7 : memref<8x128xi32, #tpu.memory_space<vmem>>)
        tpu.yield
      }) : () -> ()
      "tpu.region"() ({
        %run_scoped3A = tpu.sem_alloc : memref<!tpu.dma_semaphore, #tpu.memory_space<semaphore_mem>>
        %dma_start3A_239 = arith.constant 0 : i32
        %dma_start3A_240 = arith.constant 0 : i32
        %dma_start3A_241 = tpu.memref_slice %arg5[%arg0, %arg1, %scan3A_16, %dma_start3A_239, %dma_start3A_240] : memref<2x16x21x8x128xi32, #tpu.memory_space<hbm>> -> memref<1x1x1x8x128xi32, #tpu.memory_space<hbm>>
        %dma_start3A_242 = tpu.memref_squeeze %dma_start3A_241 : memref<1x1x1x8x128xi32, #tpu.memory_space<hbm>> -> memref<8x128xi32, #tpu.memory_space<hbm>>
        %dma_start3A_243 = arith.constant 0 : i32
        %dma_start3A_244 = arith.constant 0 : i32
        %dma_start3A_245 = tpu.memref_slice %arg5[%arg0, %arg1, %scan3A_16, %dma_start3A_243, %dma_start3A_244] : memref<2x16x21x8x128xi32, #tpu.memory_space<hbm>> -> memref<1x1x1x8x128xi32, #tpu.memory_space<hbm>>
        %dma_start3A_246 = tpu.memref_squeeze %dma_start3A_245 : memref<1x1x1x8x128xi32, #tpu.memory_space<hbm>> -> memref<8x128xi32, #tpu.memory_space<hbm>>
        tpu.enqueue_dma source(%dma_start3A_246 : memref<8x128xi32, #tpu.memory_space<hbm>>) target(%arg8 : memref<8x128xi32, #tpu.memory_space<vmem>>) target_semaphore(%run_scoped3A : memref<!tpu.dma_semaphore, #tpu.memory_space<semaphore_mem>>)
        %dma_wait3A_247 = arith.constant 0 : i32
        %dma_wait3A_248 = arith.constant 0 : i32
        %dma_wait3A_249 = tpu.memref_slice %arg5[%arg0, %arg1, %scan3A_16, %dma_wait3A_247, %dma_wait3A_248] : memref<2x16x21x8x128xi32, #tpu.memory_space<hbm>> -> memref<1x1x1x8x128xi32, #tpu.memory_space<hbm>>
        %dma_wait3A_250 = tpu.memref_squeeze %dma_wait3A_249 : memref<1x1x1x8x128xi32, #tpu.memory_space<hbm>> -> memref<8x128xi32, #tpu.memory_space<hbm>>
        %dma_wait3A_251 = arith.constant 0 : i32
        %dma_wait3A_252 = arith.constant 0 : i32
        %dma_wait3A_253 = tpu.memref_slice %arg5[%arg0, %arg1, %scan3A_16, %dma_wait3A_251, %dma_wait3A_252] : memref<2x16x21x8x128xi32, #tpu.memory_space<hbm>> -> memref<1x1x1x8x128xi32, #tpu.memory_space<hbm>>
        %dma_wait3A_254 = tpu.memref_squeeze %dma_wait3A_253 : memref<1x1x1x8x128xi32, #tpu.memory_space<hbm>> -> memref<8x128xi32, #tpu.memory_space<hbm>>
        tpu.wait_dma2 semaphore(%run_scoped3A : memref<!tpu.dma_semaphore, #tpu.memory_space<semaphore_mem>>) src(%dma_wait3A_254 : memref<8x128xi32, #tpu.memory_space<hbm>>) dst(%arg8 : memref<8x128xi32, #tpu.memory_space<vmem>>)
        tpu.yield
      }) : () -> ()
      %dma_start3A = arith.constant 0 : i32
      %dma_start3A_17 = arith.constant 0 : i32
      %dma_start3A_18 = tpu.memref_slice %arg7[%dma_start3A, %dma_start3A_17] : memref<8x128xi32, #tpu.memory_space<vmem>> -> memref<1x128xi32, #tpu.memory_space<vmem>>
      %dma_start3A_19 = tpu.memref_squeeze %dma_start3A_18 : memref<1x128xi32, #tpu.memory_space<vmem>> -> memref<128xi32, #tpu.memory_space<vmem>>
      %dma_start3A_20 = arith.constant 0 : i32
      %dma_start3A_21 = arith.constant 0 : i32
      %dma_start3A_22 = tpu.memref_slice %arg2[%dma_start3A_20, %dma_start3A_21] : memref<22000x128xf32, #tpu.memory_space<hbm>> -> memref<22000x128xf32, #tpu.memory_space<hbm>>
      tpu.enqueue_indirect_dma source(%dma_start3A_22 : memref<22000x128xf32, #tpu.memory_space<hbm>>) target(%arg9 : memref<128x128xf32, #tpu.memory_space<vmem>>) offsets(%dma_start3A_19 : memref<128xi32, #tpu.memory_space<vmem>>) semaphore(%arg12 : memref<!tpu.dma_semaphore, #tpu.memory_space<semaphore_mem>>)
      %dma_wait3A = arith.constant 0 : i32
      %dma_wait3A_23 = arith.constant 0 : i32
      %dma_wait3A_24 = tpu.memref_slice %arg7[%dma_wait3A, %dma_wait3A_23] : memref<8x128xi32, #tpu.memory_space<vmem>> -> memref<1x128xi32, #tpu.memory_space<vmem>>
      %dma_wait3A_25 = tpu.memref_squeeze %dma_wait3A_24 : memref<1x128xi32, #tpu.memory_space<vmem>> -> memref<128xi32, #tpu.memory_space<vmem>>
      %dma_wait3A_26 = arith.constant 0 : i32
      %dma_wait3A_27 = arith.constant 0 : i32
      %dma_wait3A_28 = tpu.memref_slice %arg2[%dma_wait3A_26, %dma_wait3A_27] : memref<22000x128xf32, #tpu.memory_space<hbm>> -> memref<22000x128xf32, #tpu.memory_space<hbm>>
      tpu.wait_indirect_dma semaphore(%arg12 : memref<!tpu.dma_semaphore, #tpu.memory_space<semaphore_mem>>) src(%dma_wait3A_28 : memref<22000x128xf32, #tpu.memory_space<hbm>>) dst(%arg9 : memref<128x128xf32, #tpu.memory_space<vmem>>)
      %dma_start3A_29 = arith.constant 0 : i32
      %dma_start3A_30 = arith.constant 0 : i32
      %dma_start3A_31 = tpu.memref_slice %arg8[%dma_start3A_29, %dma_start3A_30] : memref<8x128xi32, #tpu.memory_space<vmem>> -> memref<1x128xi32, #tpu.memory_space<vmem>>
      %dma_start3A_32 = tpu.memref_squeeze %dma_start3A_31 : memref<1x128xi32, #tpu.memory_space<vmem>> -> memref<128xi32, #tpu.memory_space<vmem>>
      %dma_start3A_33 = arith.constant 0 : i32
      %dma_start3A_34 = arith.constant 0 : i32
      %dma_start3A_35 = tpu.memref_slice %arg11[%dma_start3A_33, %dma_start3A_34] : memref<10112x128xf32, #tpu.memory_space<vmem_shared>> -> memref<10112x128xf32, #tpu.memory_space<vmem_shared>>
      tpu.enqueue_indirect_dma source(%arg9 : memref<128x128xf32, #tpu.memory_space<vmem>>) target(%dma_start3A_35 : memref<10112x128xf32, #tpu.memory_space<vmem_shared>>) offsets(%dma_start3A_32 : memref<128xi32, #tpu.memory_space<vmem>>) semaphore(%arg14 : memref<!tpu.dma_semaphore, #tpu.memory_space<semaphore_mem>>) {add = true}
      %dma_start3A_36 = arith.constant 1 : i32
      %dma_start3A_37 = arith.constant 0 : i32
      %dma_start3A_38 = tpu.memref_slice %arg7[%dma_start3A_36, %dma_start3A_37] : memref<8x128xi32, #tpu.memory_space<vmem>> -> memref<1x128xi32, #tpu.memory_space<vmem>>
      %dma_start3A_39 = tpu.memref_squeeze %dma_start3A_38 : memref<1x128xi32, #tpu.memory_space<vmem>> -> memref<128xi32, #tpu.memory_space<vmem>>
      %dma_start3A_40 = arith.constant 0 : i32
      %dma_start3A_41 = arith.constant 0 : i32
      %dma_start3A_42 = tpu.memref_slice %arg2[%dma_start3A_40, %dma_start3A_41] : memref<22000x128xf32, #tpu.memory_space<hbm>> -> memref<22000x128xf32, #tpu.memory_space<hbm>>
      tpu.enqueue_indirect_dma source(%dma_start3A_42 : memref<22000x128xf32, #tpu.memory_space<hbm>>) target(%arg10 : memref<128x128xf32, #tpu.memory_space<vmem>>) offsets(%dma_start3A_39 : memref<128xi32, #tpu.memory_space<vmem>>) semaphore(%arg13 : memref<!tpu.dma_semaphore, #tpu.memory_space<semaphore_mem>>)
      %dma_wait3A_43 = arith.constant 1 : i32
      %dma_wait3A_44 = arith.constant 0 : i32
      %dma_wait3A_45 = tpu.memref_slice %arg7[%dma_wait3A_43, %dma_wait3A_44] : memref<8x128xi32, #tpu.memory_space<vmem>> -> memref<1x128xi32, #tpu.memory_space<vmem>>
      %dma_wait3A_46 = tpu.memref_squeeze %dma_wait3A_45 : memref<1x128xi32, #tpu.memory_space<vmem>> -> memref<128xi32, #tpu.memory_space<vmem>>
      %dma_wait3A_47 = arith.constant 0 : i32
      %dma_wait3A_48 = arith.constant 0 : i32
      %dma_wait3A_49 = tpu.memref_slice %arg2[%dma_wait3A_47, %dma_wait3A_48] : memref<22000x128xf32, #tpu.memory_space<hbm>> -> memref<22000x128xf32, #tpu.memory_space<hbm>>
      tpu.wait_indirect_dma semaphore(%arg13 : memref<!tpu.dma_semaphore, #tpu.memory_space<semaphore_mem>>) src(%dma_wait3A_49 : memref<22000x128xf32, #tpu.memory_space<hbm>>) dst(%arg10 : memref<128x128xf32, #tpu.memory_space<vmem>>)
      %dma_start3A_50 = arith.constant 1 : i32
      %dma_start3A_51 = arith.constant 0 : i32
      %dma_start3A_52 = tpu.memref_slice %arg8[%dma_start3A_50, %dma_start3A_51] : memref<8x128xi32, #tpu.memory_space<vmem>> -> memref<1x128xi32, #tpu.memory_space<vmem>>
      %dma_start3A_53 = tpu.memref_squeeze %dma_start3A_52 : memref<1x128xi32, #tpu.memory_space<vmem>> -> memref<128xi32, #tpu.memory_space<vmem>>
      %dma_start3A_54 = arith.constant 0 : i32
      %dma_start3A_55 = arith.constant 0 : i32
      %dma_start3A_56 = tpu.memref_slice %arg11[%dma_start3A_54, %dma_start3A_55] : memref<10112x128xf32, #tpu.memory_space<vmem_shared>> -> memref<10112x128xf32, #tpu.memory_space<vmem_shared>>
      tpu.enqueue_indirect_dma source(%arg10 : memref<128x128xf32, #tpu.memory_space<vmem>>) target(%dma_start3A_56 : memref<10112x128xf32, #tpu.memory_space<vmem_shared>>) offsets(%dma_start3A_53 : memref<128xi32, #tpu.memory_space<vmem>>) semaphore(%arg15 : memref<!tpu.dma_semaphore, #tpu.memory_space<semaphore_mem>>) {add = true}
      %dma_wait3A_57 = arith.constant 0 : i32
      %dma_wait3A_58 = arith.constant 0 : i32
      %dma_wait3A_59 = tpu.memref_slice %arg8[%dma_wait3A_57, %dma_wait3A_58] : memref<8x128xi32, #tpu.memory_space<vmem>> -> memref<1x128xi32, #tpu.memory_space<vmem>>
      %dma_wait3A_60 = tpu.memref_squeeze %dma_wait3A_59 : memref<1x128xi32, #tpu.memory_space<vmem>> -> memref<128xi32, #tpu.memory_space<vmem>>
      %dma_wait3A_61 = arith.constant 0 : i32
      %dma_wait3A_62 = arith.constant 0 : i32
      %dma_wait3A_63 = tpu.memref_slice %arg11[%dma_wait3A_61, %dma_wait3A_62] : memref<10112x128xf32, #tpu.memory_space<vmem_shared>> -> memref<10112x128xf32, #tpu.memory_space<vmem_shared>>
      tpu.wait_indirect_dma semaphore(%arg14 : memref<!tpu.dma_semaphore, #tpu.memory_space<semaphore_mem>>) src(%arg9 : memref<128x128xf32, #tpu.memory_space<vmem>>) dst(%dma_wait3A_63 : memref<10112x128xf32, #tpu.memory_space<vmem_shared>>)
      %dma_start3A_64 = arith.constant 2 : i32
      %dma_start3A_65 = arith.constant 0 : i32
      %dma_start3A_66 = tpu.memref_slice %arg7[%dma_start3A_64, %dma_start3A_65] : memref<8x128xi32, #tpu.memory_space<vmem>> -> memref<1x128xi32, #tpu.memory_space<vmem>>
      %dma_start3A_67 = tpu.memref_squeeze %dma_start3A_66 : memref<1x128xi32, #tpu.memory_space<vmem>> -> memref<128xi32, #tpu.memory_space<vmem>>
      %dma_start3A_68 = arith.constant 0 : i32
      %dma_start3A_69 = arith.constant 0 : i32
      %dma_start3A_70 = tpu.memref_slice %arg2[%dma_start3A_68, %dma_start3A_69] : memref<22000x128xf32, #tpu.memory_space<hbm>> -> memref<22000x128xf32, #tpu.memory_space<hbm>>
      tpu.enqueue_indirect_dma source(%dma_start3A_70 : memref<22000x128xf32, #tpu.memory_space<hbm>>) target(%arg9 : memref<128x128xf32, #tpu.memory_space<vmem>>) offsets(%dma_start3A_67 : memref<128xi32, #tpu.memory_space<vmem>>) semaphore(%arg12 : memref<!tpu.dma_semaphore, #tpu.memory_space<semaphore_mem>>)
      %dma_wait3A_71 = arith.constant 2 : i32
      %dma_wait3A_72 = arith.constant 0 : i32
      %dma_wait3A_73 = tpu.memref_slice %arg7[%dma_wait3A_71, %dma_wait3A_72] : memref<8x128xi32, #tpu.memory_space<vmem>> -> memref<1x128xi32, #tpu.memory_space<vmem>>
      %dma_wait3A_74 = tpu.memref_squeeze %dma_wait3A_73 : memref<1x128xi32, #tpu.memory_space<vmem>> -> memref<128xi32, #tpu.memory_space<vmem>>
      %dma_wait3A_75 = arith.constant 0 : i32
      %dma_wait3A_76 = arith.constant 0 : i32
      %dma_wait3A_77 = tpu.memref_slice %arg2[%dma_wait3A_75, %dma_wait3A_76] : memref<22000x128xf32, #tpu.memory_space<hbm>> -> memref<22000x128xf32, #tpu.memory_space<hbm>>
      tpu.wait_indirect_dma semaphore(%arg12 : memref<!tpu.dma_semaphore, #tpu.memory_space<semaphore_mem>>) src(%dma_wait3A_77 : memref<22000x128xf32, #tpu.memory_space<hbm>>) dst(%arg9 : memref<128x128xf32, #tpu.memory_space<vmem>>)
      %dma_start3A_78 = arith.constant 2 : i32
      %dma_start3A_79 = arith.constant 0 : i32
      %dma_start3A_80 = tpu.memref_slice %arg8[%dma_start3A_78, %dma_start3A_79] : memref<8x128xi32, #tpu.memory_space<vmem>> -> memref<1x128xi32, #tpu.memory_space<vmem>>
      %dma_start3A_81 = tpu.memref_squeeze %dma_start3A_80 : memref<1x128xi32, #tpu.memory_space<vmem>> -> memref<128xi32, #tpu.memory_space<vmem>>
      %dma_start3A_82 = arith.constant 0 : i32
      %dma_start3A_83 = arith.constant 0 : i32
      %dma_start3A_84 = tpu.memref_slice %arg11[%dma_start3A_82, %dma_start3A_83] : memref<10112x128xf32, #tpu.memory_space<vmem_shared>> -> memref<10112x128xf32, #tpu.memory_space<vmem_shared>>
      tpu.enqueue_indirect_dma source(%arg9 : memref<128x128xf32, #tpu.memory_space<vmem>>) target(%dma_start3A_84 : memref<10112x128xf32, #tpu.memory_space<vmem_shared>>) offsets(%dma_start3A_81 : memref<128xi32, #tpu.memory_space<vmem>>) semaphore(%arg14 : memref<!tpu.dma_semaphore, #tpu.memory_space<semaphore_mem>>) {add = true}
      %dma_wait3A_85 = arith.constant 1 : i32
      %dma_wait3A_86 = arith.constant 0 : i32
      %dma_wait3A_87 = tpu.memref_slice %arg8[%dma_wait3A_85, %dma_wait3A_86] : memref<8x128xi32, #tpu.memory_space<vmem>> -> memref<1x128xi32, #tpu.memory_space<vmem>>
      %dma_wait3A_88 = tpu.memref_squeeze %dma_wait3A_87 : memref<1x128xi32, #tpu.memory_space<vmem>> -> memref<128xi32, #tpu.memory_space<vmem>>
      %dma_wait3A_89 = arith.constant 0 : i32
      %dma_wait3A_90 = arith.constant 0 : i32
      %dma_wait3A_91 = tpu.memref_slice %arg11[%dma_wait3A_89, %dma_wait3A_90] : memref<10112x128xf32, #tpu.memory_space<vmem_shared>> -> memref<10112x128xf32, #tpu.memory_space<vmem_shared>>
      tpu.wait_indirect_dma semaphore(%arg15 : memref<!tpu.dma_semaphore, #tpu.memory_space<semaphore_mem>>) src(%arg10 : memref<128x128xf32, #tpu.memory_space<vmem>>) dst(%dma_wait3A_91 : memref<10112x128xf32, #tpu.memory_space<vmem_shared>>)
      %dma_start3A_92 = arith.constant 3 : i32
      %dma_start3A_93 = arith.constant 0 : i32
      %dma_start3A_94 = tpu.memref_slice %arg7[%dma_start3A_92, %dma_start3A_93] : memref<8x128xi32, #tpu.memory_space<vmem>> -> memref<1x128xi32, #tpu.memory_space<vmem>>
      %dma_start3A_95 = tpu.memref_squeeze %dma_start3A_94 : memref<1x128xi32, #tpu.memory_space<vmem>> -> memref<128xi32, #tpu.memory_space<vmem>>
      %dma_start3A_96 = arith.constant 0 : i32
      %dma_start3A_97 = arith.constant 0 : i32
      %dma_start3A_98 = tpu.memref_slice %arg2[%dma_start3A_96, %dma_start3A_97] : memref<22000x128xf32, #tpu.memory_space<hbm>> -> memref<22000x128xf32, #tpu.memory_space<hbm>>
      tpu.enqueue_indirect_dma source(%dma_start3A_98 : memref<22000x128xf32, #tpu.memory_space<hbm>>) target(%arg10 : memref<128x128xf32, #tpu.memory_space<vmem>>) offsets(%dma_start3A_95 : memref<128xi32, #tpu.memory_space<vmem>>) semaphore(%arg13 : memref<!tpu.dma_semaphore, #tpu.memory_space<semaphore_mem>>)
      %dma_wait3A_99 = arith.constant 3 : i32
      %dma_wait3A_100 = arith.constant 0 : i32
      %dma_wait3A_101 = tpu.memref_slice %arg7[%dma_wait3A_99, %dma_wait3A_100] : memref<8x128xi32, #tpu.memory_space<vmem>> -> memref<1x128xi32, #tpu.memory_space<vmem>>
      %dma_wait3A_102 = tpu.memref_squeeze %dma_wait3A_101 : memref<1x128xi32, #tpu.memory_space<vmem>> -> memref<128xi32, #tpu.memory_space<vmem>>
      %dma_wait3A_103 = arith.constant 0 : i32
      %dma_wait3A_104 = arith.constant 0 : i32
      %dma_wait3A_105 = tpu.memref_slice %arg2[%dma_wait3A_103, %dma_wait3A_104] : memref<22000x128xf32, #tpu.memory_space<hbm>> -> memref<22000x128xf32, #tpu.memory_space<hbm>>
      tpu.wait_indirect_dma semaphore(%arg13 : memref<!tpu.dma_semaphore, #tpu.memory_space<semaphore_mem>>) src(%dma_wait3A_105 : memref<22000x128xf32, #tpu.memory_space<hbm>>) dst(%arg10 : memref<128x128xf32, #tpu.memory_space<vmem>>)
      %dma_start3A_106 = arith.constant 3 : i32
      %dma_start3A_107 = arith.constant 0 : i32
      %dma_start3A_108 = tpu.memref_slice %arg8[%dma_start3A_106, %dma_start3A_107] : memref<8x128xi32, #tpu.memory_space<vmem>> -> memref<1x128xi32, #tpu.memory_space<vmem>>
      %dma_start3A_109 = tpu.memref_squeeze %dma_start3A_108 : memref<1x128xi32, #tpu.memory_space<vmem>> -> memref<128xi32, #tpu.memory_space<vmem>>
      %dma_start3A_110 = arith.constant 0 : i32
      %dma_start3A_111 = arith.constant 0 : i32
      %dma_start3A_112 = tpu.memref_slice %arg11[%dma_start3A_110, %dma_start3A_111] : memref<10112x128xf32, #tpu.memory_space<vmem_shared>> -> memref<10112x128xf32, #tpu.memory_space<vmem_shared>>
      tpu.enqueue_indirect_dma source(%arg10 : memref<128x128xf32, #tpu.memory_space<vmem>>) target(%dma_start3A_112 : memref<10112x128xf32, #tpu.memory_space<vmem_shared>>) offsets(%dma_start3A_109 : memref<128xi32, #tpu.memory_space<vmem>>) semaphore(%arg15 : memref<!tpu.dma_semaphore, #tpu.memory_space<semaphore_mem>>) {add = true}
      %dma_wait3A_113 = arith.constant 2 : i32
      %dma_wait3A_114 = arith.constant 0 : i32
      %dma_wait3A_115 = tpu.memref_slice %arg8[%dma_wait3A_113, %dma_wait3A_114] : memref<8x128xi32, #tpu.memory_space<vmem>> -> memref<1x128xi32, #tpu.memory_space<vmem>>
      %dma_wait3A_116 = tpu.memref_squeeze %dma_wait3A_115 : memref<1x128xi32, #tpu.memory_space<vmem>> -> memref<128xi32, #tpu.memory_space<vmem>>
      %dma_wait3A_117 = arith.constant 0 : i32
      %dma_wait3A_118 = arith.constant 0 : i32
      %dma_wait3A_119 = tpu.memref_slice %arg11[%dma_wait3A_117, %dma_wait3A_118] : memref<10112x128xf32, #tpu.memory_space<vmem_shared>> -> memref<10112x128xf32, #tpu.memory_space<vmem_shared>>
      tpu.wait_indirect_dma semaphore(%arg14 : memref<!tpu.dma_semaphore, #tpu.memory_space<semaphore_mem>>) src(%arg9 : memref<128x128xf32, #tpu.memory_space<vmem>>) dst(%dma_wait3A_119 : memref<10112x128xf32, #tpu.memory_space<vmem_shared>>)
      %dma_start3A_120 = arith.constant 4 : i32
      %dma_start3A_121 = arith.constant 0 : i32
      %dma_start3A_122 = tpu.memref_slice %arg7[%dma_start3A_120, %dma_start3A_121] : memref<8x128xi32, #tpu.memory_space<vmem>> -> memref<1x128xi32, #tpu.memory_space<vmem>>
      %dma_start3A_123 = tpu.memref_squeeze %dma_start3A_122 : memref<1x128xi32, #tpu.memory_space<vmem>> -> memref<128xi32, #tpu.memory_space<vmem>>
      %dma_start3A_124 = arith.constant 0 : i32
      %dma_start3A_125 = arith.constant 0 : i32
      %dma_start3A_126 = tpu.memref_slice %arg2[%dma_start3A_124, %dma_start3A_125] : memref<22000x128xf32, #tpu.memory_space<hbm>> -> memref<22000x128xf32, #tpu.memory_space<hbm>>
      tpu.enqueue_indirect_dma source(%dma_start3A_126 : memref<22000x128xf32, #tpu.memory_space<hbm>>) target(%arg9 : memref<128x128xf32, #tpu.memory_space<vmem>>) offsets(%dma_start3A_123 : memref<128xi32, #tpu.memory_space<vmem>>) semaphore(%arg12 : memref<!tpu.dma_semaphore, #tpu.memory_space<semaphore_mem>>)
      %dma_wait3A_127 = arith.constant 4 : i32
      %dma_wait3A_128 = arith.constant 0 : i32
      %dma_wait3A_129 = tpu.memref_slice %arg7[%dma_wait3A_127, %dma_wait3A_128] : memref<8x128xi32, #tpu.memory_space<vmem>> -> memref<1x128xi32, #tpu.memory_space<vmem>>
      %dma_wait3A_130 = tpu.memref_squeeze %dma_wait3A_129 : memref<1x128xi32, #tpu.memory_space<vmem>> -> memref<128xi32, #tpu.memory_space<vmem>>
      %dma_wait3A_131 = arith.constant 0 : i32
      %dma_wait3A_132 = arith.constant 0 : i32
      %dma_wait3A_133 = tpu.memref_slice %arg2[%dma_wait3A_131, %dma_wait3A_132] : memref<22000x128xf32, #tpu.memory_space<hbm>> -> memref<22000x128xf32, #tpu.memory_space<hbm>>
      tpu.wait_indirect_dma semaphore(%arg12 : memref<!tpu.dma_semaphore, #tpu.memory_space<semaphore_mem>>) src(%dma_wait3A_133 : memref<22000x128xf32, #tpu.memory_space<hbm>>) dst(%arg9 : memref<128x128xf32, #tpu.memory_space<vmem>>)
      %dma_start3A_134 = arith.constant 4 : i32
      %dma_start3A_135 = arith.constant 0 : i32
      %dma_start3A_136 = tpu.memref_slice %arg8[%dma_start3A_134, %dma_start3A_135] : memref<8x128xi32, #tpu.memory_space<vmem>> -> memref<1x128xi32, #tpu.memory_space<vmem>>
      %dma_start3A_137 = tpu.memref_squeeze %dma_start3A_136 : memref<1x128xi32, #tpu.memory_space<vmem>> -> memref<128xi32, #tpu.memory_space<vmem>>
      %dma_start3A_138 = arith.constant 0 : i32
      %dma_start3A_139 = arith.constant 0 : i32
      %dma_start3A_140 = tpu.memref_slice %arg11[%dma_start3A_138, %dma_start3A_139] : memref<10112x128xf32, #tpu.memory_space<vmem_shared>> -> memref<10112x128xf32, #tpu.memory_space<vmem_shared>>
      tpu.enqueue_indirect_dma source(%arg9 : memref<128x128xf32, #tpu.memory_space<vmem>>) target(%dma_start3A_140 : memref<10112x128xf32, #tpu.memory_space<vmem_shared>>) offsets(%dma_start3A_137 : memref<128xi32, #tpu.memory_space<vmem>>) semaphore(%arg14 : memref<!tpu.dma_semaphore, #tpu.memory_space<semaphore_mem>>) {add = true}
      %dma_wait3A_141 = arith.constant 3 : i32
      %dma_wait3A_142 = arith.constant 0 : i32
      %dma_wait3A_143 = tpu.memref_slice %arg8[%dma_wait3A_141, %dma_wait3A_142] : memref<8x128xi32, #tpu.memory_space<vmem>> -> memref<1x128xi32, #tpu.memory_space<vmem>>
      %dma_wait3A_144 = tpu.memref_squeeze %dma_wait3A_143 : memref<1x128xi32, #tpu.memory_space<vmem>> -> memref<128xi32, #tpu.memory_space<vmem>>
      %dma_wait3A_145 = arith.constant 0 : i32
      %dma_wait3A_146 = arith.constant 0 : i32
      %dma_wait3A_147 = tpu.memref_slice %arg11[%dma_wait3A_145, %dma_wait3A_146] : memref<10112x128xf32, #tpu.memory_space<vmem_shared>> -> memref<10112x128xf32, #tpu.memory_space<vmem_shared>>
      tpu.wait_indirect_dma semaphore(%arg15 : memref<!tpu.dma_semaphore, #tpu.memory_space<semaphore_mem>>) src(%arg10 : memref<128x128xf32, #tpu.memory_space<vmem>>) dst(%dma_wait3A_147 : memref<10112x128xf32, #tpu.memory_space<vmem_shared>>)
      %dma_start3A_148 = arith.constant 5 : i32
      %dma_start3A_149 = arith.constant 0 : i32
      %dma_start3A_150 = tpu.memref_slice %arg7[%dma_start3A_148, %dma_start3A_149] : memref<8x128xi32, #tpu.memory_space<vmem>> -> memref<1x128xi32, #tpu.memory_space<vmem>>
      %dma_start3A_151 = tpu.memref_squeeze %dma_start3A_150 : memref<1x128xi32, #tpu.memory_space<vmem>> -> memref<128xi32, #tpu.memory_space<vmem>>
      %dma_start3A_152 = arith.constant 0 : i32
      %dma_start3A_153 = arith.constant 0 : i32
      %dma_start3A_154 = tpu.memref_slice %arg2[%dma_start3A_152, %dma_start3A_153] : memref<22000x128xf32, #tpu.memory_space<hbm>> -> memref<22000x128xf32, #tpu.memory_space<hbm>>
      tpu.enqueue_indirect_dma source(%dma_start3A_154 : memref<22000x128xf32, #tpu.memory_space<hbm>>) target(%arg10 : memref<128x128xf32, #tpu.memory_space<vmem>>) offsets(%dma_start3A_151 : memref<128xi32, #tpu.memory_space<vmem>>) semaphore(%arg13 : memref<!tpu.dma_semaphore, #tpu.memory_space<semaphore_mem>>)
      %dma_wait3A_155 = arith.constant 5 : i32
      %dma_wait3A_156 = arith.constant 0 : i32
      %dma_wait3A_157 = tpu.memref_slice %arg7[%dma_wait3A_155, %dma_wait3A_156] : memref<8x128xi32, #tpu.memory_space<vmem>> -> memref<1x128xi32, #tpu.memory_space<vmem>>
      %dma_wait3A_158 = tpu.memref_squeeze %dma_wait3A_157 : memref<1x128xi32, #tpu.memory_space<vmem>> -> memref<128xi32, #tpu.memory_space<vmem>>
      %dma_wait3A_159 = arith.constant 0 : i32
      %dma_wait3A_160 = arith.constant 0 : i32
      %dma_wait3A_161 = tpu.memref_slice %arg2[%dma_wait3A_159, %dma_wait3A_160] : memref<22000x128xf32, #tpu.memory_space<hbm>> -> memref<22000x128xf32, #tpu.memory_space<hbm>>
      tpu.wait_indirect_dma semaphore(%arg13 : memref<!tpu.dma_semaphore, #tpu.memory_space<semaphore_mem>>) src(%dma_wait3A_161 : memref<22000x128xf32, #tpu.memory_space<hbm>>) dst(%arg10 : memref<128x128xf32, #tpu.memory_space<vmem>>)
      %dma_start3A_162 = arith.constant 5 : i32
      %dma_start3A_163 = arith.constant 0 : i32
      %dma_start3A_164 = tpu.memref_slice %arg8[%dma_start3A_162, %dma_start3A_163] : memref<8x128xi32, #tpu.memory_space<vmem>> -> memref<1x128xi32, #tpu.memory_space<vmem>>
      %dma_start3A_165 = tpu.memref_squeeze %dma_start3A_164 : memref<1x128xi32, #tpu.memory_space<vmem>> -> memref<128xi32, #tpu.memory_space<vmem>>
      %dma_start3A_166 = arith.constant 0 : i32
      %dma_start3A_167 = arith.constant 0 : i32
      %dma_start3A_168 = tpu.memref_slice %arg11[%dma_start3A_166, %dma_start3A_167] : memref<10112x128xf32, #tpu.memory_space<vmem_shared>> -> memref<10112x128xf32, #tpu.memory_space<vmem_shared>>
      tpu.enqueue_indirect_dma source(%arg10 : memref<128x128xf32, #tpu.memory_space<vmem>>) target(%dma_start3A_168 : memref<10112x128xf32, #tpu.memory_space<vmem_shared>>) offsets(%dma_start3A_165 : memref<128xi32, #tpu.memory_space<vmem>>) semaphore(%arg15 : memref<!tpu.dma_semaphore, #tpu.memory_space<semaphore_mem>>) {add = true}
      %dma_wait3A_169 = arith.constant 4 : i32
      %dma_wait3A_170 = arith.constant 0 : i32
      %dma_wait3A_171 = tpu.memref_slice %arg8[%dma_wait3A_169, %dma_wait3A_170] : memref<8x128xi32, #tpu.memory_space<vmem>> -> memref<1x128xi32, #tpu.memory_space<vmem>>
      %dma_wait3A_172 = tpu.memref_squeeze %dma_wait3A_171 : memref<1x128xi32, #tpu.memory_space<vmem>> -> memref<128xi32, #tpu.memory_space<vmem>>
      %dma_wait3A_173 = arith.constant 0 : i32
      %dma_wait3A_174 = arith.constant 0 : i32
      %dma_wait3A_175 = tpu.memref_slice %arg11[%dma_wait3A_173, %dma_wait3A_174] : memref<10112x128xf32, #tpu.memory_space<vmem_shared>> -> memref<10112x128xf32, #tpu.memory_space<vmem_shared>>
      tpu.wait_indirect_dma semaphore(%arg14 : memref<!tpu.dma_semaphore, #tpu.memory_space<semaphore_mem>>) src(%arg9 : memref<128x128xf32, #tpu.memory_space<vmem>>) dst(%dma_wait3A_175 : memref<10112x128xf32, #tpu.memory_space<vmem_shared>>)
      %dma_start3A_176 = arith.constant 6 : i32
      %dma_start3A_177 = arith.constant 0 : i32
      %dma_start3A_178 = tpu.memref_slice %arg7[%dma_start3A_176, %dma_start3A_177] : memref<8x128xi32, #tpu.memory_space<vmem>> -> memref<1x128xi32, #tpu.memory_space<vmem>>
      %dma_start3A_179 = tpu.memref_squeeze %dma_start3A_178 : memref<1x128xi32, #tpu.memory_space<vmem>> -> memref<128xi32, #tpu.memory_space<vmem>>
      %dma_start3A_180 = arith.constant 0 : i32
      %dma_start3A_181 = arith.constant 0 : i32
      %dma_start3A_182 = tpu.memref_slice %arg2[%dma_start3A_180, %dma_start3A_181] : memref<22000x128xf32, #tpu.memory_space<hbm>> -> memref<22000x128xf32, #tpu.memory_space<hbm>>
      tpu.enqueue_indirect_dma source(%dma_start3A_182 : memref<22000x128xf32, #tpu.memory_space<hbm>>) target(%arg9 : memref<128x128xf32, #tpu.memory_space<vmem>>) offsets(%dma_start3A_179 : memref<128xi32, #tpu.memory_space<vmem>>) semaphore(%arg12 : memref<!tpu.dma_semaphore, #tpu.memory_space<semaphore_mem>>)
      %dma_wait3A_183 = arith.constant 6 : i32
      %dma_wait3A_184 = arith.constant 0 : i32
      %dma_wait3A_185 = tpu.memref_slice %arg7[%dma_wait3A_183, %dma_wait3A_184] : memref<8x128xi32, #tpu.memory_space<vmem>> -> memref<1x128xi32, #tpu.memory_space<vmem>>
      %dma_wait3A_186 = tpu.memref_squeeze %dma_wait3A_185 : memref<1x128xi32, #tpu.memory_space<vmem>> -> memref<128xi32, #tpu.memory_space<vmem>>
      %dma_wait3A_187 = arith.constant 0 : i32
      %dma_wait3A_188 = arith.constant 0 : i32
      %dma_wait3A_189 = tpu.memref_slice %arg2[%dma_wait3A_187, %dma_wait3A_188] : memref<22000x128xf32, #tpu.memory_space<hbm>> -> memref<22000x128xf32, #tpu.memory_space<hbm>>
      tpu.wait_indirect_dma semaphore(%arg12 : memref<!tpu.dma_semaphore, #tpu.memory_space<semaphore_mem>>) src(%dma_wait3A_189 : memref<22000x128xf32, #tpu.memory_space<hbm>>) dst(%arg9 : memref<128x128xf32, #tpu.memory_space<vmem>>)
      %dma_start3A_190 = arith.constant 6 : i32
      %dma_start3A_191 = arith.constant 0 : i32
      %dma_start3A_192 = tpu.memref_slice %arg8[%dma_start3A_190, %dma_start3A_191] : memref<8x128xi32, #tpu.memory_space<vmem>> -> memref<1x128xi32, #tpu.memory_space<vmem>>
      %dma_start3A_193 = tpu.memref_squeeze %dma_start3A_192 : memref<1x128xi32, #tpu.memory_space<vmem>> -> memref<128xi32, #tpu.memory_space<vmem>>
      %dma_start3A_194 = arith.constant 0 : i32
      %dma_start3A_195 = arith.constant 0 : i32
      %dma_start3A_196 = tpu.memref_slice %arg11[%dma_start3A_194, %dma_start3A_195] : memref<10112x128xf32, #tpu.memory_space<vmem_shared>> -> memref<10112x128xf32, #tpu.memory_space<vmem_shared>>
      tpu.enqueue_indirect_dma source(%arg9 : memref<128x128xf32, #tpu.memory_space<vmem>>) target(%dma_start3A_196 : memref<10112x128xf32, #tpu.memory_space<vmem_shared>>) offsets(%dma_start3A_193 : memref<128xi32, #tpu.memory_space<vmem>>) semaphore(%arg14 : memref<!tpu.dma_semaphore, #tpu.memory_space<semaphore_mem>>) {add = true}
      %dma_wait3A_197 = arith.constant 5 : i32
      %dma_wait3A_198 = arith.constant 0 : i32
      %dma_wait3A_199 = tpu.memref_slice %arg8[%dma_wait3A_197, %dma_wait3A_198] : memref<8x128xi32, #tpu.memory_space<vmem>> -> memref<1x128xi32, #tpu.memory_space<vmem>>
      %dma_wait3A_200 = tpu.memref_squeeze %dma_wait3A_199 : memref<1x128xi32, #tpu.memory_space<vmem>> -> memref<128xi32, #tpu.memory_space<vmem>>
      %dma_wait3A_201 = arith.constant 0 : i32
      %dma_wait3A_202 = arith.constant 0 : i32
      %dma_wait3A_203 = tpu.memref_slice %arg11[%dma_wait3A_201, %dma_wait3A_202] : memref<10112x128xf32, #tpu.memory_space<vmem_shared>> -> memref<10112x128xf32, #tpu.memory_space<vmem_shared>>
      tpu.wait_indirect_dma semaphore(%arg15 : memref<!tpu.dma_semaphore, #tpu.memory_space<semaphore_mem>>) src(%arg10 : memref<128x128xf32, #tpu.memory_space<vmem>>) dst(%dma_wait3A_203 : memref<10112x128xf32, #tpu.memory_space<vmem_shared>>)
      %dma_start3A_204 = arith.constant 7 : i32
      %dma_start3A_205 = arith.constant 0 : i32
      %dma_start3A_206 = tpu.memref_slice %arg7[%dma_start3A_204, %dma_start3A_205] : memref<8x128xi32, #tpu.memory_space<vmem>> -> memref<1x128xi32, #tpu.memory_space<vmem>>
      %dma_start3A_207 = tpu.memref_squeeze %dma_start3A_206 : memref<1x128xi32, #tpu.memory_space<vmem>> -> memref<128xi32, #tpu.memory_space<vmem>>
      %dma_start3A_208 = arith.constant 0 : i32
      %dma_start3A_209 = arith.constant 0 : i32
      %dma_start3A_210 = tpu.memref_slice %arg2[%dma_start3A_208, %dma_start3A_209] : memref<22000x128xf32, #tpu.memory_space<hbm>> -> memref<22000x128xf32, #tpu.memory_space<hbm>>
      tpu.enqueue_indirect_dma source(%dma_start3A_210 : memref<22000x128xf32, #tpu.memory_space<hbm>>) target(%arg10 : memref<128x128xf32, #tpu.memory_space<vmem>>) offsets(%dma_start3A_207 : memref<128xi32, #tpu.memory_space<vmem>>) semaphore(%arg13 : memref<!tpu.dma_semaphore, #tpu.memory_space<semaphore_mem>>)
      %dma_wait3A_211 = arith.constant 7 : i32
      %dma_wait3A_212 = arith.constant 0 : i32
      %dma_wait3A_213 = tpu.memref_slice %arg7[%dma_wait3A_211, %dma_wait3A_212] : memref<8x128xi32, #tpu.memory_space<vmem>> -> memref<1x128xi32, #tpu.memory_space<vmem>>
      %dma_wait3A_214 = tpu.memref_squeeze %dma_wait3A_213 : memref<1x128xi32, #tpu.memory_space<vmem>> -> memref<128xi32, #tpu.memory_space<vmem>>
      %dma_wait3A_215 = arith.constant 0 : i32
      %dma_wait3A_216 = arith.constant 0 : i32
      %dma_wait3A_217 = tpu.memref_slice %arg2[%dma_wait3A_215, %dma_wait3A_216] : memref<22000x128xf32, #tpu.memory_space<hbm>> -> memref<22000x128xf32, #tpu.memory_space<hbm>>
      tpu.wait_indirect_dma semaphore(%arg13 : memref<!tpu.dma_semaphore, #tpu.memory_space<semaphore_mem>>) src(%dma_wait3A_217 : memref<22000x128xf32, #tpu.memory_space<hbm>>) dst(%arg10 : memref<128x128xf32, #tpu.memory_space<vmem>>)
      %dma_start3A_218 = arith.constant 7 : i32
      %dma_start3A_219 = arith.constant 0 : i32
      %dma_start3A_220 = tpu.memref_slice %arg8[%dma_start3A_218, %dma_start3A_219] : memref<8x128xi32, #tpu.memory_space<vmem>> -> memref<1x128xi32, #tpu.memory_space<vmem>>
      %dma_start3A_221 = tpu.memref_squeeze %dma_start3A_220 : memref<1x128xi32, #tpu.memory_space<vmem>> -> memref<128xi32, #tpu.memory_space<vmem>>
      %dma_start3A_222 = arith.constant 0 : i32
      %dma_start3A_223 = arith.constant 0 : i32
      %dma_start3A_224 = tpu.memref_slice %arg11[%dma_start3A_222, %dma_start3A_223] : memref<10112x128xf32, #tpu.memory_space<vmem_shared>> -> memref<10112x128xf32, #tpu.memory_space<vmem_shared>>
      tpu.enqueue_indirect_dma source(%arg10 : memref<128x128xf32, #tpu.memory_space<vmem>>) target(%dma_start3A_224 : memref<10112x128xf32, #tpu.memory_space<vmem_shared>>) offsets(%dma_start3A_221 : memref<128xi32, #tpu.memory_space<vmem>>) semaphore(%arg15 : memref<!tpu.dma_semaphore, #tpu.memory_space<semaphore_mem>>) {add = true}
      %dma_wait3A_225 = arith.constant 6 : i32
      %dma_wait3A_226 = arith.constant 0 : i32
      %dma_wait3A_227 = tpu.memref_slice %arg8[%dma_wait3A_225, %dma_wait3A_226] : memref<8x128xi32, #tpu.memory_space<vmem>> -> memref<1x128xi32, #tpu.memory_space<vmem>>
      %dma_wait3A_228 = tpu.memref_squeeze %dma_wait3A_227 : memref<1x128xi32, #tpu.memory_space<vmem>> -> memref<128xi32, #tpu.memory_space<vmem>>
      %dma_wait3A_229 = arith.constant 0 : i32
      %dma_wait3A_230 = arith.constant 0 : i32
      %dma_wait3A_231 = tpu.memref_slice %arg11[%dma_wait3A_229, %dma_wait3A_230] : memref<10112x128xf32, #tpu.memory_space<vmem_shared>> -> memref<10112x128xf32, #tpu.memory_space<vmem_shared>>
      tpu.wait_indirect_dma semaphore(%arg14 : memref<!tpu.dma_semaphore, #tpu.memory_space<semaphore_mem>>) src(%arg9 : memref<128x128xf32, #tpu.memory_space<vmem>>) dst(%dma_wait3A_231 : memref<10112x128xf32, #tpu.memory_space<vmem_shared>>)
      %dma_wait3A_232 = arith.constant 7 : i32
      %dma_wait3A_233 = arith.constant 0 : i32
      %dma_wait3A_234 = tpu.memref_slice %arg8[%dma_wait3A_232, %dma_wait3A_233] : memref<8x128xi32, #tpu.memory_space<vmem>> -> memref<1x128xi32, #tpu.memory_space<vmem>>
      %dma_wait3A_235 = tpu.memref_squeeze %dma_wait3A_234 : memref<1x128xi32, #tpu.memory_space<vmem>> -> memref<128xi32, #tpu.memory_space<vmem>>
      %dma_wait3A_236 = arith.constant 0 : i32
      %dma_wait3A_237 = arith.constant 0 : i32
      %dma_wait3A_238 = tpu.memref_slice %arg11[%dma_wait3A_236, %dma_wait3A_237] : memref<10112x128xf32, #tpu.memory_space<vmem_shared>> -> memref<10112x128xf32, #tpu.memory_space<vmem_shared>>
      tpu.wait_indirect_dma semaphore(%arg15 : memref<!tpu.dma_semaphore, #tpu.memory_space<semaphore_mem>>) src(%arg10 : memref<128x128xf32, #tpu.memory_space<vmem>>) dst(%dma_wait3A_238 : memref<10112x128xf32, #tpu.memory_space<vmem_shared>>)
    }
    %scan3A_14 = arith.constant 21 : i32
    %barrier3A_15 = arith.constant 0 : index
    tpu.barrier barrier_id(%barrier3A_15)
    "tpu.region"() ({
      %run_scoped3A = tpu.sem_alloc : memref<!tpu.dma_semaphore, #tpu.memory_space<semaphore_mem>>
      %dma_start3A = arith.constant 0 : i32
      %dma_start3A_16 = arith.constant 0 : i32
      %dma_start3A_17 = tpu.memref_slice %arg6[%arg0, %dma_start3A, %dma_start3A_16] : memref<2x10112x128xf32, #tpu.memory_space<hbm>> -> memref<1x10112x128xf32, #tpu.memory_space<hbm>>
      %dma_start3A_18 = tpu.memref_squeeze %dma_start3A_17 : memref<1x10112x128xf32, #tpu.memory_space<hbm>> -> memref<10112x128xf32, #tpu.memory_space<hbm>>
      %dma_start3A_19 = arith.constant 0 : i32
      %dma_start3A_20 = tpu.memref_slice %dma_start3A_18[%mul3A_0, %dma_start3A_19] : memref<10112x128xf32, #tpu.memory_space<hbm>> -> memref<632x128xf32, #tpu.memory_space<hbm>>
      %dma_start3A_21 = arith.constant 0 : i32
      %dma_start3A_22 = tpu.memref_slice %arg11[%mul3A_0, %dma_start3A_21] : memref<10112x128xf32, #tpu.memory_space<vmem_shared>> -> memref<632x128xf32, #tpu.memory_space<vmem_shared>>
      tpu.enqueue_dma source(%dma_start3A_22 : memref<632x128xf32, #tpu.memory_space<vmem_shared>>) target(%dma_start3A_20 : memref<632x128xf32, #tpu.memory_space<hbm>>) target_semaphore(%run_scoped3A : memref<!tpu.dma_semaphore, #tpu.memory_space<semaphore_mem>>)
      %dma_wait3A = arith.constant 0 : i32
      %dma_wait3A_23 = arith.constant 0 : i32
      %dma_wait3A_24 = tpu.memref_slice %arg6[%arg0, %dma_wait3A, %dma_wait3A_23] : memref<2x10112x128xf32, #tpu.memory_space<hbm>> -> memref<1x10112x128xf32, #tpu.memory_space<hbm>>
      %dma_wait3A_25 = tpu.memref_squeeze %dma_wait3A_24 : memref<1x10112x128xf32, #tpu.memory_space<hbm>> -> memref<10112x128xf32, #tpu.memory_space<hbm>>
      %dma_wait3A_26 = arith.constant 0 : i32
      %dma_wait3A_27 = tpu.memref_slice %dma_wait3A_25[%mul3A_0, %dma_wait3A_26] : memref<10112x128xf32, #tpu.memory_space<hbm>> -> memref<632x128xf32, #tpu.memory_space<hbm>>
      %dma_wait3A_28 = arith.constant 0 : i32
      %dma_wait3A_29 = tpu.memref_slice %arg11[%mul3A_0, %dma_wait3A_28] : memref<10112x128xf32, #tpu.memory_space<vmem_shared>> -> memref<632x128xf32, #tpu.memory_space<vmem_shared>>
      tpu.wait_dma2 semaphore(%run_scoped3A : memref<!tpu.dma_semaphore, #tpu.memory_space<semaphore_mem>>) src(%dma_wait3A_29 : memref<632x128xf32, #tpu.memory_space<vmem_shared>>) dst(%dma_wait3A_27 : memref<632x128xf32, #tpu.memory_space<hbm>>)
      tpu.yield
    }) : () -> ()
    return
  }
}

module attributes {stable_mosaic.version = 14 : i64} {
  func.func @_tc1_body(%arg0: i32, %arg1: memref<2000x16xf32, #tpu.memory_space<vmem>>, %arg2: memref<2000x128xf32, #tpu.memory_space<vmem>>, %arg3: memref<128x128xf32, #tpu.memory_space<vmem>>, %arg4: memref<2000x128xf32, #tpu.memory_space<vmem>>) attributes {dimension_semantics = [#tpu.dimension_semantics<arbitrary>], iteration_bounds = array<i64: 11>, scalar_prefetch = 0 : i64, scratch_operands = 0 : i64, tpu.core_type = #tpu.core_type<tc>, window_params = [{transform_indices = @transform_0, window_bounds = array<i64: 2000, 16>}, {transform_indices = @transform_1, window_bounds = array<i64: 2000, 128>}, {transform_indices = @transform_2, window_bounds = array<i64: 128, 128>}, {transform_indices = @transform_3, window_bounds = array<i64: 2000, 128>}]} {
    %lt3A = arith.constant 10 : i32
    %lt3A_0 = arith.cmpi slt, %arg0, %lt3A : i32
    %convert_element_type3A = arith.extui %lt3A_0 : i1 to i32
    %cond3A = arith.constant 0 : i32
    %cond3A_1 = arith.cmpi ne, %convert_element_type3A, %cond3A : i32
    scf.if %cond3A_1 {
      %get3A = arith.constant 0 : index
      %get3A_6 = arith.constant 0 : index
      %get3A_7 = vector.load %arg1[%get3A, %get3A_6] : memref<2000x16xf32, #tpu.memory_space<vmem>>, vector<2000x1xf32>
      %max3A = arith.constant 1.000000e+00 : f32
      %max3A_8 = vector.broadcast %max3A : f32 to vector<2000x1xf32>
      %max3A_9 = arith.maximumf %get3A_7, %max3A_8 : vector<2000x1xf32>
      %rsqrt3A = math.rsqrt %max3A_9 : vector<2000x1xf32>
      %get3A_10 = arith.constant 0 : index
      %get3A_11 = arith.constant 0 : index
      %get3A_12 = vector.load %arg2[%get3A_10, %get3A_11] : memref<2000x128xf32, #tpu.memory_space<vmem>>, vector<2000x128xf32>
      %mul3A = vector.broadcast %rsqrt3A : vector<2000x1xf32> to vector<2000x128xf32>
      %mul3A_13 = arith.mulf %get3A_12, %mul3A : vector<2000x128xf32>
      %get3A_14 = arith.constant 0 : index
      %get3A_15 = arith.constant 0 : index
      %get3A_16 = vector.load %arg3[%get3A_14, %get3A_15] : memref<128x128xf32, #tpu.memory_space<vmem>>, vector<128x128xf32>
      %dot_general3A = arith.constant dense<0.000000e+00> : vector<2000x128xf32>
      %dot_general3A_17 = tpu.matmul %mul3A_13, %get3A_16, %dot_general3A {dimension_numbers = #tpu.dot_dimension_numbers<[1], [0], [0], [1], [0, 0, 1, 1], [], []>, transpose_lhs_hint = false} : vector<2000x128xf32>, vector<128x128xf32>, vector<2000x128xf32> -> vector<2000x128xf32>
      %swap3A = arith.constant 0 : index
      %swap3A_18 = arith.constant 0 : index
      %swap3A_19 = vector.load %arg4[%swap3A, %swap3A_18] : memref<2000x128xf32, #tpu.memory_space<vmem>>, vector<2000x128xf32>
      tpu.vector_store %arg4[%swap3A, %swap3A_18], %dot_general3A_17 {strides = array<i32>} : memref<2000x128xf32, #tpu.memory_space<vmem>>, vector<2000x128xf32>,
    } else {
    }
    %ge3A = arith.constant 10 : i32
    %ge3A_2 = arith.cmpi sge, %arg0, %ge3A : i32
    %convert_element_type3A_3 = arith.extui %ge3A_2 : i1 to i32
    %cond3A_4 = arith.constant 0 : i32
    %cond3A_5 = arith.cmpi ne, %convert_element_type3A_3, %cond3A_4 : i32
    scf.if %cond3A_5 {
      %broadcast_in_dim3A = arith.constant 0.000000e+00 : f32
      %broadcast_in_dim3A_6 = vector.broadcast %broadcast_in_dim3A : f32 to vector<2000x128xf32>
      %swap3A = arith.constant 0 : index
      %swap3A_7 = arith.constant 0 : index
      %swap3A_8 = vector.load %arg4[%swap3A, %swap3A_7] : memref<2000x128xf32, #tpu.memory_space<vmem>>, vector<2000x128xf32>
      tpu.vector_store %arg4[%swap3A, %swap3A_7], %broadcast_in_dim3A_6 {strides = array<i32>} : memref<2000x128xf32, #tpu.memory_space<vmem>>, vector<2000x128xf32>,
    } else {
    }
    return
  }
  func.func @transform_0(%arg0: i32) -> (i32, i32) {
    %jit3A = arith.constant 5 : i32
    %eq3A = arith.constant 0 : i32
    %eq3A_0 = arith.cmpi eq, %jit3A, %eq3A : i32
    %jit3A_1 = arith.constant 1 : i32
    %select_n3A = arith.select %eq3A_0, %jit3A_1, %jit3A : i32
    %rem3A = arith.remsi %arg0, %select_n3A : i32
    %ne3A = arith.constant 0 : i32
    %ne3A_2 = arith.cmpi ne, %rem3A, %ne3A : i32
    %lt3A = arith.constant 0 : i32
    %lt3A_3 = arith.cmpi slt, %rem3A, %lt3A : i32
    %lt3A_4 = arith.constant 0 : i32
    %lt3A_5 = arith.cmpi slt, %select_n3A, %lt3A_4 : i32
    %ne3A_6 = arith.xori %lt3A_3, %lt3A_5 : i1
    %and3A = arith.andi %ne3A_6, %ne3A_2 : i1
    %add3A = arith.addi %rem3A, %select_n3A : i32
    %select_n3A_7 = arith.select %and3A, %add3A, %rem3A : i32
    %c0_i32 = arith.constant 0 : i32
    %c0_i32_8 = arith.constant 0 : i32
    return %select_n3A_7, %c0_i32 : i32, i32
  }
  func.func @transform_1(%arg0: i32) -> (i32, i32) {
    %jit3A = arith.constant 5 : i32
    %eq3A = arith.constant 0 : i32
    %eq3A_0 = arith.cmpi eq, %jit3A, %eq3A : i32
    %jit3A_1 = arith.constant 1 : i32
    %select_n3A = arith.select %eq3A_0, %jit3A_1, %jit3A : i32
    %rem3A = arith.remsi %arg0, %select_n3A : i32
    %ne3A = arith.constant 0 : i32
    %ne3A_2 = arith.cmpi ne, %rem3A, %ne3A : i32
    %lt3A = arith.constant 0 : i32
    %lt3A_3 = arith.cmpi slt, %rem3A, %lt3A : i32
    %lt3A_4 = arith.constant 0 : i32
    %lt3A_5 = arith.cmpi slt, %select_n3A, %lt3A_4 : i32
    %ne3A_6 = arith.xori %lt3A_3, %lt3A_5 : i1
    %and3A = arith.andi %ne3A_6, %ne3A_2 : i1
    %add3A = arith.addi %rem3A, %select_n3A : i32
    %select_n3A_7 = arith.select %and3A, %add3A, %rem3A : i32
    %c0_i32 = arith.constant 0 : i32
    %c0_i32_8 = arith.constant 0 : i32
    return %select_n3A_7, %c0_i32 : i32, i32
  }
  func.func @transform_2(%arg0: i32) -> (i32, i32) {
    %jit3A = arith.constant 5 : i32
    %div3A = arith.divsi %arg0, %jit3A : i32
    %sign3A = arith.constant 0 : i32
    %sign3A_0 = arith.cmpi sgt, %arg0, %sign3A : i32
    %sign3A_1 = arith.extui %sign3A_0 : i1 to i32
    %sign3A_2 = arith.constant 0 : i32
    %sign3A_3 = arith.cmpi slt, %arg0, %sign3A_2 : i32
    %sign3A_4 = arith.extui %sign3A_3 : i1 to i32
    %sign3A_5 = arith.subi %sign3A_1, %sign3A_4 : i32
    %sign3A_6 = arith.constant 0 : i32
    %sign3A_7 = arith.cmpi sgt, %jit3A, %sign3A_6 : i32
    %sign3A_8 = arith.extui %sign3A_7 : i1 to i32
    %sign3A_9 = arith.constant 0 : i32
    %sign3A_10 = arith.cmpi slt, %jit3A, %sign3A_9 : i32
    %sign3A_11 = arith.extui %sign3A_10 : i1 to i32
    %sign3A_12 = arith.subi %sign3A_8, %sign3A_11 : i32
    %ne3A = arith.cmpi ne, %sign3A_5, %sign3A_12 : i32
    %rem3A = arith.remsi %arg0, %jit3A : i32
    %ne3A_13 = arith.constant 0 : i32
    %ne3A_14 = arith.cmpi ne, %rem3A, %ne3A_13 : i32
    %and3A = arith.andi %ne3A, %ne3A_14 : i1
    %sub3A = arith.constant 1 : i32
    %sub3A_15 = arith.subi %div3A, %sub3A : i32
    %select_n3A = arith.select %and3A, %sub3A_15, %div3A : i32
    %jit3A_16 = arith.constant 2 : i32
    %eq3A = arith.constant 0 : i32
    %eq3A_17 = arith.cmpi eq, %jit3A_16, %eq3A : i32
    %jit3A_18 = arith.constant 1 : i32
    %select_n3A_19 = arith.select %eq3A_17, %jit3A_18, %jit3A_16 : i32
    %rem3A_20 = arith.remsi %select_n3A, %select_n3A_19 : i32
    %ne3A_21 = arith.constant 0 : i32
    %ne3A_22 = arith.cmpi ne, %rem3A_20, %ne3A_21 : i32
    %lt3A = arith.constant 0 : i32
    %lt3A_23 = arith.cmpi slt, %rem3A_20, %lt3A : i32
    %lt3A_24 = arith.constant 0 : i32
    %lt3A_25 = arith.cmpi slt, %select_n3A_19, %lt3A_24 : i32
    %ne3A_26 = arith.xori %lt3A_23, %lt3A_25 : i1
    %and3A_27 = arith.andi %ne3A_26, %ne3A_22 : i1
    %add3A = arith.addi %rem3A_20, %select_n3A_19 : i32
    %select_n3A_28 = arith.select %and3A_27, %add3A, %rem3A_20 : i32
    %c0_i32 = arith.constant 0 : i32
    %c0_i32_29 = arith.constant 0 : i32
    return %c0_i32, %select_n3A_28 : i32, i32
  }
  func.func @transform_3(%arg0: i32) -> (i32, i32) {
    %c0_i32 = arith.constant 0 : i32
    %c0_i32_0 = arith.constant 0 : i32
    return %arg0, %c0_i32 : i32, i32
  }
}

module attributes {stable_mosaic.version = 14 : i64} {
  func.func @_tc3_body(%arg0: i32, %arg1: memref<1000x16xf32, #tpu.memory_space<vmem>>, %arg2: memref<1x1000x128xf32, #tpu.memory_space<vmem>>, %arg3: memref<1x1000x128xf32, #tpu.memory_space<vmem>>, %arg4: memref<1x128xf32, #tpu.memory_space<vmem>>, %arg5: memref<128x128xf32, #tpu.memory_space<vmem>>, %arg6: memref<1x128xf32, #tpu.memory_space<vmem>>, %arg7: memref<128x128xf32, #tpu.memory_space<vmem>>, %arg8: memref<1x128xf32, #tpu.memory_space<vmem>>, %arg9: memref<1000x128xf32, #tpu.memory_space<vmem>>) attributes {dimension_semantics = [#tpu.dimension_semantics<arbitrary>], iteration_bounds = array<i64: 10>, scalar_prefetch = 0 : i64, scratch_operands = 0 : i64, tpu.core_type = #tpu.core_type<tc>, window_params = [{transform_indices = @transform_0, window_bounds = array<i64: 1000, 16>}, {transform_indices = @transform_1, window_bounds = array<i64: 1, 1000, 128>}, {transform_indices = @transform_2, window_bounds = array<i64: 1, 1000, 128>}, {pipeline_mode = #tpu.pipeline_mode<synchronous>, transform_indices = @transform_3, window_bounds = array<i64: 1, 128>}, {pipeline_mode = #tpu.pipeline_mode<synchronous>, transform_indices = @transform_4, window_bounds = array<i64: 128, 128>}, {pipeline_mode = #tpu.pipeline_mode<synchronous>, transform_indices = @transform_5, window_bounds = array<i64: 1, 128>}, {pipeline_mode = #tpu.pipeline_mode<synchronous>, transform_indices = @transform_6, window_bounds = array<i64: 128, 128>}, {pipeline_mode = #tpu.pipeline_mode<synchronous>, transform_indices = @transform_7, window_bounds = array<i64: 1, 128>}, {transform_indices = @transform_8, window_bounds = array<i64: 1000, 128>}]} {
    %get3A = arith.constant 0 : index
    %get3A_0 = arith.constant 0 : index
    %get3A_1 = vector.load %arg1[%get3A, %get3A_0] : memref<1000x16xf32, #tpu.memory_space<vmem>>, vector<1000x1xf32>
    %max3A = arith.constant 1.000000e+00 : f32
    %max3A_2 = vector.broadcast %max3A : f32 to vector<1000x1xf32>
    %max3A_3 = arith.maximumf %get3A_1, %max3A_2 : vector<1000x1xf32>
    %rsqrt3A = math.rsqrt %max3A_3 : vector<1000x1xf32>
    %get3A_4 = arith.constant 0 : index
    %get3A_5 = arith.constant 0 : index
    %get3A_6 = arith.constant 0 : index
    %get3A_7 = vector.load %arg2[%get3A_4, %get3A_5, %get3A_6] : memref<1x1000x128xf32, #tpu.memory_space<vmem>>, vector<1x1000x128xf32>
    %get3A_8 = vector.shape_cast %get3A_7 : vector<1x1000x128xf32> to vector<1000x128xf32>
    %get3A_9 = arith.constant 0 : index
    %get3A_10 = arith.constant 0 : index
    %get3A_11 = arith.constant 0 : index
    %get3A_12 = vector.load %arg3[%get3A_9, %get3A_10, %get3A_11] : memref<1x1000x128xf32, #tpu.memory_space<vmem>>, vector<1x1000x128xf32>
    %get3A_13 = vector.shape_cast %get3A_12 : vector<1x1000x128xf32> to vector<1000x128xf32>
    %add3A = arith.addf %get3A_8, %get3A_13 : vector<1000x128xf32>
    %mul3A = vector.broadcast %rsqrt3A : vector<1000x1xf32> to vector<1000x128xf32>
    %mul3A_14 = arith.mulf %add3A, %mul3A : vector<1000x128xf32>
    %get3A_15 = arith.constant 0 : index
    %get3A_16 = arith.constant 0 : index
    %get3A_17 = vector.load %arg4[%get3A_15, %get3A_16] : memref<1x128xf32, #tpu.memory_space<vmem>>, vector<1x128xf32>
    %add3A_18 = vector.broadcast %get3A_17 : vector<1x128xf32> to vector<1000x128xf32>
    %add3A_19 = arith.addf %mul3A_14, %add3A_18 : vector<1000x128xf32>
    %max3A_20 = arith.constant 0.000000e+00 : f32
    %max3A_21 = vector.broadcast %max3A_20 : f32 to vector<1000x128xf32>
    %max3A_22 = arith.maximumf %add3A_19, %max3A_21 : vector<1000x128xf32>
    %get3A_23 = arith.constant 0 : index
    %get3A_24 = arith.constant 0 : index
    %get3A_25 = vector.load %arg5[%get3A_23, %get3A_24] : memref<128x128xf32, #tpu.memory_space<vmem>>, vector<128x128xf32>
    %dot_general3A = arith.constant dense<0.000000e+00> : vector<1000x128xf32>
    %dot_general3A_26 = tpu.matmul %max3A_22, %get3A_25, %dot_general3A {dimension_numbers = #tpu.dot_dimension_numbers<[1], [0], [0], [1], [0, 0, 1, 1], [], []>, transpose_lhs_hint = false} : vector<1000x128xf32>, vector<128x128xf32>, vector<1000x128xf32> -> vector<1000x128xf32>
    %get3A_27 = arith.constant 0 : index
    %get3A_28 = arith.constant 0 : index
    %get3A_29 = vector.load %arg6[%get3A_27, %get3A_28] : memref<1x128xf32, #tpu.memory_space<vmem>>, vector<1x128xf32>
    %add3A_30 = vector.broadcast %get3A_29 : vector<1x128xf32> to vector<1000x128xf32>
    %add3A_31 = arith.addf %dot_general3A_26, %add3A_30 : vector<1000x128xf32>
    %gt3A = arith.constant 0.000000e+00 : f32
    %gt3A_32 = vector.broadcast %gt3A : f32 to vector<1000x128xf32>
    %gt3A_33 = arith.cmpf ogt, %add3A_31, %gt3A_32 : vector<1000x128xf32>
    %exp3A = math.exp %add3A_31 : vector<1000x128xf32>
    %sub3A = arith.constant 1.000000e+00 : f32
    %sub3A_34 = vector.broadcast %sub3A : f32 to vector<1000x128xf32>
    %sub3A_35 = arith.subf %exp3A, %sub3A_34 : vector<1000x128xf32>
    %select_n3A = arith.select %gt3A_33, %add3A_31, %sub3A_35 : vector<1000x128xi1>, vector<1000x128xf32>
    %get3A_36 = arith.constant 0 : index
    %get3A_37 = arith.constant 0 : index
    %get3A_38 = vector.load %arg7[%get3A_36, %get3A_37] : memref<128x128xf32, #tpu.memory_space<vmem>>, vector<128x128xf32>
    %dot_general3A_39 = arith.constant dense<0.000000e+00> : vector<1000x128xf32>
    %dot_general3A_40 = tpu.matmul %select_n3A, %get3A_38, %dot_general3A_39 {dimension_numbers = #tpu.dot_dimension_numbers<[1], [0], [0], [1], [0, 0, 1, 1], [], []>, transpose_lhs_hint = false} : vector<1000x128xf32>, vector<128x128xf32>, vector<1000x128xf32> -> vector<1000x128xf32>
    %get3A_41 = arith.constant 0 : index
    %get3A_42 = arith.constant 0 : index
    %get3A_43 = vector.load %arg8[%get3A_41, %get3A_42] : memref<1x128xf32, #tpu.memory_space<vmem>>, vector<1x128xf32>
    %add3A_44 = vector.broadcast %get3A_43 : vector<1x128xf32> to vector<1000x128xf32>
    %add3A_45 = arith.addf %dot_general3A_40, %add3A_44 : vector<1000x128xf32>
    %swap3A = arith.constant 0 : index
    %swap3A_46 = arith.constant 0 : index
    %swap3A_47 = vector.load %arg9[%swap3A, %swap3A_46] : memref<1000x128xf32, #tpu.memory_space<vmem>>, vector<1000x128xf32>
    tpu.vector_store %arg9[%swap3A, %swap3A_46], %add3A_45 {strides = array<i32>} : memref<1000x128xf32, #tpu.memory_space<vmem>>, vector<1000x128xf32>,
    return
  }
  func.func @transform_0(%arg0: i32) -> (i32, i32) {
    %c0_i32 = arith.constant 0 : i32
    %c0_i32_0 = arith.constant 0 : i32
    return %arg0, %c0_i32 : i32, i32
  }
  func.func @transform_1(%arg0: i32) -> (i32, i32, i32) {
    %c0_i32 = arith.constant 0 : i32
    %c0_i32_0 = arith.constant 0 : i32
    %c0_i32_1 = arith.constant 0 : i32
    return %c0_i32, %arg0, %c0_i32_0 : i32, i32, i32
  }
  func.func @transform_2(%arg0: i32) -> (i32, i32, i32) {
    %c1_i32 = arith.constant 1 : i32
    %c0_i32 = arith.constant 0 : i32
    %c0_i32_0 = arith.constant 0 : i32
    return %c1_i32, %arg0, %c0_i32 : i32, i32, i32
  }
  func.func @transform_3(%arg0: i32) -> (i32, i32) {
    %c0_i32 = arith.constant 0 : i32
    %c0_i32_0 = arith.constant 0 : i32
    %c0_i32_1 = arith.constant 0 : i32
    return %c0_i32, %c0_i32_0 : i32, i32
  }
  func.func @transform_4(%arg0: i32) -> (i32, i32) {
    %c0_i32 = arith.constant 0 : i32
    %c0_i32_0 = arith.constant 0 : i32
    %c0_i32_1 = arith.constant 0 : i32
    return %c0_i32, %c0_i32_0 : i32, i32
  }
  func.func @transform_5(%arg0: i32) -> (i32, i32) {
    %c0_i32 = arith.constant 0 : i32
    %c0_i32_0 = arith.constant 0 : i32
    %c0_i32_1 = arith.constant 0 : i32
    return %c0_i32, %c0_i32_0 : i32, i32
  }
  func.func @transform_6(%arg0: i32) -> (i32, i32) {
    %c0_i32 = arith.constant 0 : i32
    %c0_i32_0 = arith.constant 0 : i32
    %c0_i32_1 = arith.constant 0 : i32
    return %c0_i32, %c0_i32_0 : i32, i32
  }
  func.func @transform_7(%arg0: i32) -> (i32, i32) {
    %c0_i32 = arith.constant 0 : i32
    %c0_i32_0 = arith.constant 0 : i32
    %c0_i32_1 = arith.constant 0 : i32
    return %c0_i32, %c0_i32_0 : i32, i32
  }
  func.func @transform_8(%arg0: i32) -> (i32, i32) {
    %c0_i32 = arith.constant 0 : i32
    %c0_i32_0 = arith.constant 0 : i32
    return %arg0, %c0_i32 : i32, i32
  }
}

module attributes {stable_mosaic.version = 14 : i64} {
  func.func @_tc2_body(%arg0: i32, %arg1: memref<2000x16xf32, #tpu.memory_space<vmem>>, %arg2: memref<1x2000x128xf32, #tpu.memory_space<vmem>>, %arg3: memref<1x2000x128xf32, #tpu.memory_space<vmem>>, %arg4: memref<1x256xf32, #tpu.memory_space<vmem>>, %arg5: memref<256x128xf32, #tpu.memory_space<vmem>>, %arg6: memref<2000x128xf32, #tpu.memory_space<vmem>>) attributes {dimension_semantics = [#tpu.dimension_semantics<arbitrary>], iteration_bounds = array<i64: 6>, scalar_prefetch = 0 : i64, scratch_operands = 0 : i64, tpu.core_type = #tpu.core_type<tc>, window_params = [{transform_indices = @transform_0, window_bounds = array<i64: 2000, 16>}, {transform_indices = @transform_1, window_bounds = array<i64: 1, 2000, 128>}, {transform_indices = @transform_2, window_bounds = array<i64: 1, 2000, 128>}, {pipeline_mode = #tpu.pipeline_mode<synchronous>, transform_indices = @transform_3, window_bounds = array<i64: 1, 256>}, {pipeline_mode = #tpu.pipeline_mode<synchronous>, transform_indices = @transform_4, window_bounds = array<i64: 256, 128>}, {transform_indices = @transform_5, window_bounds = array<i64: 2000, 128>}]} {
    %lt3A = arith.constant 5 : i32
    %lt3A_0 = arith.cmpi slt, %arg0, %lt3A : i32
    %convert_element_type3A = arith.extui %lt3A_0 : i1 to i32
    %cond3A = arith.constant 0 : i32
    %cond3A_1 = arith.cmpi ne, %convert_element_type3A, %cond3A : i32
    scf.if %cond3A_1 {
      %get3A = arith.constant 0 : index
      %get3A_6 = arith.constant 0 : index
      %get3A_7 = vector.load %arg1[%get3A, %get3A_6] : memref<2000x16xf32, #tpu.memory_space<vmem>>, vector<2000x1xf32>
      %max3A = arith.constant 1.000000e+00 : f32
      %max3A_8 = vector.broadcast %max3A : f32 to vector<2000x1xf32>
      %max3A_9 = arith.maximumf %get3A_7, %max3A_8 : vector<2000x1xf32>
      %rsqrt3A = math.rsqrt %max3A_9 : vector<2000x1xf32>
      %get3A_10 = arith.constant 0 : index
      %get3A_11 = arith.constant 0 : index
      %get3A_12 = arith.constant 0 : index
      %get3A_13 = vector.load %arg2[%get3A_10, %get3A_11, %get3A_12] : memref<1x2000x128xf32, #tpu.memory_space<vmem>>, vector<1x2000x128xf32>
      %get3A_14 = vector.shape_cast %get3A_13 : vector<1x2000x128xf32> to vector<2000x128xf32>
      %get3A_15 = arith.constant 0 : index
      %get3A_16 = arith.constant 0 : index
      %get3A_17 = arith.constant 0 : index
      %get3A_18 = vector.load %arg3[%get3A_15, %get3A_16, %get3A_17] : memref<1x2000x128xf32, #tpu.memory_space<vmem>>, vector<1x2000x128xf32>
      %get3A_19 = vector.shape_cast %get3A_18 : vector<1x2000x128xf32> to vector<2000x128xf32>
      %concatenate3A = tpu.concatenate %get3A_14, %get3A_19 in 1 : vector<2000x128xf32>, vector<2000x128xf32> -> vector<2000x256xf32>
      %mul3A = vector.broadcast %rsqrt3A : vector<2000x1xf32> to vector<2000x256xf32>
      %mul3A_20 = arith.mulf %concatenate3A, %mul3A : vector<2000x256xf32>
      %get3A_21 = arith.constant 0 : index
      %get3A_22 = arith.constant 0 : index
      %get3A_23 = vector.load %arg4[%get3A_21, %get3A_22] : memref<1x256xf32, #tpu.memory_space<vmem>>, vector<1x256xf32>
      %add3A = vector.broadcast %get3A_23 : vector<1x256xf32> to vector<2000x256xf32>
      %add3A_24 = arith.addf %mul3A_20, %add3A : vector<2000x256xf32>
      %max3A_25 = arith.constant 0.000000e+00 : f32
      %max3A_26 = vector.broadcast %max3A_25 : f32 to vector<2000x256xf32>
      %max3A_27 = arith.maximumf %add3A_24, %max3A_26 : vector<2000x256xf32>
      %get3A_28 = arith.constant 0 : index
      %get3A_29 = arith.constant 0 : index
      %get3A_30 = vector.load %arg5[%get3A_28, %get3A_29] : memref<256x128xf32, #tpu.memory_space<vmem>>, vector<256x128xf32>
      %dot_general3A = arith.constant dense<0.000000e+00> : vector<2000x128xf32>
      %dot_general3A_31 = tpu.matmul %max3A_27, %get3A_30, %dot_general3A {dimension_numbers = #tpu.dot_dimension_numbers<[1], [0], [0], [1], [0, 0, 1, 1], [], []>, transpose_lhs_hint = false} : vector<2000x256xf32>, vector<256x128xf32>, vector<2000x128xf32> -> vector<2000x128xf32>
      %mul3A_32 = vector.broadcast %rsqrt3A : vector<2000x1xf32> to vector<2000x128xf32>
      %mul3A_33 = arith.mulf %dot_general3A_31, %mul3A_32 : vector<2000x128xf32>
      %swap3A = arith.constant 0 : index
      %swap3A_34 = arith.constant 0 : index
      %swap3A_35 = vector.load %arg6[%swap3A, %swap3A_34] : memref<2000x128xf32, #tpu.memory_space<vmem>>, vector<2000x128xf32>
      tpu.vector_store %arg6[%swap3A, %swap3A_34], %mul3A_33 {strides = array<i32>} : memref<2000x128xf32, #tpu.memory_space<vmem>>, vector<2000x128xf32>,
    } else {
    }
    %ge3A = arith.constant 5 : i32
    %ge3A_2 = arith.cmpi sge, %arg0, %ge3A : i32
    %convert_element_type3A_3 = arith.extui %ge3A_2 : i1 to i32
    %cond3A_4 = arith.constant 0 : i32
    %cond3A_5 = arith.cmpi ne, %convert_element_type3A_3, %cond3A_4 : i32
    scf.if %cond3A_5 {
      %broadcast_in_dim3A = arith.constant 0.000000e+00 : f32
      %broadcast_in_dim3A_6 = vector.broadcast %broadcast_in_dim3A : f32 to vector<2000x128xf32>
      %swap3A = arith.constant 0 : index
      %swap3A_7 = arith.constant 0 : index
      %swap3A_8 = vector.load %arg6[%swap3A, %swap3A_7] : memref<2000x128xf32, #tpu.memory_space<vmem>>, vector<2000x128xf32>
      tpu.vector_store %arg6[%swap3A, %swap3A_7], %broadcast_in_dim3A_6 {strides = array<i32>} : memref<2000x128xf32, #tpu.memory_space<vmem>>, vector<2000x128xf32>,
    } else {
    }
    return
  }
  func.func @transform_0(%arg0: i32) -> (i32, i32) {
    %jit3A = arith.constant 5 : i32
    %eq3A = arith.constant 0 : i32
    %eq3A_0 = arith.cmpi eq, %jit3A, %eq3A : i32
    %jit3A_1 = arith.constant 1 : i32
    %select_n3A = arith.select %eq3A_0, %jit3A_1, %jit3A : i32
    %rem3A = arith.remsi %arg0, %select_n3A : i32
    %ne3A = arith.constant 0 : i32
    %ne3A_2 = arith.cmpi ne, %rem3A, %ne3A : i32
    %lt3A = arith.constant 0 : i32
    %lt3A_3 = arith.cmpi slt, %rem3A, %lt3A : i32
    %lt3A_4 = arith.constant 0 : i32
    %lt3A_5 = arith.cmpi slt, %select_n3A, %lt3A_4 : i32
    %ne3A_6 = arith.xori %lt3A_3, %lt3A_5 : i1
    %and3A = arith.andi %ne3A_6, %ne3A_2 : i1
    %add3A = arith.addi %rem3A, %select_n3A : i32
    %select_n3A_7 = arith.select %and3A, %add3A, %rem3A : i32
    %c0_i32 = arith.constant 0 : i32
    %c0_i32_8 = arith.constant 0 : i32
    return %select_n3A_7, %c0_i32 : i32, i32
  }
  func.func @transform_1(%arg0: i32) -> (i32, i32, i32) {
    %jit3A = arith.constant 5 : i32
    %eq3A = arith.constant 0 : i32
    %eq3A_0 = arith.cmpi eq, %jit3A, %eq3A : i32
    %jit3A_1 = arith.constant 1 : i32
    %select_n3A = arith.select %eq3A_0, %jit3A_1, %jit3A : i32
    %rem3A = arith.remsi %arg0, %select_n3A : i32
    %ne3A = arith.constant 0 : i32
    %ne3A_2 = arith.cmpi ne, %rem3A, %ne3A : i32
    %lt3A = arith.constant 0 : i32
    %lt3A_3 = arith.cmpi slt, %rem3A, %lt3A : i32
    %lt3A_4 = arith.constant 0 : i32
    %lt3A_5 = arith.cmpi slt, %select_n3A, %lt3A_4 : i32
    %ne3A_6 = arith.xori %lt3A_3, %lt3A_5 : i1
    %and3A = arith.andi %ne3A_6, %ne3A_2 : i1
    %add3A = arith.addi %rem3A, %select_n3A : i32
    %select_n3A_7 = arith.select %and3A, %add3A, %rem3A : i32
    %c0_i32 = arith.constant 0 : i32
    %c0_i32_8 = arith.constant 0 : i32
    %c0_i32_9 = arith.constant 0 : i32
    return %c0_i32, %select_n3A_7, %c0_i32_8 : i32, i32, i32
  }
  func.func @transform_2(%arg0: i32) -> (i32, i32, i32) {
    %jit3A = arith.constant 5 : i32
    %eq3A = arith.constant 0 : i32
    %eq3A_0 = arith.cmpi eq, %jit3A, %eq3A : i32
    %jit3A_1 = arith.constant 1 : i32
    %select_n3A = arith.select %eq3A_0, %jit3A_1, %jit3A : i32
    %rem3A = arith.remsi %arg0, %select_n3A : i32
    %ne3A = arith.constant 0 : i32
    %ne3A_2 = arith.cmpi ne, %rem3A, %ne3A : i32
    %lt3A = arith.constant 0 : i32
    %lt3A_3 = arith.cmpi slt, %rem3A, %lt3A : i32
    %lt3A_4 = arith.constant 0 : i32
    %lt3A_5 = arith.cmpi slt, %select_n3A, %lt3A_4 : i32
    %ne3A_6 = arith.xori %lt3A_3, %lt3A_5 : i1
    %and3A = arith.andi %ne3A_6, %ne3A_2 : i1
    %add3A = arith.addi %rem3A, %select_n3A : i32
    %select_n3A_7 = arith.select %and3A, %add3A, %rem3A : i32
    %c1_i32 = arith.constant 1 : i32
    %c0_i32 = arith.constant 0 : i32
    %c0_i32_8 = arith.constant 0 : i32
    return %c1_i32, %select_n3A_7, %c0_i32 : i32, i32, i32
  }
  func.func @transform_3(%arg0: i32) -> (i32, i32) {
    %c0_i32 = arith.constant 0 : i32
    %c0_i32_0 = arith.constant 0 : i32
    %c0_i32_1 = arith.constant 0 : i32
    return %c0_i32, %c0_i32_0 : i32, i32
  }
  func.func @transform_4(%arg0: i32) -> (i32, i32) {
    %c0_i32 = arith.constant 0 : i32
    %c0_i32_0 = arith.constant 0 : i32
    %c0_i32_1 = arith.constant 0 : i32
    return %c0_i32, %c0_i32_0 : i32, i32
  }
  func.func @transform_5(%arg0: i32) -> (i32, i32) {
    %c0_i32 = arith.constant 0 : i32
    %c0_i32_0 = arith.constant 0 : i32
    return %arg0, %c0_i32 : i32, i32
  }
}

</mosaic_0001>

<sc_bundles>
// kernel: kernel.11.cloned.1.call-start
scs
__scs_entry_jumppad:
0x0: {  	(pc) =	sbr.rel $0x88, $3  }
0x1: {  	(tag) =	ssettag $0x0;
	lr =	simm.s32 $0x1  }
0x2: {  	[smem:$0x3F97] =	sst lr;
	_ =	strace $0xD0000000  }
0x3: {  	_ = 	snop  }
0x4: {  	_ = 	snop  }
0x5: {  	_ = 	snop  }
0x6: {  	_ = 	snop  }
0x7: {  	_ = 	snop  }
__scs_overlays_trampoline_lowered:
0x8: {  	[smem:$0x3FA6] =	sst s0  }
0x9: {  	[smem:$0x3FA7] =	sst s1  }
0xa: {  	[smem:$0x3FA8] =	sst s2  }
0xb: {  	[smem:$0x3FA9] =	sst s3  }
0xc: {  	[smem:$0x3FAA] =	sst s4  }
0xd: {  	[smem:$0x3FAB] =	sst s5  }
0xe: {  	[smem:$0x3FAC] =	sst s6  }
0xf: {  	[smem:$0x3FAD] =	sst s7  }
0x10: {  	[smem:$0x3FAE] =	sst s8  }
0x11: {  	[smem:$0x3FAF] =	sst s9;
	s0 =	simm.s32 @!p0 $0x0  }
0x12: {  	s1 =	sld [smem:$0x3F95];
	s0 =	simm.s32 @p0 $0x1  }
0x13: {  	[smem:$0x3FB0] =	sst s0;
	s0 =	simm.s32 @!p1 $0x0  }
0x14: {  	s2 =	sld [smem:$0x3F94];
	s0 =	simm.s32 @p1 $0x1  }
0x15: {  	[smem:$0x3FB1] =	sst s0;
	s0 =	simm.s32 @!p2 $0x0  }
0x16: {  	s3 =	sld [smem:$0x3FDB];
	s0 =	simm.s32 @p2 $0x1  }
0x17: {  	s4 =	simm.s32 $0x1BF5;
	[smem:$0x3FB3] =	sst s0  }
0x18: {  	s0 =	sld [smem:$0x3F96];
	_ =	swait.ge [sflag:s4], $0x0  }
0x19: {  	s7 =	sld [smem:$0x3F97]  }
0x1a: {  	s8 =	sadd.s32 $0xFFFFE003, lr  }
0x1b: {  	s9 =	sadd.s32 $0xFFFFFEF7, lr;
	s5 =	simm.s32 $0xFFFFFFFF;
	p2 =	slt.u32 s8, $0xFFFFF086  }
0x1c: {  	p1 =	slt.u32 s9, $0xF7A;
	s5 =	simm.s32 @!p2 $0x0  }
0x1d: {  	s5 =	simm.s32 @p1 $0x1;
	p0 =	seq.s32 s7, s2  }
0x1e: {  	s7 =	smul.u32 @!p0 $0xF7A, s2;
	p2 =	seq.s32 @!p0 s5, $0x0  }
0x1f: {  	s9 =	smul.u32 $0xF7A, s1;
	s8 =	simm.s32 @!p0 $0x1BF5;
	p2 =	por !p2, p0  }
0x20: {  	[sflag:s8] =	ssyncset.s32 @!p0 $0xFFFFF086;
	s6 =	sadd.s32 @!p0 s3, s7;
	s7 =	simm.s32 @!p0 $0x108  }
0x21: {  	s3 =	sadd.s32 s3, s9;
	s6 =	sadd.s32 @!p0 $0x88, s6;
	s7 =	simm.s32 @p2 $0x1082  }
0x22: {  	[simem:s7], [sflag:s8] =	dma.local @!p0 [hbm:s6], $0xF7A  }
0x23: {  	s9 =	sor.u32 $0xD0000000, s2;
	s6 =	simm.s32 $0x108;
	_ =	swait.ge @!p0 [sflag:s8], $0x0  }
0x24: {  	s3 =	sadd.s32 $0x88, s3;
	s6 =	simm.s32 @!p1 $0x1082;
	[sflag:s4] =	ssyncset.s32 $0xFFFFF086  }
0x25: {  	[simem:s6], [sflag:s4] =	dma.local [hbm:s3], $0xF7A  }
0x26: {  	[smem:$0x3F97] =	sst s1;
	(tag) =	ssettag s2;
	_ =	strace s9  }
0x27: {  	s1 =	sld [smem:$0x3FA7]  }
0x28: {  	s2 =	sld [smem:$0x3FA8]  }
0x29: {  	s4 =	sld [smem:$0x3FAA]  }
0x2a: {  	p0 =	seq.s32 s5, $0x0;
	s5 =	sld [smem:$0x3FAB]  }
0x2b: {  	s6 =	sld [smem:$0x3FAC]  }
0x2c: {  	s7 =	sld [smem:$0x3FAD]  }
0x2d: {  	s3 =	simm.s32 $0x108;
	s8 =	sld [smem:$0x3FAE]  }
0x2e: {  	s3 =	simm.s32 @!p0 $0x1082;
	s9 =	sld [smem:$0x3FAF]  }
0x2f: {  	lr =	sadd.s32 s0, s3;
	s0 =	sld [smem:$0x3FA6]  }
0x30: {  	s3 =	sld [smem:$0x3FA9]  }
0x31: {  	[smem:$0x3FB2] =	sst s10  }
0x32: {  	s10 =	sld [smem:$0x3FB0];
	_ =	sdelay $0x3  }
0x33: {  	p0 =	seq.s32 s10, $0x1;
	s10 =	sld [smem:$0x3FB2];
	_ =	sdelay $0x3  }
0x34: {  	[smem:$0x3FB2] =	sst s10  }
0x35: {  	s10 =	sld [smem:$0x3FB1];
	_ =	sdelay $0x3  }
0x36: {  	p1 =	seq.s32 s10, $0x1;
	s10 =	sld [smem:$0x3FB2];
	_ =	sdelay $0x3  }
0x37: {  	[smem:$0x3FB2] =	sst s10  }
0x38: {  	s10 =	sld [smem:$0x3FB3]  }
0x39: {  	_ = 	snop;
	(pc) =	sbr.ind lr, $3  }
0x3a: {  	_ = 	snop  }
0x3b: {  	_ = 	snop  }
0x3c: {  	p2 =	seq.s32 s10, $0x1;
	s10 =	sld [smem:$0x3FB2]  }
0x3d: {  	_ =	shalt  }
0x3e: {  	_ =	shalt  }
0x3f: {  	_ =	shalt  }
0x40: {  	_ =	shalt  }
0x41: {  	_ =	shalt  }
0x42: {  	_ =	shalt  }
0x43: {  	_ =	shalt  }
0x44: {  	_ =	shalt  }
0x45: {  	_ =	shalt  }
0x46: {  	_ =	shalt  }
0x47: {  	_ =	shalt  }
0x48: {  	_ =	shalt  }
0x49: {  	_ =	shalt  }
0x4a: {  	_ =	shalt  }
0x4b: {  	_ =	shalt  }
0x4c: {  	_ =	shalt  }
0x4d: {  	_ =	shalt  }
0x4e: {  	_ =	shalt  }
0x4f: {  	_ =	shalt  }
0x50: {  	_ =	shalt  }
0x51: {  	_ =	shalt  }
0x52: {  	_ =	shalt  }
0x53: {  	_ =	shalt  }
0x54: {  	_ =	shalt  }
0x55: {  	_ =	shalt  }
0x56: {  	_ =	shalt  }
0x57: {  	_ =	shalt  }
0x58: {  	_ =	shalt  }
0x59: {  	_ =	shalt  }
0x5a: {  	_ =	shalt  }
0x5b: {  	_ =	shalt  }
0x5c: {  	_ =	shalt  }
0x5d: {  	_ =	shalt  }
0x5e: {  	_ =	shalt  }
0x5f: {  	_ =	shalt  }
0x60: {  	_ =	shalt  }
0x61: {  	_ =	shalt  }
0x62: {  	_ =	shalt  }
0x63: {  	_ =	shalt  }
0x64: {  	_ =	shalt  }
0x65: {  	_ =	shalt  }
0x66: {  	_ =	shalt  }
0x67: {  	_ =	shalt  }
0x68: {  	_ =	shalt  }
0x69: {  	_ =	shalt  }
0x6a: {  	_ =	shalt  }
0x6b: {  	_ =	shalt  }
0x6c: {  	_ =	shalt  }
0x6d: {  	_ =	shalt  }
0x6e: {  	_ =	shalt  }
0x6f: {  	_ =	shalt  }
0x70: {  	_ =	shalt  }
0x71: {  	_ =	shalt  }
0x72: {  	_ =	shalt  }
0x73: {  	_ =	shalt  }
0x74: {  	_ =	shalt  }
0x75: {  	_ =	shalt  }
0x76: {  	_ =	shalt  }
0x77: {  	_ =	shalt  }
0x78: {  	_ =	shalt  }
0x79: {  	_ =	shalt  }
0x7a: {  	_ =	shalt  }
0x7b: {  	_ =	shalt  }
0x7c: {  	_ =	shalt  }
0x7d: {  	_ =	shalt  }
0x7e: {  	_ =	shalt  }
0x7f: {  	_ =	shalt  }
0x80: {  	_ =	shalt  }
0x81: {  	_ =	shalt  }
0x82: {  	_ =	shalt  }
0x83: {  	_ =	shalt  }
0x84: {  	_ =	shalt  }
0x85: {  	_ =	shalt  }
0x86: {  	_ =	shalt  }
0x87: {  	_ =	shalt  }
.Lfunc_end0:
.L_simem_size_0:
called_computation.1_lowered:
.L_overlay_start_0:
0x88: {  	s2 =	sld [smem:$0x3FD9]  }
0x89: {  	s3 =	sld [smem:$0x3FFE];
	_ =	sdelay $0x1  }
0x8a: {  	s1 =	srdreg.scid  }
0x8b: {  	s0 =	sand.u32 $0x1, s1  }
0x8c: {  	s17 =	sshll.u32 s0, $0xA;
	s2 =	sadd.s32 s3, s2  }
0x8d: {  	s2 =	sadd.s32 s2, s17  }
0x8e: {  	[smem:$0x3FBE] =	sst s2  }
0x8f: {  	_ = 	snop  }
0x90: {  	s2 =	sld [smem:$0x3FD0];
	(tm) =	ssettm $0x1  }
0x91: {  	s18 =	sld [smem:$0x3FFB];
	_ =	sdelay $0x3  }
0x92: {  	_ =	strace s18  }
0x93: {  	s3 =	sld [smem:$0x3FFC];
	_ =	sdelay $0x3  }
0x94: {  	_ =	strace s3  }
0x95: {  	s3 =	sld [smem:$0x3FFD];
	_ =	sdelay $0x3  }
0x96: {  	_ =	strace s3  }
0x97: {  	_ =	strace $0x8FFFFFFF  }
0x98: {  	s19 =	sld [smem:$0x3FDB];
	_ =	sdelay $0x1  }
0x99: {  	s4 =	simm.s32 $_scs_section_size  }
0x9a: {  	s5 =	simm.s32 $_size__tile_overlayer_lowered;
	s6 =	simm.s32 $_tile_overlayer_lowered  }
0x9b: {  	s22 =	simm.s32 $0x1BFF;
	s21 =	sshll.u32 s6, $0x1;
	s3 =	sadd.s32 s4, s19  }
0x9c: {  	s7 =	simm.s32 $0x0;
	s20 =	sshll.u32 s5, $0x1;
	s5 =	sadd.s32 s21, s3  }
0x9d: {  	[timem:s7], [sflag:s22] =	dma.local [hbm:s5], s20  }
0x9e: {  	_ =	swait.ge [sflag:s22], s20  }
0x9f: {  	s4 =	ssub.s32 $0x0, s20;
	[sflag:s22] =	ssyncset.done $0x0  }
0xa0: {  	[sflag:s22] =	ssyncadd.s32 s4;
	_ =	sdelay $0x1  }
0xa1: {  	s23 =	simm.s32 $0x1B8B  }
0xa2: {  	_ =	swait.ge [sflag:s23], $0x1  }
0xa3: {  	[sflag:s23] =	ssyncset.done $0x0  }
0xa4: {  	s25 =	simm.s32 $0x1B8E;
	s24 =	sld [smem:$0x3FFE];
	[sflag:s23] =	ssyncadd.s32 $0xFFFFFFFF  }
0xa5: {  	s26 =	simm.s32 $execute0_lowered;
	[smem:$0x3FD2] =	sst s25  }
0xa6: {  	s5 =	sshll.u32 s26, $0x1;
	_ =	strace $0x80000049;
	[dreg:$0x1] =	wrdreg $0xFFFFFFFF  }
0xa7: {  	s28 =	simm.s32 $_size_execute0_lowered;
	s3 =	sadd.s32 s3, s5;
	[dreg:$0x0] =	wrdreg $0x0  }
0xa8: {  	s5 =	sshll.u32 s28, $0x1;
	[dreg:$0x2] =	wrdreg s3  }
0xa9: {  	[dreg:$0x3] =	wrdreg s5  }
0xaa: {  	[dreg:$0x4] =	wrdreg $0xC0  }
0xab: {  	_ =	task [dreg:s7], $0x5FFFF  }
0xac: {  	[dreg:$0x1] =	wrdreg $0xFFFFFFFF  }
0xad: {  	[dreg:$0x0] =	wrdreg $0x60  }
0xae: {  	[dreg:$0x2] =	wrdreg s24  }
0xaf: {  	[dreg:$0x3] =	wrdreg s2  }
0xb0: {  	[dreg:$0x4] =	wrdreg $0x88000  }
0xb1: {  	[dreg:$0x5] =	wrdreg $0x9  }
0xb2: {  	_ =	task.clear_ibuf [dreg:s7], $0x6FFFF;
	_ =	strace $0x90000049  }
0xb3: {  	s29 =	simm.s32 $0x9;
	_ =	strace $0x8000004B  }
0xb4: {  	_ =	swait.ge [sflag:s29], $0x1  }
0xb5: {  	[sflag:s29] =	ssyncadd.s32 $0xFFFFFFFF  }
0xb6: {  	_ =	strace $0x9000004B  }
0xb7: {  	_ =	sfence  }
0xb8: {  	s30 =	sld [smem:$0x0];
	_ =	sdelay $0x2  }
0xb9: {  	s31 =	sshll.u32 s1, $0xD;
	s1 =	sshrl.u32 s1, $0x2  }
0xba: {  	s3 =	sand.u32 $0x4000, s31;
	s1 =	sadd.s32 s1, s30  }
0xbb: {  	s0 =	sor.u32 s3, s0;
	s1 =	sshll.u32 s1, $0x11  }
0xbc: {  	s0 =	sor.u32 s1, s0  }
0xbd: {  	s0 =	sadd.s32 $0x8F2B, s0  }
0xbe: {  	[sflag:s0] =	ssyncadd.remote.s32 $0x1  }
0xbf: {  	_ =	sfence.sel $0xFFFF  }
0xc0: {  	[dreg:$0x0] =	wrdreg $0xFFFFFFFF;
	(pc) =	sbr.abs _section_cstart, $3  }
0xc1: {  	[dreg:$0x1] =	wrdreg $0xFFFFFFFF  }
0xc2: {  	_ =	task.clear_ibuf [dreg:s7], $0x2FFFF;
	_ =	strace $0x9FFFFFFF  }
0xc3: {  	(tm) =	ssettm $0x7FFFFFFF  }
tec
execute0_lowered:
.L_overlay_start_1:
0x0: {  	(tag) =	ssettag $0x1  }
0x1: {  	s0 =	rddreg [dreg:$0x0]  }
0x2: {  	s1 =	rddreg [dreg:$0x1];
	s3 =	srdreg.scid  }
0x3: {  	s2 =	rddreg [dreg:$0x2];
	s11 =	stileid.u32;
	s13 =	simm.s32 $0x800  }
0x4: {  	s14 =	simm.s32 $0x5;
	s15 =	simm.s32 $0x400;
	s16 =	simm.s32 $0x80  }
0x5: {  	s17 =	simm.s32 $0x1;
	s18 =	simm.s32 $0x4800;
	s6 =	smul.u32 $0x5400, s11  }
0x6: {  	s28 =	simm.s32 $0x580;
	s29 =	simm.s32 $0x200;
	s7 =	smul.u32 $0x4F000, s11  }
0x7: {  	s30 =	simm.s32 $0x600;
	s5 =	sand.u32 $0x1, s3;
	s26 =	smul.u32 $0x2780, s11  }
0x8: {  	s31 =	simm.s32 $0x280;
	s3 =	simm.s32 $0x0;
	s4 =	smul.u32 $0x54000, s5  }
0x9: {  	s8 =	sadd.s32 $0xD400, s0;
	[smem:$0x7FF] =	sst s3;
	s9 =	smul.u32 $0x27800, s5  }
0xa: {  	s5 =	ssub.s32 $0x2, s5;
	_ =	strace $0x8000004A;
	[dreg:$0x5] =	wrdreg s8  }
0xb: {  	s20 =	sshrl.u32 s7, $0x2;
	s10 =	sshrl.u32 s5, $0x1;
	s8 =	simm.s32 $0x780  }
0xc: {  	s6 =	sadd.s32 s6, s4;
	s4 =	sadd.s32 $0xDC00, s0;
	s24 =	sadd.s32 s20, s2  }
0xd: {  	s19 =	sshrl.u32 s6, $0x3;
	s6 =	sadd.s32 $0x4000, s24;
	[dreg:$0x6] =	wrdreg s24  }
0xe: {  	s5 =	ssub.s32 s5, s10;
	s22 =	sadd.s32 $0x8000, s24;
	[dreg:$0x7] =	wrdreg s6  }
0xf: {  	s20 =	simm.s32 $0x480;
	s23 =	sadd.s32 $0xC000, s24;
	[dreg:$0x8] =	wrdreg s22  }
0x10: {  	s25 =	sadd.s32 $0x10000, s24;
	s5 =	smax.u32 s5, $0x1;
	[dreg:$0x9] =	wrdreg s23  }
0x11: {  	s21 =	sadd.s32 s19, s0;
	s0 =	sadd.s32 s9, s0;
	[dreg:$0xa] =	wrdreg s25  }
0x12: {  	[dreg:$0xb] =	wrdreg s5;
	s12 =	sadd.s32 s19, s1;
	s19 =	simm.s32 $0x2  }
0x13: {  	s22 =	simm.s32 $0x100;
	s23 =	simm.s32 $0x500;
	s25 =	simm.s32 $0x4  }
0x14: {  	s1 =	simm.s32 $0x300;
	s5 =	simm.s32 $0x700;
	s9 =	simm.s32 $0x0  }
0x15: {  	s0 =	sadd.s32 $0x78C00, s0;
	s7 =	sadd.s32 $0x63C00, s21;
	s21 =	simm.s32 $0x3  }
0x16: {  	[dreg:$0x4] =	wrdreg s7;
	s0 =	sadd.s32 s26, s0;
	s26 =	simm.s32 $0x180  }
0x17: {  	s7 =	simm.s32 $0x380;
	[dreg:$0xc] =	wrdreg s0;
	s0 =	simm.s32 $0x680  }
.LBB2_1:
0x18: {  	[dreg:$0xd] =	wrdreg s9  }
0x19: {  	s6 =	rddreg [dreg:$0x5]  }
0x1a: {  	[tilespmem:s13], [sflag:$0x5] =	stream.linear.gather [hbm4b:s6+s3], $0x4000, $0x38;
	[tilespmem:$0x1C400] =	vst v63  }
0x1b: {  	_ =	swait.ge [sflag:s14], $0x4000  }
0x1c: {  	[sflag:s14] =	ssyncset.done $0x0  }
0x1d: {  	[sflag:s14] =	ssyncadd.s32 $0xFFFFC000  }
0x1e: {  	[spmem:s24] =	stream.linear.scatter [tilespmem:s13], [sflag:$0x5], $0x4000, $0x38;
	[tilespmem:$0x1C400] =	vst v63  }
0x1f: {  	_ =	swait.ge [sflag:s14], $0x4000  }
0x20: {  	[sflag:s14] =	ssyncset.done $0x0  }
0x21: {  	s24 =	rddreg [dreg:$0x7];
	[sflag:s14] =	ssyncadd.s32 $0xFFFFC000  }
0x22: {  	[spmem:s24] =	stream.linear.scatter [tilespmem:s13], [sflag:$0x5], $0x4000, $0x38;
	[tilespmem:$0x1C400] =	vst v63  }
0x23: {  	_ =	swait.ge [sflag:s14], $0x4000  }
0x24: {  	[sflag:s14] =	ssyncset.done $0x0  }
0x25: {  	s9 =	rddreg [dreg:$0x8];
	[sflag:s14] =	ssyncadd.s32 $0xFFFFC000  }
0x26: {  	[spmem:s9] =	stream.linear.scatter [tilespmem:s13], [sflag:$0x5], $0x4000, $0x38;
	[tilespmem:$0x1C400] =	vst v63  }
0x27: {  	_ =	swait.ge [sflag:s14], $0x4000  }
0x28: {  	[sflag:s14] =	ssyncset.done $0x0  }
0x29: {  	s10 =	rddreg [dreg:$0x9];
	[sflag:s14] =	ssyncadd.s32 $0xFFFFC000  }
0x2a: {  	[spmem:s10] =	stream.linear.scatter [tilespmem:s13], [sflag:$0x5], $0x4000, $0x38;
	[tilespmem:$0x1C400] =	vst v63  }
0x2b: {  	_ =	swait.ge [sflag:s14], $0x4000  }
0x2c: {  	[sflag:s14] =	ssyncset.done $0x0  }
0x2d: {  	s11 =	rddreg [dreg:$0xa];
	[sflag:s14] =	ssyncadd.s32 $0xFFFFC000  }
0x2e: {  	[spmem:s11] =	stream.linear.scatter [tilespmem:s13], [sflag:$0x5], $0x3C00, $0x38;
	[tilespmem:$0x1C400] =	vst v63  }
0x2f: {  	_ =	swait.ge [sflag:s14], $0x3C00  }
0x30: {  	[sflag:s14] =	ssyncset.done $0x0  }
0x31: {  	[sflag:s14] =	ssyncadd.s32 $0xFFFFC400  }
0x32: {  	s10 =	sadd.s32 $0x0, s12;
	[bflag:$0x0] =	sbarrier.arrive $0xFFFF  }
0x33: {  	[tilespmem:s3], [sflag:$0x5] =	stream.linear.gather [hbm4b:s10+s3], $0x400, $0x38;
	[tilespmem:$0x1C400] =	vst v63  }
0x34: {  	_ =	swait.ge [sflag:s14], $0x400  }
0x35: {  	s24 =	rddreg [dreg:$0x4];
	[sflag:s14] =	ssyncset.done $0x0  }
0x36: {  	[sflag:s14] =	ssyncadd.s32 $0xFFFFFC00;
	s10 =	sadd.s32 $0x0, s24  }
0x37: {  	[tilespmem:s15], [sflag:$0x5] =	stream.linear.gather [hbm4b:s10+s3], $0x400, $0x38;
	[tilespmem:$0x1C400] =	vst v63  }
0x38: {  	_ =	swait.ge [sflag:s14], $0x400  }
0x39: {  	[sflag:s14] =	ssyncset.done $0x0  }
0x3a: {  	[sflag:s14] =	ssyncadd.s32 $0xFFFFFC00  }
0x3b: {  	[tilespmem:s13], [sflag:$0x1] =	stream.indirect.gather [hbm4b:s4+s16], $0x80, s3, s16, $0xb8;
	[tilespmem:$0x1C400] =	vst v63  }
0x3c: {  	_ =	swait.ge [sflag:s17], $0x4000  }
0x3d: {  	[sflag:s17] =	ssyncset.done $0x0  }
0x3e: {  	[sflag:s17] =	ssyncadd.s32 $0xFFFFC000  }
0x3f: {  	[spmem:s2] =	stream.indirect.scatter.add.f32 [tilespmem:s13], [sflag:$0x3], $0x80, s15, s16, $0xb8;
	[tilespmem:$0x1C400] =	vst v63  }
0x40: {  	_ = 	snop  }
0x41: {  	[tilespmem:s18], [sflag:$0x2] =	stream.indirect.gather [hbm4b:s4+s16], $0x80, s16, s16, $0xb8;
	[tilespmem:$0x1C400] =	vst v63  }
0x42: {  	_ =	swait.ge [sflag:s19], $0x4000  }
0x43: {  	[sflag:s19] =	ssyncset.done $0x0  }
0x44: {  	[sflag:s19] =	ssyncadd.s32 $0xFFFFC000  }
0x45: {  	[spmem:s2] =	stream.indirect.scatter.add.f32 [tilespmem:s18], [sflag:$0x4], $0x80, s20, s16, $0xb8;
	[tilespmem:$0x1C400] =	vst v63  }
0x46: {  	_ =	swait.ge [sflag:s21], $0x4000  }
0x47: {  	[sflag:s21] =	ssyncset.done $0x0  }
0x48: {  	[sflag:s21] =	ssyncadd.s32 $0xFFFFC000  }
0x49: {  	[tilespmem:s13], [sflag:$0x1] =	stream.indirect.gather [hbm4b:s4+s16], $0x80, s22, s16, $0xb8;
	[tilespmem:$0x1C400] =	vst v63  }
0x4a: {  	_ =	swait.ge [sflag:s17], $0x4000  }
0x4b: {  	[sflag:s17] =	ssyncset.done $0x0  }
0x4c: {  	[sflag:s17] =	ssyncadd.s32 $0xFFFFC000  }
0x4d: {  	[spmem:s2] =	stream.indirect.scatter.add.f32 [tilespmem:s13], [sflag:$0x3], $0x80, s23, s16, $0xb8;
	[tilespmem:$0x1C400] =	vst v63  }
0x4e: {  	_ =	swait.ge [sflag:s25], $0x4000  }
0x4f: {  	[sflag:s25] =	ssyncset.done $0x0  }
0x50: {  	[sflag:s25] =	ssyncadd.s32 $0xFFFFC000  }
0x51: {  	[tilespmem:s18], [sflag:$0x2] =	stream.indirect.gather [hbm4b:s4+s16], $0x80, s26, s16, $0xb8;
	[tilespmem:$0x1C400] =	vst v63  }
0x52: {  	_ =	swait.ge [sflag:s19], $0x4000  }
0x53: {  	[sflag:s19] =	ssyncset.done $0x0  }
0x54: {  	[sflag:s19] =	ssyncadd.s32 $0xFFFFC000  }
0x55: {  	[spmem:s2] =	stream.indirect.scatter.add.f32 [tilespmem:s18], [sflag:$0x4], $0x80, s28, s16, $0xb8;
	[tilespmem:$0x1C400] =	vst v63  }
0x56: {  	_ =	swait.ge [sflag:s21], $0x4000  }
0x57: {  	[sflag:s21] =	ssyncset.done $0x0  }
0x58: {  	[sflag:s21] =	ssyncadd.s32 $0xFFFFC000  }
0x59: {  	[tilespmem:s13], [sflag:$0x1] =	stream.indirect.gather [hbm4b:s4+s16], $0x80, s29, s16, $0xb8;
	[tilespmem:$0x1C400] =	vst v63  }
0x5a: {  	_ =	swait.ge [sflag:s17], $0x4000  }
0x5b: {  	[sflag:s17] =	ssyncset.done $0x0  }
0x5c: {  	[sflag:s17] =	ssyncadd.s32 $0xFFFFC000  }
0x5d: {  	[spmem:s2] =	stream.indirect.scatter.add.f32 [tilespmem:s13], [sflag:$0x3], $0x80, s30, s16, $0xb8;
	[tilespmem:$0x1C400] =	vst v63  }
0x5e: {  	_ =	swait.ge [sflag:s25], $0x4000  }
0x5f: {  	[sflag:s25] =	ssyncset.done $0x0  }
0x60: {  	[sflag:s25] =	ssyncadd.s32 $0xFFFFC000  }
0x61: {  	[tilespmem:s18], [sflag:$0x2] =	stream.indirect.gather [hbm4b:s4+s16], $0x80, s31, s16, $0xb8;
	[tilespmem:$0x1C400] =	vst v63  }
0x62: {  	_ =	swait.ge [sflag:s19], $0x4000  }
0x63: {  	[sflag:s19] =	ssyncset.done $0x0  }
0x64: {  	[sflag:s19] =	ssyncadd.s32 $0xFFFFC000  }
0x65: {  	[spmem:s2] =	stream.indirect.scatter.add.f32 [tilespmem:s18], [sflag:$0x4], $0x80, s0, s16, $0xb8;
	[tilespmem:$0x1C400] =	vst v63  }
0x66: {  	_ =	swait.ge [sflag:s21], $0x4000  }
0x67: {  	[sflag:s21] =	ssyncset.done $0x0  }
0x68: {  	[sflag:s21] =	ssyncadd.s32 $0xFFFFC000  }
0x69: {  	[tilespmem:s13], [sflag:$0x1] =	stream.indirect.gather [hbm4b:s4+s16], $0x80, s1, s16, $0xb8;
	[tilespmem:$0x1C400] =	vst v63  }
0x6a: {  	_ =	swait.ge [sflag:s17], $0x4000  }
0x6b: {  	[sflag:s17] =	ssyncset.done $0x0  }
0x6c: {  	[sflag:s17] =	ssyncadd.s32 $0xFFFFC000  }
0x6d: {  	[spmem:s2] =	stream.indirect.scatter.add.f32 [tilespmem:s13], [sflag:$0x3], $0x80, s5, s16, $0xb8;
	[tilespmem:$0x1C400] =	vst v63  }
0x6e: {  	_ =	swait.ge [sflag:s25], $0x4000  }
0x6f: {  	[sflag:s25] =	ssyncset.done $0x0  }
0x70: {  	[sflag:s25] =	ssyncadd.s32 $0xFFFFC000  }
0x71: {  	[tilespmem:s18], [sflag:$0x2] =	stream.indirect.gather [hbm4b:s4+s16], $0x80, s7, s16, $0xb8;
	[tilespmem:$0x1C400] =	vst v63  }
0x72: {  	_ =	swait.ge [sflag:s19], $0x4000  }
0x73: {  	[sflag:s19] =	ssyncset.done $0x0  }
0x74: {  	[sflag:s19] =	ssyncadd.s32 $0xFFFFC000  }
0x75: {  	[spmem:s2] =	stream.indirect.scatter.add.f32 [tilespmem:s18], [sflag:$0x4], $0x80, s8, s16, $0xb8;
	[tilespmem:$0x1C400] =	vst v63  }
0x76: {  	_ =	swait.ge [sflag:s21], $0x4000  }
0x77: {  	[sflag:s21] =	ssyncset.done $0x0  }
0x78: {  	[sflag:s21] =	ssyncadd.s32 $0xFFFFC000  }
0x79: {  	_ =	swait.ge [sflag:s25], $0x4000  }
0x7a: {  	s11 =	simm.s32 $0x100;
	s10 =	simm.s32 $0x80;
	[sflag:s25] =	ssyncset.done $0x0  }
.LBB2_2:
0x7b: {  	s6 =	sadd.s32 s10, s12;
	[sflag:s25] =	ssyncadd.s32 $0xFFFFC000  }
0x7c: {  	[tilespmem:s3], [sflag:$0x5] =	stream.linear.gather [hbm4b:s6+s3], $0x400, $0x38;
	[tilespmem:$0x1C400] =	vst v63  }
0x7d: {  	s9 =	smov.u32 s11;
	s24 =	sadd.s32 $0x80, s11;
	_ =	swait.ge [sflag:s14], $0x400  }
0x7e: {  	p0 =	sne.s32 s11, $0xA00;
	s11 =	rddreg [dreg:$0x4];
	[sflag:s14] =	ssyncset.done $0x0  }
0x7f: {  	[sflag:s14] =	ssyncadd.s32 $0xFFFFFC00;
	s6 =	sadd.s32 s10, s11  }
0x80: {  	[tilespmem:s15], [sflag:$0x5] =	stream.linear.gather [hbm4b:s6+s3], $0x400, $0x38;
	[tilespmem:$0x1C400] =	vst v63  }
0x81: {  	_ =	swait.ge [sflag:s14], $0x400  }
0x82: {  	[sflag:s14] =	ssyncset.done $0x0  }
0x83: {  	[sflag:s14] =	ssyncadd.s32 $0xFFFFFC00  }
0x84: {  	[tilespmem:s13], [sflag:$0x1] =	stream.indirect.gather [hbm4b:s4+s16], $0x80, s3, s16, $0xb8;
	[tilespmem:$0x1C400] =	vst v63  }
0x85: {  	_ =	swait.ge [sflag:s17], $0x4000  }
0x86: {  	[sflag:s17] =	ssyncset.done $0x0  }
0x87: {  	[sflag:s17] =	ssyncadd.s32 $0xFFFFC000  }
0x88: {  	[spmem:s2] =	stream.indirect.scatter.add.f32 [tilespmem:s13], [sflag:$0x3], $0x80, s15, s16, $0xb8;
	[tilespmem:$0x1C400] =	vst v63  }
0x89: {  	_ = 	snop  }
0x8a: {  	[tilespmem:s18], [sflag:$0x2] =	stream.indirect.gather [hbm4b:s4+s16], $0x80, s16, s16, $0xb8;
	[tilespmem:$0x1C400] =	vst v63  }
0x8b: {  	_ =	swait.ge [sflag:s19], $0x4000  }
0x8c: {  	[sflag:s19] =	ssyncset.done $0x0  }
0x8d: {  	[sflag:s19] =	ssyncadd.s32 $0xFFFFC000  }
0x8e: {  	[spmem:s2] =	stream.indirect.scatter.add.f32 [tilespmem:s18], [sflag:$0x4], $0x80, s20, s16, $0xb8;
	[tilespmem:$0x1C400] =	vst v63  }
0x8f: {  	_ =	swait.ge [sflag:s21], $0x4000  }
0x90: {  	[sflag:s21] =	ssyncset.done $0x0  }
0x91: {  	[sflag:s21] =	ssyncadd.s32 $0xFFFFC000  }
0x92: {  	[tilespmem:s13], [sflag:$0x1] =	stream.indirect.gather [hbm4b:s4+s16], $0x80, s22, s16, $0xb8;
	[tilespmem:$0x1C400] =	vst v63  }
0x93: {  	_ =	swait.ge [sflag:s17], $0x4000  }
0x94: {  	[sflag:s17] =	ssyncset.done $0x0  }
0x95: {  	[sflag:s17] =	ssyncadd.s32 $0xFFFFC000  }
0x96: {  	[spmem:s2] =	stream.indirect.scatter.add.f32 [tilespmem:s13], [sflag:$0x3], $0x80, s23, s16, $0xb8;
	[tilespmem:$0x1C400] =	vst v63  }
0x97: {  	_ =	swait.ge [sflag:s25], $0x4000  }
0x98: {  	[sflag:s25] =	ssyncset.done $0x0  }
0x99: {  	[sflag:s25] =	ssyncadd.s32 $0xFFFFC000  }
0x9a: {  	[tilespmem:s18], [sflag:$0x2] =	stream.indirect.gather [hbm4b:s4+s16], $0x80, s26, s16, $0xb8;
	[tilespmem:$0x1C400] =	vst v63  }
0x9b: {  	_ =	swait.ge [sflag:s19], $0x4000  }
0x9c: {  	[sflag:s19] =	ssyncset.done $0x0  }
0x9d: {  	[sflag:s19] =	ssyncadd.s32 $0xFFFFC000  }
0x9e: {  	[spmem:s2] =	stream.indirect.scatter.add.f32 [tilespmem:s18], [sflag:$0x4], $0x80, s28, s16, $0xb8;
	[tilespmem:$0x1C400] =	vst v63  }
0x9f: {  	_ =	swait.ge [sflag:s21], $0x4000  }
0xa0: {  	[sflag:s21] =	ssyncset.done $0x0  }
0xa1: {  	[sflag:s21] =	ssyncadd.s32 $0xFFFFC000  }
0xa2: {  	[tilespmem:s13], [sflag:$0x1] =	stream.indirect.gather [hbm4b:s4+s16], $0x80, s29, s16, $0xb8;
	[tilespmem:$0x1C400] =	vst v63  }
0xa3: {  	_ =	swait.ge [sflag:s17], $0x4000  }
0xa4: {  	[sflag:s17] =	ssyncset.done $0x0  }
0xa5: {  	[sflag:s17] =	ssyncadd.s32 $0xFFFFC000  }
0xa6: {  	[spmem:s2] =	stream.indirect.scatter.add.f32 [tilespmem:s13], [sflag:$0x3], $0x80, s30, s16, $0xb8;
	[tilespmem:$0x1C400] =	vst v63  }
0xa7: {  	_ =	swait.ge [sflag:s25], $0x4000  }
0xa8: {  	[sflag:s25] =	ssyncset.done $0x0  }
0xa9: {  	[sflag:s25] =	ssyncadd.s32 $0xFFFFC000  }
0xaa: {  	[tilespmem:s18], [sflag:$0x2] =	stream.indirect.gather [hbm4b:s4+s16], $0x80, s31, s16, $0xb8;
	[tilespmem:$0x1C400] =	vst v63  }
0xab: {  	_ =	swait.ge [sflag:s19], $0x4000  }
0xac: {  	[sflag:s19] =	ssyncset.done $0x0  }
0xad: {  	[sflag:s19] =	ssyncadd.s32 $0xFFFFC000  }
0xae: {  	[spmem:s2] =	stream.indirect.scatter.add.f32 [tilespmem:s18], [sflag:$0x4], $0x80, s0, s16, $0xb8;
	[tilespmem:$0x1C400] =	vst v63  }
0xaf: {  	_ =	swait.ge [sflag:s21], $0x4000  }
0xb0: {  	[sflag:s21] =	ssyncset.done $0x0  }
0xb1: {  	[sflag:s21] =	ssyncadd.s32 $0xFFFFC000  }
0xb2: {  	[tilespmem:s13], [sflag:$0x1] =	stream.indirect.gather [hbm4b:s4+s16], $0x80, s1, s16, $0xb8;
	[tilespmem:$0x1C400] =	vst v63  }
0xb3: {  	_ =	swait.ge [sflag:s17], $0x4000  }
0xb4: {  	[sflag:s17] =	ssyncset.done $0x0  }
0xb5: {  	[sflag:s17] =	ssyncadd.s32 $0xFFFFC000  }
0xb6: {  	[spmem:s2] =	stream.indirect.scatter.add.f32 [tilespmem:s13], [sflag:$0x3], $0x80, s5, s16, $0xb8;
	[tilespmem:$0x1C400] =	vst v63  }
0xb7: {  	_ =	swait.ge [sflag:s25], $0x4000  }
0xb8: {  	[sflag:s25] =	ssyncset.done $0x0  }
0xb9: {  	[sflag:s25] =	ssyncadd.s32 $0xFFFFC000  }
0xba: {  	[tilespmem:s18], [sflag:$0x2] =	stream.indirect.gather [hbm4b:s4+s16], $0x80, s7, s16, $0xb8;
	[tilespmem:$0x1C400] =	vst v63  }
0xbb: {  	_ =	swait.ge [sflag:s19], $0x4000  }
0xbc: {  	[sflag:s19] =	ssyncset.done $0x0  }
0xbd: {  	[sflag:s19] =	ssyncadd.s32 $0xFFFFC000  }
0xbe: {  	[spmem:s2] =	stream.indirect.scatter.add.f32 [tilespmem:s18], [sflag:$0x4], $0x80, s8, s16, $0xb8;
	[tilespmem:$0x1C400] =	vst v63  }
.Ltmp0:
0xbf: {  	_ =	swait.ge [sflag:s21], $0x4000;
	(pc) =	sbr.rel @p0 .LBB2_2-.Ltmp0, $4  }
0xc0: {  	[sflag:s21] =	ssyncset.done $0x0  }
0xc1: {  	[sflag:s21] =	ssyncadd.s32 $0xFFFFC000  }
0xc2: {  	_ =	swait.ge [sflag:s25], $0x4000  }
0xc3: {  	s10 =	smov.u32 s9;
	s11 =	smov.u32 s24;
	[sflag:s25] =	ssyncset.done $0x0  }
0xc4: {  	s6 =	sadd.s32 s10, s12;
	[sflag:s25] =	ssyncadd.s32 $0xFFFFC000  }
0xc5: {  	[tilespmem:s3], [sflag:$0x5] =	stream.linear.gather [hbm4b:s6+s3], $0x400, $0x38;
	[tilespmem:$0x1C400] =	vst v63  }
0xc6: {  	_ =	swait.ge [sflag:s14], $0x400  }
0xc7: {  	s9 =	rddreg [dreg:$0x4];
	[sflag:s14] =	ssyncset.done $0x0  }
0xc8: {  	[sflag:s14] =	ssyncadd.s32 $0xFFFFFC00;
	s6 =	sadd.s32 s10, s9  }
0xc9: {  	[tilespmem:s15], [sflag:$0x5] =	stream.linear.gather [hbm4b:s6+s3], $0x400, $0x38;
	[tilespmem:$0x1C400] =	vst v63  }
0xca: {  	_ =	swait.ge [sflag:s14], $0x400  }
0xcb: {  	[sflag:s14] =	ssyncset.done $0x0  }
0xcc: {  	[sflag:s14] =	ssyncadd.s32 $0xFFFFFC00  }
0xcd: {  	[tilespmem:s13], [sflag:$0x1] =	stream.indirect.gather [hbm4b:s4+s16], $0x80, s3, s16, $0xb8;
	[tilespmem:$0x1C400] =	vst v63  }
0xce: {  	_ =	swait.ge [sflag:s17], $0x4000  }
0xcf: {  	[sflag:s17] =	ssyncset.done $0x0  }
0xd0: {  	[sflag:s17] =	ssyncadd.s32 $0xFFFFC000  }
0xd1: {  	[spmem:s2] =	stream.indirect.scatter.add.f32 [tilespmem:s13], [sflag:$0x3], $0x80, s15, s16, $0xb8;
	[tilespmem:$0x1C400] =	vst v63  }
0xd2: {  	_ = 	snop  }
0xd3: {  	[tilespmem:s18], [sflag:$0x2] =	stream.indirect.gather [hbm4b:s4+s16], $0x80, s16, s16, $0xb8;
	[tilespmem:$0x1C400] =	vst v63  }
0xd4: {  	_ =	swait.ge [sflag:s19], $0x4000  }
0xd5: {  	[sflag:s19] =	ssyncset.done $0x0  }
0xd6: {  	[sflag:s19] =	ssyncadd.s32 $0xFFFFC000  }
0xd7: {  	[spmem:s2] =	stream.indirect.scatter.add.f32 [tilespmem:s18], [sflag:$0x4], $0x80, s20, s16, $0xb8;
	[tilespmem:$0x1C400] =	vst v63  }
0xd8: {  	_ =	swait.ge [sflag:s21], $0x4000  }
0xd9: {  	[sflag:s21] =	ssyncset.done $0x0  }
0xda: {  	[sflag:s21] =	ssyncadd.s32 $0xFFFFC000  }
0xdb: {  	[tilespmem:s13], [sflag:$0x1] =	stream.indirect.gather [hbm4b:s4+s16], $0x80, s22, s16, $0xb8;
	[tilespmem:$0x1C400] =	vst v63  }
0xdc: {  	_ =	swait.ge [sflag:s17], $0x4000  }
0xdd: {  	[sflag:s17] =	ssyncset.done $0x0  }
0xde: {  	[sflag:s17] =	ssyncadd.s32 $0xFFFFC000  }
0xdf: {  	[spmem:s2] =	stream.indirect.scatter.add.f32 [tilespmem:s13], [sflag:$0x3], $0x80, s23, s16, $0xb8;
	[tilespmem:$0x1C400] =	vst v63  }
0xe0: {  	_ =	swait.ge [sflag:s25], $0x4000  }
0xe1: {  	[sflag:s25] =	ssyncset.done $0x0  }
0xe2: {  	[sflag:s25] =	ssyncadd.s32 $0xFFFFC000  }
0xe3: {  	[tilespmem:s18], [sflag:$0x2] =	stream.indirect.gather [hbm4b:s4+s16], $0x80, s26, s16, $0xb8;
	[tilespmem:$0x1C400] =	vst v63  }
0xe4: {  	_ =	swait.ge [sflag:s19], $0x4000  }
0xe5: {  	[sflag:s19] =	ssyncset.done $0x0  }
0xe6: {  	[sflag:s19] =	ssyncadd.s32 $0xFFFFC000  }
0xe7: {  	[spmem:s2] =	stream.indirect.scatter.add.f32 [tilespmem:s18], [sflag:$0x4], $0x80, s28, s16, $0xb8;
	[tilespmem:$0x1C400] =	vst v63  }
0xe8: {  	_ =	swait.ge [sflag:s21], $0x4000  }
0xe9: {  	[sflag:s21] =	ssyncset.done $0x0  }
0xea: {  	[sflag:s21] =	ssyncadd.s32 $0xFFFFC000  }
0xeb: {  	[tilespmem:s13], [sflag:$0x1] =	stream.indirect.gather [hbm4b:s4+s16], $0x80, s29, s16, $0xb8;
	[tilespmem:$0x1C400] =	vst v63  }
0xec: {  	_ =	swait.ge [sflag:s17], $0x4000  }
0xed: {  	[sflag:s17] =	ssyncset.done $0x0  }
0xee: {  	[sflag:s17] =	ssyncadd.s32 $0xFFFFC000  }
0xef: {  	[spmem:s2] =	stream.indirect.scatter.add.f32 [tilespmem:s13], [sflag:$0x3], $0x80, s30, s16, $0xb8;
	[tilespmem:$0x1C400] =	vst v63  }
0xf0: {  	_ =	swait.ge [sflag:s25], $0x4000  }
0xf1: {  	[sflag:s25] =	ssyncset.done $0x0  }
0xf2: {  	[sflag:s25] =	ssyncadd.s32 $0xFFFFC000  }
0xf3: {  	[tilespmem:s18], [sflag:$0x2] =	stream.indirect.gather [hbm4b:s4+s16], $0x80, s31, s16, $0xb8;
	[tilespmem:$0x1C400] =	vst v63  }
0xf4: {  	_ =	swait.ge [sflag:s19], $0x4000  }
0xf5: {  	[sflag:s19] =	ssyncset.done $0x0  }
0xf6: {  	[sflag:s19] =	ssyncadd.s32 $0xFFFFC000  }
0xf7: {  	[spmem:s2] =	stream.indirect.scatter.add.f32 [tilespmem:s18], [sflag:$0x4], $0x80, s0, s16, $0xb8;
	[tilespmem:$0x1C400] =	vst v63  }
0xf8: {  	_ =	swait.ge [sflag:s21], $0x4000  }
0xf9: {  	[sflag:s21] =	ssyncset.done $0x0  }
0xfa: {  	[sflag:s21] =	ssyncadd.s32 $0xFFFFC000  }
0xfb: {  	[tilespmem:s13], [sflag:$0x1] =	stream.indirect.gather [hbm4b:s4+s16], $0x80, s1, s16, $0xb8;
	[tilespmem:$0x1C400] =	vst v63  }
0xfc: {  	_ =	swait.ge [sflag:s17], $0x4000  }
0xfd: {  	[sflag:s17] =	ssyncset.done $0x0  }
0xfe: {  	[sflag:s17] =	ssyncadd.s32 $0xFFFFC000  }
0xff: {  	[spmem:s2] =	stream.indirect.scatter.add.f32 [tilespmem:s13], [sflag:$0x3], $0x80, s5, s16, $0xb8;
	[tilespmem:$0x1C400] =	vst v63  }
0x100: {  	_ =	swait.ge [sflag:s25], $0x4000  }
0x101: {  	[sflag:s25] =	ssyncset.done $0x0  }
0x102: {  	[sflag:s25] =	ssyncadd.s32 $0xFFFFC000  }
0x103: {  	[tilespmem:s18], [sflag:$0x2] =	stream.indirect.gather [hbm4b:s4+s16], $0x80, s7, s16, $0xb8;
	[tilespmem:$0x1C400] =	vst v63  }
0x104: {  	_ =	swait.ge [sflag:s19], $0x4000  }
0x105: {  	[sflag:s19] =	ssyncset.done $0x0  }
0x106: {  	[sflag:s19] =	ssyncadd.s32 $0xFFFFC000  }
0x107: {  	[spmem:s2] =	stream.indirect.scatter.add.f32 [tilespmem:s18], [sflag:$0x4], $0x80, s8, s16, $0xb8;
	[tilespmem:$0x1C400] =	vst v63  }
0x108: {  	_ =	swait.ge [sflag:s21], $0x4000  }
0x109: {  	[sflag:s21] =	ssyncset.done $0x0  }
0x10a: {  	[sflag:s21] =	ssyncadd.s32 $0xFFFFC000  }
0x10b: {  	_ =	swait.ge [sflag:s25], $0x4000  }
0x10c: {  	[sflag:s25] =	ssyncset.done $0x0  }
0x10d: {  	[sflag:s25] =	ssyncadd.s32 $0xFFFFC000  }
0x10e: {  	s10 =	stileid.u32;
	[bflag:$0x0] =	sbarrier.arrive $0xFFFF  }
0x10f: {  	s6 =	sshll.u32 s10, $0x6;
	s24 =	rddreg [dreg:$0x6]  }
0x110: {  	s6 =	sor.u32 $0x1C05, s6;
	s11 =	rddreg [dreg:$0xc];
	s9 =	sshrl.u32 s24, $0x3  }
0x111: {  	[hbm:s11], [sflag:s6] =	dma.local [spmem:s9], $0x2780  }
0x112: {  	_ =	swait.ge [sflag:s14], $0x2780  }
0x113: {  	s10 =	rddreg [dreg:$0xd]  }
0x114: {  	s11 =	rddreg [dreg:$0xb];
	s9 =	sadd.s32 $0x1, s10  }
0x115: {  	p0 =	sne.s32 s9, s11  }
.Ltmp1:
0x116: {  	_ = 	snop;
	(pc) =	sbr.rel @p0 .LBB2_1-.Ltmp1, $3  }
0x117: {  	_ =	sdelay $0x1  }
0x118: {  	[sflag:s14] =	ssyncset.done $0x0  }
0x119: {  	[sflag:s14] =	ssyncadd.s32 $0xFFFFD880  }
0x11a: {  	_ =	sfence.sel $0x180000  }
0x11b: {  	[bflag:$0x0] =	sbarrier.arrive $0xFFFF  }
0x11c: {  	_ =	strace $0x9000004A  }
0x11d: {  	s0 =	stileid.u32;
	[bflag:$0x2] =	sbarrier.arrive $0xFFFF  }
0x11e: {  	p0 =	sne.s32 s0, $0x0;
	s0 =	rddreg [dreg:$0x3]  }
0x11f: {  	s0 =	sadd.s32 @!p0 $0x100000, s0  }
0x120: {  	[sflag:s0] =	ssyncadd.tile.s32 @!p0 $0x1;
	_ =	shalt  }
.Lfunc_end2:
_tile_overlayer_lowered:
.L_overlay_start_2:
0x121: {  	(tag) =	ssettag $0x2  }
0x122: {  	s0 =	rddreg [dreg:$0x0];
	s2 =	stileid.u32  }
0x123: {  	s1 =	rddreg [dreg:$0x1];
	p0 =	sne.s32 s2, $0x0  }
0x124: {  	s3 =	rddreg [dreg:$0x2];
	[bflag:$0x3] =	sbarrier.arrive $0xFFFF;
	s2 =	simm.s32 @!p0 $0x1C05  }
0x125: {  	[timem:s3], [sflag:s2] =	dma.local @!p0 [hbm:s0], s1  }
0x126: {  	s0 =	simm.s32 @!p0 $0x5  }
0x127: {  	_ =	swait.ge @!p0 [sflag:s0], s1  }
0x128: {  	s1 =	ssub.s32 @!p0 $0x0, s1;
	[sflag:s0] =	ssyncset.done @!p0 $0x0  }
0x129: {  	[sflag:s0] =	ssyncadd.s32 @!p0 s1  }
0x12a: {  	[bflag:$0x3] =	sbarrier.arrive $0xFFFF  }
0x12b: {  	_ =	shalt  }

// kernel: kernel.14.cloned.1.call-start
scs
__scs_entry_jumppad:
0x0: {  	(pc) =	sbr.rel $0x88, $3  }
0x1: {  	(tag) =	ssettag $0x0;
	lr =	simm.s32 $0x1  }
0x2: {  	[smem:$0x3F97] =	sst lr;
	_ =	strace $0xD0000000  }
0x3: {  	_ = 	snop  }
0x4: {  	_ = 	snop  }
0x5: {  	_ = 	snop  }
0x6: {  	_ = 	snop  }
0x7: {  	_ = 	snop  }
__scs_overlays_trampoline_lowered:
0x8: {  	[smem:$0x3FA6] =	sst s0  }
0x9: {  	[smem:$0x3FA7] =	sst s1  }
0xa: {  	[smem:$0x3FA8] =	sst s2  }
0xb: {  	[smem:$0x3FA9] =	sst s3  }
0xc: {  	[smem:$0x3FAA] =	sst s4  }
0xd: {  	[smem:$0x3FAB] =	sst s5  }
0xe: {  	[smem:$0x3FAC] =	sst s6  }
0xf: {  	[smem:$0x3FAD] =	sst s7  }
0x10: {  	[smem:$0x3FAE] =	sst s8  }
0x11: {  	[smem:$0x3FAF] =	sst s9;
	s0 =	simm.s32 @!p0 $0x0  }
0x12: {  	s1 =	sld [smem:$0x3F95];
	s0 =	simm.s32 @p0 $0x1  }
0x13: {  	[smem:$0x3FB0] =	sst s0;
	s0 =	simm.s32 @!p1 $0x0  }
0x14: {  	s2 =	sld [smem:$0x3F94];
	s0 =	simm.s32 @p1 $0x1  }
0x15: {  	[smem:$0x3FB1] =	sst s0;
	s0 =	simm.s32 @!p2 $0x0  }
0x16: {  	s3 =	sld [smem:$0x3FDB];
	s0 =	simm.s32 @p2 $0x1  }
0x17: {  	s4 =	simm.s32 $0x1BF5;
	[smem:$0x3FB3] =	sst s0  }
0x18: {  	s0 =	sld [smem:$0x3F96];
	_ =	swait.ge [sflag:s4], $0x0  }
0x19: {  	s7 =	sld [smem:$0x3F97]  }
0x1a: {  	s8 =	sadd.s32 $0xFFFFE003, lr  }
0x1b: {  	s9 =	sadd.s32 $0xFFFFFEF7, lr;
	s5 =	simm.s32 $0xFFFFFFFF;
	p2 =	slt.u32 s8, $0xFFFFF086  }
0x1c: {  	p1 =	slt.u32 s9, $0xF7A;
	s5 =	simm.s32 @!p2 $0x0  }
0x1d: {  	s5 =	simm.s32 @p1 $0x1;
	p0 =	seq.s32 s7, s2  }
0x1e: {  	s7 =	smul.u32 @!p0 $0xF7A, s2;
	p2 =	seq.s32 @!p0 s5, $0x0  }
0x1f: {  	s9 =	smul.u32 $0xF7A, s1;
	s8 =	simm.s32 @!p0 $0x1BF5;
	p2 =	por !p2, p0  }
0x20: {  	[sflag:s8] =	ssyncset.s32 @!p0 $0xFFFFF086;
	s6 =	sadd.s32 @!p0 s3, s7;
	s7 =	simm.s32 @!p0 $0x108  }
0x21: {  	s3 =	sadd.s32 s3, s9;
	s6 =	sadd.s32 @!p0 $0x88, s6;
	s7 =	simm.s32 @p2 $0x1082  }
0x22: {  	[simem:s7], [sflag:s8] =	dma.local @!p0 [hbm:s6], $0xF7A  }
0x23: {  	s9 =	sor.u32 $0xD0000000, s2;
	s6 =	simm.s32 $0x108;
	_ =	swait.ge @!p0 [sflag:s8], $0x0  }
0x24: {  	s3 =	sadd.s32 $0x88, s3;
	s6 =	simm.s32 @!p1 $0x1082;
	[sflag:s4] =	ssyncset.s32 $0xFFFFF086  }
0x25: {  	[simem:s6], [sflag:s4] =	dma.local [hbm:s3], $0xF7A  }
0x26: {  	[smem:$0x3F97] =	sst s1;
	(tag) =	ssettag s2;
	_ =	strace s9  }
0x27: {  	s1 =	sld [smem:$0x3FA7]  }
0x28: {  	s2 =	sld [smem:$0x3FA8]  }
0x29: {  	s4 =	sld [smem:$0x3FAA]  }
0x2a: {  	p0 =	seq.s32 s5, $0x0;
	s5 =	sld [smem:$0x3FAB]  }
0x2b: {  	s6 =	sld [smem:$0x3FAC]  }
0x2c: {  	s7 =	sld [smem:$0x3FAD]  }
0x2d: {  	s3 =	simm.s32 $0x108;
	s8 =	sld [smem:$0x3FAE]  }
0x2e: {  	s3 =	simm.s32 @!p0 $0x1082;
	s9 =	sld [smem:$0x3FAF]  }
0x2f: {  	lr =	sadd.s32 s0, s3;
	s0 =	sld [smem:$0x3FA6]  }
0x30: {  	s3 =	sld [smem:$0x3FA9]  }
0x31: {  	[smem:$0x3FB2] =	sst s10  }
0x32: {  	s10 =	sld [smem:$0x3FB0];
	_ =	sdelay $0x3  }
0x33: {  	p0 =	seq.s32 s10, $0x1;
	s10 =	sld [smem:$0x3FB2];
	_ =	sdelay $0x3  }
0x34: {  	[smem:$0x3FB2] =	sst s10  }
0x35: {  	s10 =	sld [smem:$0x3FB1];
	_ =	sdelay $0x3  }
0x36: {  	p1 =	seq.s32 s10, $0x1;
	s10 =	sld [smem:$0x3FB2];
	_ =	sdelay $0x3  }
0x37: {  	[smem:$0x3FB2] =	sst s10  }
0x38: {  	s10 =	sld [smem:$0x3FB3]  }
0x39: {  	_ = 	snop;
	(pc) =	sbr.ind lr, $3  }
0x3a: {  	_ = 	snop  }
0x3b: {  	_ = 	snop  }
0x3c: {  	p2 =	seq.s32 s10, $0x1;
	s10 =	sld [smem:$0x3FB2]  }
0x3d: {  	_ =	shalt  }
0x3e: {  	_ =	shalt  }
0x3f: {  	_ =	shalt  }
0x40: {  	_ =	shalt  }
0x41: {  	_ =	shalt  }
0x42: {  	_ =	shalt  }
0x43: {  	_ =	shalt  }
0x44: {  	_ =	shalt  }
0x45: {  	_ =	shalt  }
0x46: {  	_ =	shalt  }
0x47: {  	_ =	shalt  }
0x48: {  	_ =	shalt  }
0x49: {  	_ =	shalt  }
0x4a: {  	_ =	shalt  }
0x4b: {  	_ =	shalt  }
0x4c: {  	_ =	shalt  }
0x4d: {  	_ =	shalt  }
0x4e: {  	_ =	shalt  }
0x4f: {  	_ =	shalt  }
0x50: {  	_ =	shalt  }
0x51: {  	_ =	shalt  }
0x52: {  	_ =	shalt  }
0x53: {  	_ =	shalt  }
0x54: {  	_ =	shalt  }
0x55: {  	_ =	shalt  }
0x56: {  	_ =	shalt  }
0x57: {  	_ =	shalt  }
0x58: {  	_ =	shalt  }
0x59: {  	_ =	shalt  }
0x5a: {  	_ =	shalt  }
0x5b: {  	_ =	shalt  }
0x5c: {  	_ =	shalt  }
0x5d: {  	_ =	shalt  }
0x5e: {  	_ =	shalt  }
0x5f: {  	_ =	shalt  }
0x60: {  	_ =	shalt  }
0x61: {  	_ =	shalt  }
0x62: {  	_ =	shalt  }
0x63: {  	_ =	shalt  }
0x64: {  	_ =	shalt  }
0x65: {  	_ =	shalt  }
0x66: {  	_ =	shalt  }
0x67: {  	_ =	shalt  }
0x68: {  	_ =	shalt  }
0x69: {  	_ =	shalt  }
0x6a: {  	_ =	shalt  }
0x6b: {  	_ =	shalt  }
0x6c: {  	_ =	shalt  }
0x6d: {  	_ =	shalt  }
0x6e: {  	_ =	shalt  }
0x6f: {  	_ =	shalt  }
0x70: {  	_ =	shalt  }
0x71: {  	_ =	shalt  }
0x72: {  	_ =	shalt  }
0x73: {  	_ =	shalt  }
0x74: {  	_ =	shalt  }
0x75: {  	_ =	shalt  }
0x76: {  	_ =	shalt  }
0x77: {  	_ =	shalt  }
0x78: {  	_ =	shalt  }
0x79: {  	_ =	shalt  }
0x7a: {  	_ =	shalt  }
0x7b: {  	_ =	shalt  }
0x7c: {  	_ =	shalt  }
0x7d: {  	_ =	shalt  }
0x7e: {  	_ =	shalt  }
0x7f: {  	_ =	shalt  }
0x80: {  	_ =	shalt  }
0x81: {  	_ =	shalt  }
0x82: {  	_ =	shalt  }
0x83: {  	_ =	shalt  }
0x84: {  	_ =	shalt  }
0x85: {  	_ =	shalt  }
0x86: {  	_ =	shalt  }
0x87: {  	_ =	shalt  }
.Lfunc_end0:
.L_simem_size_0:
called_computation.2_lowered:
.L_overlay_start_0:
0x88: {  	s2 =	sld [smem:$0x3FD9]  }
0x89: {  	s3 =	sld [smem:$0x3FFE];
	_ =	sdelay $0x1  }
0x8a: {  	s1 =	srdreg.scid  }
0x8b: {  	s0 =	sand.u32 $0x1, s1  }
0x8c: {  	s16 =	sshll.u32 s0, $0xA;
	s2 =	sadd.s32 s3, s2  }
0x8d: {  	s2 =	sadd.s32 s2, s16  }
0x8e: {  	[smem:$0x3FBE] =	sst s2  }
0x8f: {  	_ = 	snop  }
0x90: {  	(tm) =	ssettm $0x1  }
0x91: {  	s17 =	sld [smem:$0x3FFB];
	_ =	sdelay $0x3  }
0x92: {  	_ =	strace s17  }
0x93: {  	s2 =	sld [smem:$0x3FFC];
	_ =	sdelay $0x3  }
0x94: {  	_ =	strace s2  }
0x95: {  	s2 =	sld [smem:$0x3FFD];
	_ =	sdelay $0x3  }
0x96: {  	_ =	strace s2  }
0x97: {  	_ =	strace $0x8FFFFFFF  }
0x98: {  	s18 =	sld [smem:$0x3FDB];
	_ =	sdelay $0x1  }
0x99: {  	s19 =	simm.s32 $_scs_section_size  }
0x9a: {  	s4 =	simm.s32 $_size__tile_overlayer_lowered;
	s5 =	simm.s32 $_tile_overlayer_lowered  }
0x9b: {  	s22 =	simm.s32 $0x1BFF;
	s21 =	sshll.u32 s5, $0x1;
	s2 =	sadd.s32 s19, s18  }
0x9c: {  	s6 =	simm.s32 $0x0;
	s20 =	sshll.u32 s4, $0x1;
	s4 =	sadd.s32 s21, s2  }
0x9d: {  	[timem:s6], [sflag:s22] =	dma.local [hbm:s4], s20  }
0x9e: {  	_ =	swait.ge [sflag:s22], s20  }
0x9f: {  	s3 =	ssub.s32 $0x0, s20;
	[sflag:s22] =	ssyncset.done $0x0  }
0xa0: {  	[sflag:s22] =	ssyncadd.s32 s3;
	_ =	sdelay $0x1  }
0xa1: {  	s23 =	simm.s32 $0x1B8B  }
0xa2: {  	_ =	swait.ge [sflag:s23], $0x1  }
0xa3: {  	[sflag:s23] =	ssyncset.done $0x0  }
0xa4: {  	s25 =	simm.s32 $0x1B8E;
	s24 =	sld [smem:$0x3FFE];
	[sflag:s23] =	ssyncadd.s32 $0xFFFFFFFF  }
0xa5: {  	s26 =	simm.s32 $execute0_lowered;
	[smem:$0x3FD2] =	sst s25  }
0xa6: {  	s4 =	sshll.u32 s26, $0x1;
	_ =	strace $0x8000004C;
	[dreg:$0x1] =	wrdreg $0xFFFFFFFF  }
0xa7: {  	s28 =	simm.s32 $_size_execute0_lowered;
	s2 =	sadd.s32 s2, s4;
	[dreg:$0x0] =	wrdreg $0x0  }
0xa8: {  	s4 =	sshll.u32 s28, $0x1;
	[dreg:$0x2] =	wrdreg s2  }
0xa9: {  	[dreg:$0x3] =	wrdreg s4  }
0xaa: {  	[dreg:$0x4] =	wrdreg $0xC0  }
0xab: {  	_ =	task [dreg:s6], $0x5FFFF  }
0xac: {  	[dreg:$0x1] =	wrdreg $0xFFFFFFFF  }
0xad: {  	[dreg:$0x0] =	wrdreg $0x60  }
0xae: {  	[dreg:$0x2] =	wrdreg s24  }
0xaf: {  	[dreg:$0x3] =	wrdreg $0x88000  }
0xb0: {  	[dreg:$0x4] =	wrdreg $0x9  }
0xb1: {  	_ =	task.clear_ibuf [dreg:s6], $0x5FFFF;
	_ =	strace $0x9000004C  }
0xb2: {  	s29 =	simm.s32 $0x9;
	_ =	strace $0x8000004E  }
0xb3: {  	_ =	swait.ge [sflag:s29], $0x1  }
0xb4: {  	[sflag:s29] =	ssyncadd.s32 $0xFFFFFFFF  }
0xb5: {  	_ =	strace $0x9000004E  }
0xb6: {  	_ =	sfence  }
0xb7: {  	s30 =	sld [smem:$0x0];
	_ =	sdelay $0x2  }
0xb8: {  	s31 =	sshll.u32 s1, $0xD;
	s1 =	sshrl.u32 s1, $0x2  }
0xb9: {  	s3 =	sand.u32 $0x4000, s31;
	s1 =	sadd.s32 s1, s30  }
0xba: {  	s0 =	sor.u32 s3, s0;
	s1 =	sshll.u32 s1, $0x11  }
0xbb: {  	s0 =	sor.u32 s1, s0  }
0xbc: {  	s0 =	sadd.s32 $0x8F2B, s0  }
0xbd: {  	[sflag:s0] =	ssyncadd.remote.s32 $0x1  }
0xbe: {  	_ =	sfence.sel $0xFFFF  }
0xbf: {  	[dreg:$0x0] =	wrdreg $0xFFFFFFFF;
	(pc) =	sbr.abs _section_cstart, $3  }
0xc0: {  	[dreg:$0x1] =	wrdreg $0xFFFFFFFF  }
0xc1: {  	_ =	task.clear_ibuf [dreg:s6], $0x2FFFF;
	_ =	strace $0x9FFFFFFF  }
0xc2: {  	(tm) =	ssettm $0x7FFFFFFF  }
0xc3: {  	_ =	shalt  }
tec
execute0_lowered:
.L_overlay_start_1:
0x0: {  	(tag) =	ssettag $0x1  }
0x1: {  	s0 =	rddreg [dreg:$0x0];
	s1 =	srdreg.scid  }
0x2: {  	s2 =	rddreg [dreg:$0x1];
	s9 =	stileid.u32;
	s3 =	simm.s32 $0x0  }
0x3: {  	s13 =	simm.s32 $0x800;
	s14 =	simm.s32 $0x5;
	s15 =	simm.s32 $0x400  }
0x4: {  	s16 =	simm.s32 $0x80;
	s17 =	simm.s32 $0x1;
	s18 =	simm.s32 $0x4800  }
0x5: {  	s19 =	simm.s32 $0x2;
	s20 =	simm.s32 $0x480;
	s28 =	simm.s32 $0x580  }
0x6: {  	s29 =	simm.s32 $0x200;
	s30 =	simm.s32 $0x600;
	s5 =	smul.u32 $0x2C00, s9  }
0x7: {  	s31 =	simm.s32 $0x280;
	s1 =	sand.u32 $0x1, s1;
	s6 =	smul.u32 $0x4F000, s9  }
0x8: {  	[smem:$0x7FF] =	sst s3;
	s7 =	sadd.s32 $0xD400, s0;
	s25 =	smul.u32 $0x2780, s9  }
0x9: {  	s9 =	simm.s32 $0x0;
	s4 =	smul.u32 $0x2C000, s1;
	_ =	strace $0x8000004D  }
0xa: {  	[dreg:$0x4] =	wrdreg s7;
	s21 =	smul.u32 $0x27800, s1;
	s1 =	ssub.s32 $0x2, s1  }
0xb: {  	s7 =	simm.s32 $0x380;
	s6 =	sshrl.u32 s6, $0x2;
	s8 =	sshrl.u32 s1, $0x1  }
0xc: {  	s5 =	sadd.s32 s5, s4;
	s4 =	sadd.s32 $0xDC00, s0;
	s10 =	sadd.s32 s6, s2  }
0xd: {  	s1 =	ssub.s32 s1, s8;
	s6 =	sadd.s32 $0x4000, s10;
	[dreg:$0x5] =	wrdreg s10  }
0xe: {  	s8 =	simm.s32 $0x780;
	s22 =	sadd.s32 $0x8000, s10;
	[dreg:$0x6] =	wrdreg s6  }
0xf: {  	s5 =	sshrl.u32 s5, $0x3;
	s23 =	sadd.s32 $0xC000, s10;
	[dreg:$0x7] =	wrdreg s22  }
0x10: {  	s24 =	sadd.s32 $0x10000, s10;
	s1 =	smax.u32 s1, $0x1;
	[dreg:$0x8] =	wrdreg s23  }
0x11: {  	s5 =	sadd.s32 s5, s0;
	s0 =	sadd.s32 s21, s0;
	[dreg:$0x9] =	wrdreg s24  }
0x12: {  	[dreg:$0xa] =	wrdreg s1;
	s21 =	simm.s32 $0x3;
	s22 =	simm.s32 $0x100  }
0x13: {  	s23 =	simm.s32 $0x500;
	s1 =	simm.s32 $0x300;
	s0 =	sadd.s32 $0x3CA00, s0  }
0x14: {  	s26 =	sadd.s32 $0x2400, s5;
	s12 =	sadd.s32 $0xC7C00, s5;
	s5 =	simm.s32 $0x700  }
0x15: {  	[dreg:$0x3] =	wrdreg s26;
	s0 =	sadd.s32 s25, s0;
	s25 =	simm.s32 $0x4  }
0x16: {  	s26 =	simm.s32 $0x180;
	[dreg:$0xb] =	wrdreg s0;
	s0 =	simm.s32 $0x680  }
.LBB2_1:
0x17: {  	[dreg:$0xc] =	wrdreg s9  }
0x18: {  	s6 =	rddreg [dreg:$0x4]  }
0x19: {  	[tilespmem:s13], [sflag:$0x5] =	stream.linear.gather [hbm4b:s6+s3], $0x4000, $0x38;
	[tilespmem:$0x1C400] =	vst v63  }
0x1a: {  	_ =	swait.ge [sflag:s14], $0x4000  }
0x1b: {  	[sflag:s14] =	ssyncset.done $0x0  }
0x1c: {  	[sflag:s14] =	ssyncadd.s32 $0xFFFFC000  }
0x1d: {  	[spmem:s10] =	stream.linear.scatter [tilespmem:s13], [sflag:$0x5], $0x4000, $0x38;
	[tilespmem:$0x1C400] =	vst v63  }
0x1e: {  	_ =	swait.ge [sflag:s14], $0x4000  }
0x1f: {  	[sflag:s14] =	ssyncset.done $0x0  }
0x20: {  	s11 =	rddreg [dreg:$0x6];
	[sflag:s14] =	ssyncadd.s32 $0xFFFFC000  }
0x21: {  	[spmem:s11] =	stream.linear.scatter [tilespmem:s13], [sflag:$0x5], $0x4000, $0x38;
	[tilespmem:$0x1C400] =	vst v63  }
0x22: {  	_ =	swait.ge [sflag:s14], $0x4000  }
0x23: {  	[sflag:s14] =	ssyncset.done $0x0  }
0x24: {  	s24 =	rddreg [dreg:$0x7];
	[sflag:s14] =	ssyncadd.s32 $0xFFFFC000  }
0x25: {  	[spmem:s24] =	stream.linear.scatter [tilespmem:s13], [sflag:$0x5], $0x4000, $0x38;
	[tilespmem:$0x1C400] =	vst v63  }
0x26: {  	_ =	swait.ge [sflag:s14], $0x4000  }
0x27: {  	[sflag:s14] =	ssyncset.done $0x0  }
0x28: {  	s9 =	rddreg [dreg:$0x8];
	[sflag:s14] =	ssyncadd.s32 $0xFFFFC000  }
0x29: {  	[spmem:s9] =	stream.linear.scatter [tilespmem:s13], [sflag:$0x5], $0x4000, $0x38;
	[tilespmem:$0x1C400] =	vst v63  }
0x2a: {  	_ =	swait.ge [sflag:s14], $0x4000  }
0x2b: {  	[sflag:s14] =	ssyncset.done $0x0  }
0x2c: {  	s10 =	rddreg [dreg:$0x9];
	[sflag:s14] =	ssyncadd.s32 $0xFFFFC000  }
0x2d: {  	[spmem:s10] =	stream.linear.scatter [tilespmem:s13], [sflag:$0x5], $0x3C00, $0x38;
	[tilespmem:$0x1C400] =	vst v63  }
0x2e: {  	_ =	swait.ge [sflag:s14], $0x3C00  }
0x2f: {  	[sflag:s14] =	ssyncset.done $0x0  }
0x30: {  	[sflag:s14] =	ssyncadd.s32 $0xFFFFC400  }
0x31: {  	s11 =	sadd.s32 $0x0, s12;
	[bflag:$0x0] =	sbarrier.arrive $0xFFFF  }
0x32: {  	[tilespmem:s3], [sflag:$0x5] =	stream.linear.gather [hbm4b:s11+s3], $0x400, $0x38;
	[tilespmem:$0x1C400] =	vst v63  }
0x33: {  	_ =	swait.ge [sflag:s14], $0x400  }
0x34: {  	s24 =	rddreg [dreg:$0x3];
	[sflag:s14] =	ssyncset.done $0x0  }
0x35: {  	[sflag:s14] =	ssyncadd.s32 $0xFFFFFC00;
	s10 =	sadd.s32 $0x0, s24  }
0x36: {  	[tilespmem:s15], [sflag:$0x5] =	stream.linear.gather [hbm4b:s10+s3], $0x400, $0x38;
	[tilespmem:$0x1C400] =	vst v63  }
0x37: {  	_ =	swait.ge [sflag:s14], $0x400  }
0x38: {  	[sflag:s14] =	ssyncset.done $0x0  }
0x39: {  	[sflag:s14] =	ssyncadd.s32 $0xFFFFFC00  }
0x3a: {  	[tilespmem:s13], [sflag:$0x1] =	stream.indirect.gather [hbm4b:s4+s16], $0x80, s3, s16, $0xb8;
	[tilespmem:$0x1C400] =	vst v63  }
0x3b: {  	_ =	swait.ge [sflag:s17], $0x4000  }
0x3c: {  	[sflag:s17] =	ssyncset.done $0x0  }
0x3d: {  	[sflag:s17] =	ssyncadd.s32 $0xFFFFC000  }
0x3e: {  	[spmem:s2] =	stream.indirect.scatter.add.f32 [tilespmem:s13], [sflag:$0x3], $0x80, s15, s16, $0xb8;
	[tilespmem:$0x1C400] =	vst v63  }
0x3f: {  	_ = 	snop  }
0x40: {  	[tilespmem:s18], [sflag:$0x2] =	stream.indirect.gather [hbm4b:s4+s16], $0x80, s16, s16, $0xb8;
	[tilespmem:$0x1C400] =	vst v63  }
0x41: {  	_ =	swait.ge [sflag:s19], $0x4000  }
0x42: {  	[sflag:s19] =	ssyncset.done $0x0  }
0x43: {  	[sflag:s19] =	ssyncadd.s32 $0xFFFFC000  }
0x44: {  	[spmem:s2] =	stream.indirect.scatter.add.f32 [tilespmem:s18], [sflag:$0x4], $0x80, s20, s16, $0xb8;
	[tilespmem:$0x1C400] =	vst v63  }
0x45: {  	_ =	swait.ge [sflag:s21], $0x4000  }
0x46: {  	[sflag:s21] =	ssyncset.done $0x0  }
0x47: {  	[sflag:s21] =	ssyncadd.s32 $0xFFFFC000  }
0x48: {  	[tilespmem:s13], [sflag:$0x1] =	stream.indirect.gather [hbm4b:s4+s16], $0x80, s22, s16, $0xb8;
	[tilespmem:$0x1C400] =	vst v63  }
0x49: {  	_ =	swait.ge [sflag:s17], $0x4000  }
0x4a: {  	[sflag:s17] =	ssyncset.done $0x0  }
0x4b: {  	[sflag:s17] =	ssyncadd.s32 $0xFFFFC000  }
0x4c: {  	[spmem:s2] =	stream.indirect.scatter.add.f32 [tilespmem:s13], [sflag:$0x3], $0x80, s23, s16, $0xb8;
	[tilespmem:$0x1C400] =	vst v63  }
0x4d: {  	_ =	swait.ge [sflag:s25], $0x4000  }
0x4e: {  	[sflag:s25] =	ssyncset.done $0x0  }
0x4f: {  	[sflag:s25] =	ssyncadd.s32 $0xFFFFC000  }
0x50: {  	[tilespmem:s18], [sflag:$0x2] =	stream.indirect.gather [hbm4b:s4+s16], $0x80, s26, s16, $0xb8;
	[tilespmem:$0x1C400] =	vst v63  }
0x51: {  	_ =	swait.ge [sflag:s19], $0x4000  }
0x52: {  	[sflag:s19] =	ssyncset.done $0x0  }
0x53: {  	[sflag:s19] =	ssyncadd.s32 $0xFFFFC000  }
0x54: {  	[spmem:s2] =	stream.indirect.scatter.add.f32 [tilespmem:s18], [sflag:$0x4], $0x80, s28, s16, $0xb8;
	[tilespmem:$0x1C400] =	vst v63  }
0x55: {  	_ =	swait.ge [sflag:s21], $0x4000  }
0x56: {  	[sflag:s21] =	ssyncset.done $0x0  }
0x57: {  	[sflag:s21] =	ssyncadd.s32 $0xFFFFC000  }
0x58: {  	[tilespmem:s13], [sflag:$0x1] =	stream.indirect.gather [hbm4b:s4+s16], $0x80, s29, s16, $0xb8;
	[tilespmem:$0x1C400] =	vst v63  }
0x59: {  	_ =	swait.ge [sflag:s17], $0x4000  }
0x5a: {  	[sflag:s17] =	ssyncset.done $0x0  }
0x5b: {  	[sflag:s17] =	ssyncadd.s32 $0xFFFFC000  }
0x5c: {  	[spmem:s2] =	stream.indirect.scatter.add.f32 [tilespmem:s13], [sflag:$0x3], $0x80, s30, s16, $0xb8;
	[tilespmem:$0x1C400] =	vst v63  }
0x5d: {  	_ =	swait.ge [sflag:s25], $0x4000  }
0x5e: {  	[sflag:s25] =	ssyncset.done $0x0  }
0x5f: {  	[sflag:s25] =	ssyncadd.s32 $0xFFFFC000  }
0x60: {  	[tilespmem:s18], [sflag:$0x2] =	stream.indirect.gather [hbm4b:s4+s16], $0x80, s31, s16, $0xb8;
	[tilespmem:$0x1C400] =	vst v63  }
0x61: {  	_ =	swait.ge [sflag:s19], $0x4000  }
0x62: {  	[sflag:s19] =	ssyncset.done $0x0  }
0x63: {  	[sflag:s19] =	ssyncadd.s32 $0xFFFFC000  }
0x64: {  	[spmem:s2] =	stream.indirect.scatter.add.f32 [tilespmem:s18], [sflag:$0x4], $0x80, s0, s16, $0xb8;
	[tilespmem:$0x1C400] =	vst v63  }
0x65: {  	_ =	swait.ge [sflag:s21], $0x4000  }
0x66: {  	[sflag:s21] =	ssyncset.done $0x0  }
0x67: {  	[sflag:s21] =	ssyncadd.s32 $0xFFFFC000  }
0x68: {  	[tilespmem:s13], [sflag:$0x1] =	stream.indirect.gather [hbm4b:s4+s16], $0x80, s1, s16, $0xb8;
	[tilespmem:$0x1C400] =	vst v63  }
0x69: {  	_ =	swait.ge [sflag:s17], $0x4000  }
0x6a: {  	[sflag:s17] =	ssyncset.done $0x0  }
0x6b: {  	[sflag:s17] =	ssyncadd.s32 $0xFFFFC000  }
0x6c: {  	[spmem:s2] =	stream.indirect.scatter.add.f32 [tilespmem:s13], [sflag:$0x3], $0x80, s5, s16, $0xb8;
	[tilespmem:$0x1C400] =	vst v63  }
0x6d: {  	_ =	swait.ge [sflag:s25], $0x4000  }
0x6e: {  	[sflag:s25] =	ssyncset.done $0x0  }
0x6f: {  	[sflag:s25] =	ssyncadd.s32 $0xFFFFC000  }
0x70: {  	[tilespmem:s18], [sflag:$0x2] =	stream.indirect.gather [hbm4b:s4+s16], $0x80, s7, s16, $0xb8;
	[tilespmem:$0x1C400] =	vst v63  }
0x71: {  	_ =	swait.ge [sflag:s19], $0x4000  }
0x72: {  	[sflag:s19] =	ssyncset.done $0x0  }
0x73: {  	[sflag:s19] =	ssyncadd.s32 $0xFFFFC000  }
0x74: {  	[spmem:s2] =	stream.indirect.scatter.add.f32 [tilespmem:s18], [sflag:$0x4], $0x80, s8, s16, $0xb8;
	[tilespmem:$0x1C400] =	vst v63  }
0x75: {  	_ =	swait.ge [sflag:s21], $0x4000  }
0x76: {  	[sflag:s21] =	ssyncset.done $0x0  }
0x77: {  	[sflag:s21] =	ssyncadd.s32 $0xFFFFC000  }
0x78: {  	_ =	swait.ge [sflag:s25], $0x4000  }
0x79: {  	s11 =	simm.s32 $0x100;
	s10 =	simm.s32 $0x80;
	[sflag:s25] =	ssyncset.done $0x0  }
.LBB2_2:
0x7a: {  	s6 =	sadd.s32 s10, s12;
	[sflag:s25] =	ssyncadd.s32 $0xFFFFC000  }
0x7b: {  	[tilespmem:s3], [sflag:$0x5] =	stream.linear.gather [hbm4b:s6+s3], $0x400, $0x38;
	[tilespmem:$0x1C400] =	vst v63  }
0x7c: {  	s9 =	smov.u32 s11;
	s24 =	sadd.s32 $0x80, s11;
	_ =	swait.ge [sflag:s14], $0x400  }
0x7d: {  	p0 =	sne.s32 s11, $0x500;
	s11 =	rddreg [dreg:$0x3];
	[sflag:s14] =	ssyncset.done $0x0  }
0x7e: {  	[sflag:s14] =	ssyncadd.s32 $0xFFFFFC00;
	s6 =	sadd.s32 s10, s11  }
0x7f: {  	[tilespmem:s15], [sflag:$0x5] =	stream.linear.gather [hbm4b:s6+s3], $0x400, $0x38;
	[tilespmem:$0x1C400] =	vst v63  }
0x80: {  	_ =	swait.ge [sflag:s14], $0x400  }
0x81: {  	[sflag:s14] =	ssyncset.done $0x0  }
0x82: {  	[sflag:s14] =	ssyncadd.s32 $0xFFFFFC00  }
0x83: {  	[tilespmem:s13], [sflag:$0x1] =	stream.indirect.gather [hbm4b:s4+s16], $0x80, s3, s16, $0xb8;
	[tilespmem:$0x1C400] =	vst v63  }
0x84: {  	_ =	swait.ge [sflag:s17], $0x4000  }
0x85: {  	[sflag:s17] =	ssyncset.done $0x0  }
0x86: {  	[sflag:s17] =	ssyncadd.s32 $0xFFFFC000  }
0x87: {  	[spmem:s2] =	stream.indirect.scatter.add.f32 [tilespmem:s13], [sflag:$0x3], $0x80, s15, s16, $0xb8;
	[tilespmem:$0x1C400] =	vst v63  }
0x88: {  	_ = 	snop  }
0x89: {  	[tilespmem:s18], [sflag:$0x2] =	stream.indirect.gather [hbm4b:s4+s16], $0x80, s16, s16, $0xb8;
	[tilespmem:$0x1C400] =	vst v63  }
0x8a: {  	_ =	swait.ge [sflag:s19], $0x4000  }
0x8b: {  	[sflag:s19] =	ssyncset.done $0x0  }
0x8c: {  	[sflag:s19] =	ssyncadd.s32 $0xFFFFC000  }
0x8d: {  	[spmem:s2] =	stream.indirect.scatter.add.f32 [tilespmem:s18], [sflag:$0x4], $0x80, s20, s16, $0xb8;
	[tilespmem:$0x1C400] =	vst v63  }
0x8e: {  	_ =	swait.ge [sflag:s21], $0x4000  }
0x8f: {  	[sflag:s21] =	ssyncset.done $0x0  }
0x90: {  	[sflag:s21] =	ssyncadd.s32 $0xFFFFC000  }
0x91: {  	[tilespmem:s13], [sflag:$0x1] =	stream.indirect.gather [hbm4b:s4+s16], $0x80, s22, s16, $0xb8;
	[tilespmem:$0x1C400] =	vst v63  }
0x92: {  	_ =	swait.ge [sflag:s17], $0x4000  }
0x93: {  	[sflag:s17] =	ssyncset.done $0x0  }
0x94: {  	[sflag:s17] =	ssyncadd.s32 $0xFFFFC000  }
0x95: {  	[spmem:s2] =	stream.indirect.scatter.add.f32 [tilespmem:s13], [sflag:$0x3], $0x80, s23, s16, $0xb8;
	[tilespmem:$0x1C400] =	vst v63  }
0x96: {  	_ =	swait.ge [sflag:s25], $0x4000  }
0x97: {  	[sflag:s25] =	ssyncset.done $0x0  }
0x98: {  	[sflag:s25] =	ssyncadd.s32 $0xFFFFC000  }
0x99: {  	[tilespmem:s18], [sflag:$0x2] =	stream.indirect.gather [hbm4b:s4+s16], $0x80, s26, s16, $0xb8;
	[tilespmem:$0x1C400] =	vst v63  }
0x9a: {  	_ =	swait.ge [sflag:s19], $0x4000  }
0x9b: {  	[sflag:s19] =	ssyncset.done $0x0  }
0x9c: {  	[sflag:s19] =	ssyncadd.s32 $0xFFFFC000  }
0x9d: {  	[spmem:s2] =	stream.indirect.scatter.add.f32 [tilespmem:s18], [sflag:$0x4], $0x80, s28, s16, $0xb8;
	[tilespmem:$0x1C400] =	vst v63  }
0x9e: {  	_ =	swait.ge [sflag:s21], $0x4000  }
0x9f: {  	[sflag:s21] =	ssyncset.done $0x0  }
0xa0: {  	[sflag:s21] =	ssyncadd.s32 $0xFFFFC000  }
0xa1: {  	[tilespmem:s13], [sflag:$0x1] =	stream.indirect.gather [hbm4b:s4+s16], $0x80, s29, s16, $0xb8;
	[tilespmem:$0x1C400] =	vst v63  }
0xa2: {  	_ =	swait.ge [sflag:s17], $0x4000  }
0xa3: {  	[sflag:s17] =	ssyncset.done $0x0  }
0xa4: {  	[sflag:s17] =	ssyncadd.s32 $0xFFFFC000  }
0xa5: {  	[spmem:s2] =	stream.indirect.scatter.add.f32 [tilespmem:s13], [sflag:$0x3], $0x80, s30, s16, $0xb8;
	[tilespmem:$0x1C400] =	vst v63  }
0xa6: {  	_ =	swait.ge [sflag:s25], $0x4000  }
0xa7: {  	[sflag:s25] =	ssyncset.done $0x0  }
0xa8: {  	[sflag:s25] =	ssyncadd.s32 $0xFFFFC000  }
0xa9: {  	[tilespmem:s18], [sflag:$0x2] =	stream.indirect.gather [hbm4b:s4+s16], $0x80, s31, s16, $0xb8;
	[tilespmem:$0x1C400] =	vst v63  }
0xaa: {  	_ =	swait.ge [sflag:s19], $0x4000  }
0xab: {  	[sflag:s19] =	ssyncset.done $0x0  }
0xac: {  	[sflag:s19] =	ssyncadd.s32 $0xFFFFC000  }
0xad: {  	[spmem:s2] =	stream.indirect.scatter.add.f32 [tilespmem:s18], [sflag:$0x4], $0x80, s0, s16, $0xb8;
	[tilespmem:$0x1C400] =	vst v63  }
0xae: {  	_ =	swait.ge [sflag:s21], $0x4000  }
0xaf: {  	[sflag:s21] =	ssyncset.done $0x0  }
0xb0: {  	[sflag:s21] =	ssyncadd.s32 $0xFFFFC000  }
0xb1: {  	[tilespmem:s13], [sflag:$0x1] =	stream.indirect.gather [hbm4b:s4+s16], $0x80, s1, s16, $0xb8;
	[tilespmem:$0x1C400] =	vst v63  }
0xb2: {  	_ =	swait.ge [sflag:s17], $0x4000  }
0xb3: {  	[sflag:s17] =	ssyncset.done $0x0  }
0xb4: {  	[sflag:s17] =	ssyncadd.s32 $0xFFFFC000  }
0xb5: {  	[spmem:s2] =	stream.indirect.scatter.add.f32 [tilespmem:s13], [sflag:$0x3], $0x80, s5, s16, $0xb8;
	[tilespmem:$0x1C400] =	vst v63  }
0xb6: {  	_ =	swait.ge [sflag:s25], $0x4000  }
0xb7: {  	[sflag:s25] =	ssyncset.done $0x0  }
0xb8: {  	[sflag:s25] =	ssyncadd.s32 $0xFFFFC000  }
0xb9: {  	[tilespmem:s18], [sflag:$0x2] =	stream.indirect.gather [hbm4b:s4+s16], $0x80, s7, s16, $0xb8;
	[tilespmem:$0x1C400] =	vst v63  }
0xba: {  	_ =	swait.ge [sflag:s19], $0x4000  }
0xbb: {  	[sflag:s19] =	ssyncset.done $0x0  }
0xbc: {  	[sflag:s19] =	ssyncadd.s32 $0xFFFFC000  }
0xbd: {  	[spmem:s2] =	stream.indirect.scatter.add.f32 [tilespmem:s18], [sflag:$0x4], $0x80, s8, s16, $0xb8;
	[tilespmem:$0x1C400] =	vst v63  }
.Ltmp0:
0xbe: {  	_ =	swait.ge [sflag:s21], $0x4000;
	(pc) =	sbr.rel @p0 .LBB2_2-.Ltmp0, $4  }
0xbf: {  	[sflag:s21] =	ssyncset.done $0x0  }
0xc0: {  	[sflag:s21] =	ssyncadd.s32 $0xFFFFC000  }
0xc1: {  	_ =	swait.ge [sflag:s25], $0x4000  }
0xc2: {  	s10 =	smov.u32 s9;
	s11 =	smov.u32 s24;
	[sflag:s25] =	ssyncset.done $0x0  }
0xc3: {  	s6 =	sadd.s32 s10, s12;
	[sflag:s25] =	ssyncadd.s32 $0xFFFFC000  }
0xc4: {  	[tilespmem:s3], [sflag:$0x5] =	stream.linear.gather [hbm4b:s6+s3], $0x400, $0x38;
	[tilespmem:$0x1C400] =	vst v63  }
0xc5: {  	_ =	swait.ge [sflag:s14], $0x400  }
0xc6: {  	s9 =	rddreg [dreg:$0x3];
	[sflag:s14] =	ssyncset.done $0x0  }
0xc7: {  	[sflag:s14] =	ssyncadd.s32 $0xFFFFFC00;
	s6 =	sadd.s32 s10, s9  }
0xc8: {  	[tilespmem:s15], [sflag:$0x5] =	stream.linear.gather [hbm4b:s6+s3], $0x400, $0x38;
	[tilespmem:$0x1C400] =	vst v63  }
0xc9: {  	_ =	swait.ge [sflag:s14], $0x400  }
0xca: {  	[sflag:s14] =	ssyncset.done $0x0  }
0xcb: {  	[sflag:s14] =	ssyncadd.s32 $0xFFFFFC00  }
0xcc: {  	[tilespmem:s13], [sflag:$0x1] =	stream.indirect.gather [hbm4b:s4+s16], $0x80, s3, s16, $0xb8;
	[tilespmem:$0x1C400] =	vst v63  }
0xcd: {  	_ =	swait.ge [sflag:s17], $0x4000  }
0xce: {  	[sflag:s17] =	ssyncset.done $0x0  }
0xcf: {  	[sflag:s17] =	ssyncadd.s32 $0xFFFFC000  }
0xd0: {  	[spmem:s2] =	stream.indirect.scatter.add.f32 [tilespmem:s13], [sflag:$0x3], $0x80, s15, s16, $0xb8;
	[tilespmem:$0x1C400] =	vst v63  }
0xd1: {  	_ = 	snop  }
0xd2: {  	[tilespmem:s18], [sflag:$0x2] =	stream.indirect.gather [hbm4b:s4+s16], $0x80, s16, s16, $0xb8;
	[tilespmem:$0x1C400] =	vst v63  }
0xd3: {  	_ =	swait.ge [sflag:s19], $0x4000  }
0xd4: {  	[sflag:s19] =	ssyncset.done $0x0  }
0xd5: {  	[sflag:s19] =	ssyncadd.s32 $0xFFFFC000  }
0xd6: {  	[spmem:s2] =	stream.indirect.scatter.add.f32 [tilespmem:s18], [sflag:$0x4], $0x80, s20, s16, $0xb8;
	[tilespmem:$0x1C400] =	vst v63  }
0xd7: {  	_ =	swait.ge [sflag:s21], $0x4000  }
0xd8: {  	[sflag:s21] =	ssyncset.done $0x0  }
0xd9: {  	[sflag:s21] =	ssyncadd.s32 $0xFFFFC000  }
0xda: {  	[tilespmem:s13], [sflag:$0x1] =	stream.indirect.gather [hbm4b:s4+s16], $0x80, s22, s16, $0xb8;
	[tilespmem:$0x1C400] =	vst v63  }
0xdb: {  	_ =	swait.ge [sflag:s17], $0x4000  }
0xdc: {  	[sflag:s17] =	ssyncset.done $0x0  }
0xdd: {  	[sflag:s17] =	ssyncadd.s32 $0xFFFFC000  }
0xde: {  	[spmem:s2] =	stream.indirect.scatter.add.f32 [tilespmem:s13], [sflag:$0x3], $0x80, s23, s16, $0xb8;
	[tilespmem:$0x1C400] =	vst v63  }
0xdf: {  	_ =	swait.ge [sflag:s25], $0x4000  }
0xe0: {  	[sflag:s25] =	ssyncset.done $0x0  }
0xe1: {  	[sflag:s25] =	ssyncadd.s32 $0xFFFFC000  }
0xe2: {  	[tilespmem:s18], [sflag:$0x2] =	stream.indirect.gather [hbm4b:s4+s16], $0x80, s26, s16, $0xb8;
	[tilespmem:$0x1C400] =	vst v63  }
0xe3: {  	_ =	swait.ge [sflag:s19], $0x4000  }
0xe4: {  	[sflag:s19] =	ssyncset.done $0x0  }
0xe5: {  	[sflag:s19] =	ssyncadd.s32 $0xFFFFC000  }
0xe6: {  	[spmem:s2] =	stream.indirect.scatter.add.f32 [tilespmem:s18], [sflag:$0x4], $0x80, s28, s16, $0xb8;
	[tilespmem:$0x1C400] =	vst v63  }
0xe7: {  	_ =	swait.ge [sflag:s21], $0x4000  }
0xe8: {  	[sflag:s21] =	ssyncset.done $0x0  }
0xe9: {  	[sflag:s21] =	ssyncadd.s32 $0xFFFFC000  }
0xea: {  	[tilespmem:s13], [sflag:$0x1] =	stream.indirect.gather [hbm4b:s4+s16], $0x80, s29, s16, $0xb8;
	[tilespmem:$0x1C400] =	vst v63  }
0xeb: {  	_ =	swait.ge [sflag:s17], $0x4000  }
0xec: {  	[sflag:s17] =	ssyncset.done $0x0  }
0xed: {  	[sflag:s17] =	ssyncadd.s32 $0xFFFFC000  }
0xee: {  	[spmem:s2] =	stream.indirect.scatter.add.f32 [tilespmem:s13], [sflag:$0x3], $0x80, s30, s16, $0xb8;
	[tilespmem:$0x1C400] =	vst v63  }
0xef: {  	_ =	swait.ge [sflag:s25], $0x4000  }
0xf0: {  	[sflag:s25] =	ssyncset.done $0x0  }
0xf1: {  	[sflag:s25] =	ssyncadd.s32 $0xFFFFC000  }
0xf2: {  	[tilespmem:s18], [sflag:$0x2] =	stream.indirect.gather [hbm4b:s4+s16], $0x80, s31, s16, $0xb8;
	[tilespmem:$0x1C400] =	vst v63  }
0xf3: {  	_ =	swait.ge [sflag:s19], $0x4000  }
0xf4: {  	[sflag:s19] =	ssyncset.done $0x0  }
0xf5: {  	[sflag:s19] =	ssyncadd.s32 $0xFFFFC000  }
0xf6: {  	[spmem:s2] =	stream.indirect.scatter.add.f32 [tilespmem:s18], [sflag:$0x4], $0x80, s0, s16, $0xb8;
	[tilespmem:$0x1C400] =	vst v63  }
0xf7: {  	_ =	swait.ge [sflag:s21], $0x4000  }
0xf8: {  	[sflag:s21] =	ssyncset.done $0x0  }
0xf9: {  	[sflag:s21] =	ssyncadd.s32 $0xFFFFC000  }
0xfa: {  	[tilespmem:s13], [sflag:$0x1] =	stream.indirect.gather [hbm4b:s4+s16], $0x80, s1, s16, $0xb8;
	[tilespmem:$0x1C400] =	vst v63  }
0xfb: {  	_ =	swait.ge [sflag:s17], $0x4000  }
0xfc: {  	[sflag:s17] =	ssyncset.done $0x0  }
0xfd: {  	[sflag:s17] =	ssyncadd.s32 $0xFFFFC000  }
0xfe: {  	[spmem:s2] =	stream.indirect.scatter.add.f32 [tilespmem:s13], [sflag:$0x3], $0x80, s5, s16, $0xb8;
	[tilespmem:$0x1C400] =	vst v63  }
0xff: {  	_ =	swait.ge [sflag:s25], $0x4000  }
0x100: {  	[sflag:s25] =	ssyncset.done $0x0  }
0x101: {  	[sflag:s25] =	ssyncadd.s32 $0xFFFFC000  }
0x102: {  	[tilespmem:s18], [sflag:$0x2] =	stream.indirect.gather [hbm4b:s4+s16], $0x80, s7, s16, $0xb8;
	[tilespmem:$0x1C400] =	vst v63  }
0x103: {  	_ =	swait.ge [sflag:s19], $0x4000  }
0x104: {  	[sflag:s19] =	ssyncset.done $0x0  }
0x105: {  	[sflag:s19] =	ssyncadd.s32 $0xFFFFC000  }
0x106: {  	[spmem:s2] =	stream.indirect.scatter.add.f32 [tilespmem:s18], [sflag:$0x4], $0x80, s8, s16, $0xb8;
	[tilespmem:$0x1C400] =	vst v63  }
0x107: {  	_ =	swait.ge [sflag:s21], $0x4000  }
0x108: {  	[sflag:s21] =	ssyncset.done $0x0  }
0x109: {  	[sflag:s21] =	ssyncadd.s32 $0xFFFFC000  }
0x10a: {  	_ =	swait.ge [sflag:s25], $0x4000  }
0x10b: {  	[sflag:s25] =	ssyncset.done $0x0  }
0x10c: {  	[sflag:s25] =	ssyncadd.s32 $0xFFFFC000  }
0x10d: {  	s10 =	stileid.u32;
	[bflag:$0x0] =	sbarrier.arrive $0xFFFF  }
0x10e: {  	s6 =	sshll.u32 s10, $0x6;
	s10 =	rddreg [dreg:$0x5]  }
0x10f: {  	s6 =	sor.u32 $0x1C05, s6;
	s11 =	rddreg [dreg:$0xb];
	s9 =	sshrl.u32 s10, $0x3  }
0x110: {  	[hbm:s11], [sflag:s6] =	dma.local [spmem:s9], $0x2780  }
0x111: {  	_ =	swait.ge [sflag:s14], $0x2780  }
0x112: {  	s11 =	rddreg [dreg:$0xc]  }
0x113: {  	s24 =	rddreg [dreg:$0xa];
	s9 =	sadd.s32 $0x1, s11  }
0x114: {  	p0 =	sne.s32 s9, s24  }
.Ltmp1:
0x115: {  	_ = 	snop;
	(pc) =	sbr.rel @p0 .LBB2_1-.Ltmp1, $3  }
0x116: {  	_ =	sdelay $0x1  }
0x117: {  	[sflag:s14] =	ssyncset.done $0x0  }
0x118: {  	[sflag:s14] =	ssyncadd.s32 $0xFFFFD880  }
0x119: {  	_ =	sfence.sel $0x180000  }
0x11a: {  	[bflag:$0x0] =	sbarrier.arrive $0xFFFF  }
0x11b: {  	_ =	strace $0x9000004D  }
0x11c: {  	s0 =	stileid.u32;
	[bflag:$0x2] =	sbarrier.arrive $0xFFFF  }
0x11d: {  	p0 =	sne.s32 s0, $0x0;
	s0 =	rddreg [dreg:$0x2]  }
0x11e: {  	s0 =	sadd.s32 @!p0 $0x100000, s0  }
0x11f: {  	[sflag:s0] =	ssyncadd.tile.s32 @!p0 $0x1;
	_ =	shalt  }
.Lfunc_end2:
_tile_overlayer_lowered:
.L_overlay_start_2:
0x120: {  	(tag) =	ssettag $0x2  }
0x121: {  	s0 =	rddreg [dreg:$0x0];
	s2 =	stileid.u32  }
0x122: {  	s1 =	rddreg [dreg:$0x1];
	p0 =	sne.s32 s2, $0x0  }
0x123: {  	s3 =	rddreg [dreg:$0x2];
	[bflag:$0x3] =	sbarrier.arrive $0xFFFF;
	s2 =	simm.s32 @!p0 $0x1C05  }
0x124: {  	[timem:s3], [sflag:s2] =	dma.local @!p0 [hbm:s0], s1  }
0x125: {  	s0 =	simm.s32 @!p0 $0x5  }
0x126: {  	_ =	swait.ge @!p0 [sflag:s0], s1  }
0x127: {  	s1 =	ssub.s32 @!p0 $0x0, s1;
	[sflag:s0] =	ssyncset.done @!p0 $0x0  }
0x128: {  	[sflag:s0] =	ssyncadd.s32 @!p0 s1  }
0x129: {  	[bflag:$0x3] =	sbarrier.arrive $0xFFFF  }
0x12a: {  	_ =	shalt  }

// kernel: kernel.8.cloned.1.call-start
scs
__scs_entry_jumppad:
0x0: {  	(pc) =	sbr.rel $0x88, $3  }
0x1: {  	(tag) =	ssettag $0x0;
	lr =	simm.s32 $0x1  }
0x2: {  	[smem:$0x3F97] =	sst lr;
	_ =	strace $0xD0000000  }
0x3: {  	_ = 	snop  }
0x4: {  	_ = 	snop  }
0x5: {  	_ = 	snop  }
0x6: {  	_ = 	snop  }
0x7: {  	_ = 	snop  }
__scs_overlays_trampoline_lowered:
0x8: {  	[smem:$0x3FA6] =	sst s0  }
0x9: {  	[smem:$0x3FA7] =	sst s1  }
0xa: {  	[smem:$0x3FA8] =	sst s2  }
0xb: {  	[smem:$0x3FA9] =	sst s3  }
0xc: {  	[smem:$0x3FAA] =	sst s4  }
0xd: {  	[smem:$0x3FAB] =	sst s5  }
0xe: {  	[smem:$0x3FAC] =	sst s6  }
0xf: {  	[smem:$0x3FAD] =	sst s7  }
0x10: {  	[smem:$0x3FAE] =	sst s8  }
0x11: {  	[smem:$0x3FAF] =	sst s9;
	s0 =	simm.s32 @!p0 $0x0  }
0x12: {  	s1 =	sld [smem:$0x3F95];
	s0 =	simm.s32 @p0 $0x1  }
0x13: {  	[smem:$0x3FB0] =	sst s0;
	s0 =	simm.s32 @!p1 $0x0  }
0x14: {  	s2 =	sld [smem:$0x3F94];
	s0 =	simm.s32 @p1 $0x1  }
0x15: {  	[smem:$0x3FB1] =	sst s0;
	s0 =	simm.s32 @!p2 $0x0  }
0x16: {  	s3 =	sld [smem:$0x3FDB];
	s0 =	simm.s32 @p2 $0x1  }
0x17: {  	s4 =	simm.s32 $0x1BF5;
	[smem:$0x3FB3] =	sst s0  }
0x18: {  	s0 =	sld [smem:$0x3F96];
	_ =	swait.ge [sflag:s4], $0x0  }
0x19: {  	s7 =	sld [smem:$0x3F97]  }
0x1a: {  	s8 =	sadd.s32 $0xFFFFE003, lr  }
0x1b: {  	s9 =	sadd.s32 $0xFFFFFEF7, lr;
	s5 =	simm.s32 $0xFFFFFFFF;
	p2 =	slt.u32 s8, $0xFFFFF086  }
0x1c: {  	p1 =	slt.u32 s9, $0xF7A;
	s5 =	simm.s32 @!p2 $0x0  }
0x1d: {  	s5 =	simm.s32 @p1 $0x1;
	p0 =	seq.s32 s7, s2  }
0x1e: {  	s7 =	smul.u32 @!p0 $0xF7A, s2;
	p2 =	seq.s32 @!p0 s5, $0x0  }
0x1f: {  	s9 =	smul.u32 $0xF7A, s1;
	s8 =	simm.s32 @!p0 $0x1BF5;
	p2 =	por !p2, p0  }
0x20: {  	[sflag:s8] =	ssyncset.s32 @!p0 $0xFFFFF086;
	s6 =	sadd.s32 @!p0 s3, s7;
	s7 =	simm.s32 @!p0 $0x108  }
0x21: {  	s3 =	sadd.s32 s3, s9;
	s6 =	sadd.s32 @!p0 $0x88, s6;
	s7 =	simm.s32 @p2 $0x1082  }
0x22: {  	[simem:s7], [sflag:s8] =	dma.local @!p0 [hbm:s6], $0xF7A  }
0x23: {  	s9 =	sor.u32 $0xD0000000, s2;
	s6 =	simm.s32 $0x108;
	_ =	swait.ge @!p0 [sflag:s8], $0x0  }
0x24: {  	s3 =	sadd.s32 $0x88, s3;
	s6 =	simm.s32 @!p1 $0x1082;
	[sflag:s4] =	ssyncset.s32 $0xFFFFF086  }
0x25: {  	[simem:s6], [sflag:s4] =	dma.local [hbm:s3], $0xF7A  }
0x26: {  	[smem:$0x3F97] =	sst s1;
	(tag) =	ssettag s2;
	_ =	strace s9  }
0x27: {  	s1 =	sld [smem:$0x3FA7]  }
0x28: {  	s2 =	sld [smem:$0x3FA8]  }
0x29: {  	s4 =	sld [smem:$0x3FAA]  }
0x2a: {  	p0 =	seq.s32 s5, $0x0;
	s5 =	sld [smem:$0x3FAB]  }
0x2b: {  	s6 =	sld [smem:$0x3FAC]  }
0x2c: {  	s7 =	sld [smem:$0x3FAD]  }
0x2d: {  	s3 =	simm.s32 $0x108;
	s8 =	sld [smem:$0x3FAE]  }
0x2e: {  	s3 =	simm.s32 @!p0 $0x1082;
	s9 =	sld [smem:$0x3FAF]  }
0x2f: {  	lr =	sadd.s32 s0, s3;
	s0 =	sld [smem:$0x3FA6]  }
0x30: {  	s3 =	sld [smem:$0x3FA9]  }
0x31: {  	[smem:$0x3FB2] =	sst s10  }
0x32: {  	s10 =	sld [smem:$0x3FB0];
	_ =	sdelay $0x3  }
0x33: {  	p0 =	seq.s32 s10, $0x1;
	s10 =	sld [smem:$0x3FB2];
	_ =	sdelay $0x3  }
0x34: {  	[smem:$0x3FB2] =	sst s10  }
0x35: {  	s10 =	sld [smem:$0x3FB1];
	_ =	sdelay $0x3  }
0x36: {  	p1 =	seq.s32 s10, $0x1;
	s10 =	sld [smem:$0x3FB2];
	_ =	sdelay $0x3  }
0x37: {  	[smem:$0x3FB2] =	sst s10  }
0x38: {  	s10 =	sld [smem:$0x3FB3]  }
0x39: {  	_ = 	snop;
	(pc) =	sbr.ind lr, $3  }
0x3a: {  	_ = 	snop  }
0x3b: {  	_ = 	snop  }
0x3c: {  	p2 =	seq.s32 s10, $0x1;
	s10 =	sld [smem:$0x3FB2]  }
0x3d: {  	_ =	shalt  }
0x3e: {  	_ =	shalt  }
0x3f: {  	_ =	shalt  }
0x40: {  	_ =	shalt  }
0x41: {  	_ =	shalt  }
0x42: {  	_ =	shalt  }
0x43: {  	_ =	shalt  }
0x44: {  	_ =	shalt  }
0x45: {  	_ =	shalt  }
0x46: {  	_ =	shalt  }
0x47: {  	_ =	shalt  }
0x48: {  	_ =	shalt  }
0x49: {  	_ =	shalt  }
0x4a: {  	_ =	shalt  }
0x4b: {  	_ =	shalt  }
0x4c: {  	_ =	shalt  }
0x4d: {  	_ =	shalt  }
0x4e: {  	_ =	shalt  }
0x4f: {  	_ =	shalt  }
0x50: {  	_ =	shalt  }
0x51: {  	_ =	shalt  }
0x52: {  	_ =	shalt  }
0x53: {  	_ =	shalt  }
0x54: {  	_ =	shalt  }
0x55: {  	_ =	shalt  }
0x56: {  	_ =	shalt  }
0x57: {  	_ =	shalt  }
0x58: {  	_ =	shalt  }
0x59: {  	_ =	shalt  }
0x5a: {  	_ =	shalt  }
0x5b: {  	_ =	shalt  }
0x5c: {  	_ =	shalt  }
0x5d: {  	_ =	shalt  }
0x5e: {  	_ =	shalt  }
0x5f: {  	_ =	shalt  }
0x60: {  	_ =	shalt  }
0x61: {  	_ =	shalt  }
0x62: {  	_ =	shalt  }
0x63: {  	_ =	shalt  }
0x64: {  	_ =	shalt  }
0x65: {  	_ =	shalt  }
0x66: {  	_ =	shalt  }
0x67: {  	_ =	shalt  }
0x68: {  	_ =	shalt  }
0x69: {  	_ =	shalt  }
0x6a: {  	_ =	shalt  }
0x6b: {  	_ =	shalt  }
0x6c: {  	_ =	shalt  }
0x6d: {  	_ =	shalt  }
0x6e: {  	_ =	shalt  }
0x6f: {  	_ =	shalt  }
0x70: {  	_ =	shalt  }
0x71: {  	_ =	shalt  }
0x72: {  	_ =	shalt  }
0x73: {  	_ =	shalt  }
0x74: {  	_ =	shalt  }
0x75: {  	_ =	shalt  }
0x76: {  	_ =	shalt  }
0x77: {  	_ =	shalt  }
0x78: {  	_ =	shalt  }
0x79: {  	_ =	shalt  }
0x7a: {  	_ =	shalt  }
0x7b: {  	_ =	shalt  }
0x7c: {  	_ =	shalt  }
0x7d: {  	_ =	shalt  }
0x7e: {  	_ =	shalt  }
0x7f: {  	_ =	shalt  }
0x80: {  	_ =	shalt  }
0x81: {  	_ =	shalt  }
0x82: {  	_ =	shalt  }
0x83: {  	_ =	shalt  }
0x84: {  	_ =	shalt  }
0x85: {  	_ =	shalt  }
0x86: {  	_ =	shalt  }
0x87: {  	_ =	shalt  }
.Lfunc_end0:
.L_simem_size_0:
called_computation_lowered:
.L_overlay_start_0:
0x88: {  	s2 =	sld [smem:$0x3FD9]  }
0x89: {  	s3 =	sld [smem:$0x3FFE];
	_ =	sdelay $0x1  }
0x8a: {  	s1 =	srdreg.scid  }
0x8b: {  	s0 =	sand.u32 $0x1, s1  }
0x8c: {  	s16 =	sshll.u32 s0, $0xA;
	s2 =	sadd.s32 s3, s2  }
0x8d: {  	s2 =	sadd.s32 s2, s16  }
0x8e: {  	[smem:$0x3FBE] =	sst s2  }
0x8f: {  	_ = 	snop  }
0x90: {  	(tm) =	ssettm $0x1  }
0x91: {  	s17 =	sld [smem:$0x3FFB];
	_ =	sdelay $0x3  }
0x92: {  	_ =	strace s17  }
0x93: {  	s2 =	sld [smem:$0x3FFC];
	_ =	sdelay $0x3  }
0x94: {  	_ =	strace s2  }
0x95: {  	s2 =	sld [smem:$0x3FFD];
	_ =	sdelay $0x3  }
0x96: {  	_ =	strace s2  }
0x97: {  	_ =	strace $0x8FFFFFFF  }
0x98: {  	s18 =	sld [smem:$0x3FDB];
	_ =	sdelay $0x1  }
0x99: {  	s19 =	simm.s32 $_scs_section_size  }
0x9a: {  	s4 =	simm.s32 $_size__tile_overlayer_lowered;
	s5 =	simm.s32 $_tile_overlayer_lowered  }
0x9b: {  	s22 =	simm.s32 $0x1BFF;
	s21 =	sshll.u32 s5, $0x1;
	s2 =	sadd.s32 s19, s18  }
0x9c: {  	s6 =	simm.s32 $0x0;
	s20 =	sshll.u32 s4, $0x1;
	s4 =	sadd.s32 s21, s2  }
0x9d: {  	[timem:s6], [sflag:s22] =	dma.local [hbm:s4], s20  }
0x9e: {  	_ =	swait.ge [sflag:s22], s20  }
0x9f: {  	s3 =	ssub.s32 $0x0, s20;
	[sflag:s22] =	ssyncset.done $0x0  }
0xa0: {  	[sflag:s22] =	ssyncadd.s32 s3;
	_ =	sdelay $0x1  }
0xa1: {  	s23 =	simm.s32 $0x1B8B  }
0xa2: {  	_ =	swait.ge [sflag:s23], $0x1  }
0xa3: {  	[sflag:s23] =	ssyncset.done $0x0  }
0xa4: {  	s25 =	simm.s32 $0x1B8E;
	s24 =	sld [smem:$0x3FFE];
	[sflag:s23] =	ssyncadd.s32 $0xFFFFFFFF  }
0xa5: {  	s26 =	simm.s32 $execute0_lowered;
	[smem:$0x3FD2] =	sst s25  }
0xa6: {  	s4 =	sshll.u32 s26, $0x1;
	_ =	strace $0x80000046;
	[dreg:$0x1] =	wrdreg $0xFFFFFFFF  }
0xa7: {  	s28 =	simm.s32 $_size_execute0_lowered;
	s2 =	sadd.s32 s2, s4;
	[dreg:$0x0] =	wrdreg $0x0  }
0xa8: {  	s4 =	sshll.u32 s28, $0x1;
	[dreg:$0x2] =	wrdreg s2  }
0xa9: {  	[dreg:$0x3] =	wrdreg s4  }
0xaa: {  	[dreg:$0x4] =	wrdreg $0xC0  }
0xab: {  	_ =	task [dreg:s6], $0x5FFFF  }
0xac: {  	[dreg:$0x1] =	wrdreg $0xFFFFFFFF  }
0xad: {  	[dreg:$0x0] =	wrdreg $0x60  }
0xae: {  	[dreg:$0x2] =	wrdreg s24  }
0xaf: {  	[dreg:$0x3] =	wrdreg $0x84000  }
0xb0: {  	[dreg:$0x4] =	wrdreg $0x9  }
0xb1: {  	_ =	task.clear_ibuf [dreg:s6], $0x5FFFF;
	_ =	strace $0x90000046  }
0xb2: {  	s29 =	simm.s32 $0x9;
	_ =	strace $0x80000048  }
0xb3: {  	_ =	swait.ge [sflag:s29], $0x1  }
0xb4: {  	[sflag:s29] =	ssyncadd.s32 $0xFFFFFFFF  }
0xb5: {  	_ =	strace $0x90000048  }
0xb6: {  	_ =	sfence  }
0xb7: {  	s30 =	sld [smem:$0x0];
	_ =	sdelay $0x2  }
0xb8: {  	s31 =	sshll.u32 s1, $0xD;
	s1 =	sshrl.u32 s1, $0x2  }
0xb9: {  	s3 =	sand.u32 $0x4000, s31;
	s1 =	sadd.s32 s1, s30  }
0xba: {  	s0 =	sor.u32 s3, s0;
	s1 =	sshll.u32 s1, $0x11  }
0xbb: {  	s0 =	sor.u32 s1, s0  }
0xbc: {  	s0 =	sadd.s32 $0x8F2B, s0  }
0xbd: {  	[sflag:s0] =	ssyncadd.remote.s32 $0x1  }
0xbe: {  	_ =	sfence.sel $0xFFFF  }
0xbf: {  	[dreg:$0x0] =	wrdreg $0xFFFFFFFF;
	(pc) =	sbr.abs _section_cstart, $3  }
0xc0: {  	[dreg:$0x1] =	wrdreg $0xFFFFFFFF  }
0xc1: {  	_ =	task.clear_ibuf [dreg:s6], $0x2FFFF;
	_ =	strace $0x9FFFFFFF  }
0xc2: {  	(tm) =	ssettm $0x7FFFFFFF  }
0xc3: {  	_ =	shalt  }
tec
execute0_lowered:
.L_overlay_start_1:
0x0: {  	(tag) =	ssettag $0x1  }
0x1: {  	s6 =	rddreg [dreg:$0x0]  }
0x2: {  	s1 =	rddreg [dreg:$0x1]  }
0x3: {  	s2 =	srdreg.scid;
	s3 =	simm.s32 $0x0;
	s14 =	simm.s32 $0x2  }
0x4: {  	s15 =	simm.s32 $0x400;
	s16 =	simm.s32 $0x80;
	s17 =	simm.s32 $0x100  }
0x5: {  	s18 =	simm.s32 $0x180;
	s19 =	simm.s32 $0x200;
	s20 =	simm.s32 $0x280  }
0x6: {  	s21 =	simm.s32 $0x300;
	s22 =	simm.s32 $0x380;
	s7 =	sand.u32 $0x1, s2  }
0x7: {  	s23 =	simm.s32 $0x1;
	s2 =	stileid.u32;
	s8 =	smul.u32 $0x2C000, s7  }
0x8: {  	s28 =	simm.s32 $0x0;
	[smem:$0x7FF] =	sst s3;
	s9 =	smul.u32 $0x2C00, s2  }
0x9: {  	s4 =	sadd.s32 $0xDC00, s6;
	s5 =	sadd.s32 $0xD400, s6;
	s29 =	smul.u32 $0x4F000, s2  }
0xa: {  	_ =	strace $0x80000047;
	s10 =	smul.u32 $0x27800, s7;
	s7 =	ssub.s32 $0x2, s7  }
0xb: {  	s25 =	smul.u32 $0x2780, s2;
	s31 =	sshll.u32 s2, $0x6;
	s30 =	sshrl.u32 s7, $0x1  }
0xc: {  	s8 =	sadd.s32 s9, s8;
	s9 =	sshrl.u32 s29, $0x2;
	s11 =	sadd.s32 s10, s6  }
0xd: {  	s13 =	ssub.s32 s7, s30;
	s8 =	sshrl.u32 s8, $0x3;
	s24 =	sadd.s32 $0xE400, s11  }
0xe: {  	s11 =	smax.u32 s13, $0x1;
	s13 =	simm.s32 $0x4400;
	s12 =	sadd.s32 s8, s6  }
0xf: {  	s6 =	sadd.s32 s9, s1;
	s24 =	sadd.s32 s25, s24;
	s25 =	sor.u32 $0x1C02, s31  }
0x10: {  	s7 =	sadd.s32 $0x4000, s6;
	s8 =	sadd.s32 $0x8000, s6;
	s9 =	sadd.s32 $0xC000, s6  }
0x11: {  	s10 =	sadd.s32 $0x10000, s6;
	s12 =	sadd.s32 $0x2400, s12;
	s26 =	sshrl.u32 s6, $0x3  }
.LBB2_1:
0x12: {  	[tilespmem:s13], [sflag:$0x2] =	stream.linear.gather [hbm4b:s5+s3], $0x4000, $0x38;
	[tilespmem:$0x1C000] =	vst v63  }
0x13: {  	_ =	swait.ge [sflag:s14], $0x4000  }
0x14: {  	[sflag:s14] =	ssyncset.done $0x0  }
0x15: {  	[sflag:s14] =	ssyncadd.s32 $0xFFFFC000  }
0x16: {  	[spmem:s6] =	stream.linear.scatter [tilespmem:s13], [sflag:$0x2], $0x4000, $0x38;
	[tilespmem:$0x1C000] =	vst v63  }
0x17: {  	_ =	swait.ge [sflag:s14], $0x4000  }
0x18: {  	[sflag:s14] =	ssyncset.done $0x0  }
0x19: {  	[sflag:s14] =	ssyncadd.s32 $0xFFFFC000  }
0x1a: {  	[spmem:s7] =	stream.linear.scatter [tilespmem:s13], [sflag:$0x2], $0x4000, $0x38;
	[tilespmem:$0x1C000] =	vst v63  }
0x1b: {  	_ =	swait.ge [sflag:s14], $0x4000  }
0x1c: {  	[sflag:s14] =	ssyncset.done $0x0  }
0x1d: {  	[sflag:s14] =	ssyncadd.s32 $0xFFFFC000  }
0x1e: {  	[spmem:s8] =	stream.linear.scatter [tilespmem:s13], [sflag:$0x2], $0x4000, $0x38;
	[tilespmem:$0x1C000] =	vst v63  }
0x1f: {  	_ =	swait.ge [sflag:s14], $0x4000  }
0x20: {  	[sflag:s14] =	ssyncset.done $0x0  }
0x21: {  	[sflag:s14] =	ssyncadd.s32 $0xFFFFC000  }
0x22: {  	[spmem:s9] =	stream.linear.scatter [tilespmem:s13], [sflag:$0x2], $0x4000, $0x38;
	[tilespmem:$0x1C000] =	vst v63  }
0x23: {  	_ =	swait.ge [sflag:s14], $0x4000  }
0x24: {  	[sflag:s14] =	ssyncset.done $0x0  }
0x25: {  	[sflag:s14] =	ssyncadd.s32 $0xFFFFC000  }
0x26: {  	[spmem:s10] =	stream.linear.scatter [tilespmem:s13], [sflag:$0x2], $0x3C00, $0x38;
	[tilespmem:$0x1C000] =	vst v63  }
0x27: {  	_ =	swait.ge [sflag:s14], $0x3C00  }
0x28: {  	[sflag:s14] =	ssyncset.done $0x0  }
0x29: {  	[sflag:s14] =	ssyncadd.s32 $0xFFFFC400  }
0x2a: {  	[tilespmem:s15], [sflag:$0x2] =	stream.linear.gather [hbm4b:s4+s3], $0x4000, $0x38;
	[tilespmem:$0x1C000] =	vst v63  }
0x2b: {  	_ =	swait.ge [sflag:s14], $0x4000  }
0x2c: {  	[sflag:s14] =	ssyncset.done $0x0  }
0x2d: {  	[sflag:s14] =	ssyncadd.s32 $0xFFFFC000  }
0x2e: {  	s29 =	sadd.s32 $0x0, s12;
	[bflag:$0x0] =	sbarrier.arrive $0xFFFF  }
0x2f: {  	[tilespmem:s3], [sflag:$0x2] =	stream.linear.gather [hbm4b:s29+s3], $0x400, $0x38;
	[tilespmem:$0x1C000] =	vst v63  }
0x30: {  	_ =	swait.ge [sflag:s14], $0x400  }
0x31: {  	[sflag:s14] =	ssyncset.done $0x0  }
0x32: {  	[sflag:s14] =	ssyncadd.s32 $0xFFFFFC00  }
0x33: {  	[spmem:s1] =	stream.indirect.scatter.add.f32 [tilespmem:s15], [sflag:$0x1], $0x80, s3, s16, $0xb8;
	[tilespmem:$0x1C000] =	vst v63  }
0x34: {  	_ = 	snop  }
0x35: {  	[spmem:s1] =	stream.indirect.scatter.add.f32 [tilespmem:s15], [sflag:$0x1], $0x80, s16, s16, $0xb8;
	[tilespmem:$0x1C000] =	vst v63  }
0x36: {  	_ = 	snop  }
0x37: {  	[spmem:s1] =	stream.indirect.scatter.add.f32 [tilespmem:s15], [sflag:$0x1], $0x80, s17, s16, $0xb8;
	[tilespmem:$0x1C000] =	vst v63  }
0x38: {  	_ = 	snop  }
0x39: {  	[spmem:s1] =	stream.indirect.scatter.add.f32 [tilespmem:s15], [sflag:$0x1], $0x80, s18, s16, $0xb8;
	[tilespmem:$0x1C000] =	vst v63  }
0x3a: {  	_ = 	snop  }
0x3b: {  	[spmem:s1] =	stream.indirect.scatter.add.f32 [tilespmem:s15], [sflag:$0x1], $0x80, s19, s16, $0xb8;
	[tilespmem:$0x1C000] =	vst v63  }
0x3c: {  	_ = 	snop  }
0x3d: {  	[spmem:s1] =	stream.indirect.scatter.add.f32 [tilespmem:s15], [sflag:$0x1], $0x80, s20, s16, $0xb8;
	[tilespmem:$0x1C000] =	vst v63  }
0x3e: {  	_ = 	snop  }
0x3f: {  	[spmem:s1] =	stream.indirect.scatter.add.f32 [tilespmem:s15], [sflag:$0x1], $0x80, s21, s16, $0xb8;
	[tilespmem:$0x1C000] =	vst v63  }
0x40: {  	_ = 	snop  }
0x41: {  	[spmem:s1] =	stream.indirect.scatter.add.f32 [tilespmem:s15], [sflag:$0x1], $0x80, s22, s16, $0xb8;
	[tilespmem:$0x1C000] =	vst v63  }
0x42: {  	_ =	swait.ge [sflag:s23], $0x4000  }
0x43: {  	[sflag:s23] =	ssyncset.done $0x0  }
0x44: {  	[sflag:s23] =	ssyncadd.s32 $0xFFFFC000  }
0x45: {  	_ =	swait.ge [sflag:s23], $0x4000  }
0x46: {  	[sflag:s23] =	ssyncset.done $0x0  }
0x47: {  	[sflag:s23] =	ssyncadd.s32 $0xFFFFC000  }
0x48: {  	_ =	swait.ge [sflag:s23], $0x4000  }
0x49: {  	[sflag:s23] =	ssyncset.done $0x0  }
0x4a: {  	[sflag:s23] =	ssyncadd.s32 $0xFFFFC000  }
0x4b: {  	_ =	swait.ge [sflag:s23], $0x4000  }
0x4c: {  	[sflag:s23] =	ssyncset.done $0x0  }
0x4d: {  	[sflag:s23] =	ssyncadd.s32 $0xFFFFC000  }
0x4e: {  	_ =	swait.ge [sflag:s23], $0x4000  }
0x4f: {  	[sflag:s23] =	ssyncset.done $0x0  }
0x50: {  	[sflag:s23] =	ssyncadd.s32 $0xFFFFC000  }
0x51: {  	_ =	swait.ge [sflag:s23], $0x4000  }
0x52: {  	[sflag:s23] =	ssyncset.done $0x0  }
0x53: {  	[sflag:s23] =	ssyncadd.s32 $0xFFFFC000  }
0x54: {  	_ =	swait.ge [sflag:s23], $0x4000  }
0x55: {  	[sflag:s23] =	ssyncset.done $0x0  }
0x56: {  	[sflag:s23] =	ssyncadd.s32 $0xFFFFC000  }
0x57: {  	_ =	swait.ge [sflag:s23], $0x4000  }
0x58: {  	s31 =	simm.s32 $0x100;
	s29 =	simm.s32 $0x80;
	[sflag:s23] =	ssyncset.done $0x0  }
.LBB2_2:
0x59: {  	s0 =	sadd.s32 s29, s12  }
0x5a: {  	[sflag:s23] =	ssyncadd.s32 $0xFFFFC000;
	s29 =	smov.u32 s31;
	s30 =	sadd.s32 $0x80, s31  }
0x5b: {  	[tilespmem:s3], [sflag:$0x2] =	stream.linear.gather [hbm4b:s0+s3], $0x400, $0x38;
	[tilespmem:$0x1C000] =	vst v63  }
0x5c: {  	p0 =	sne.s32 s31, $0x500;
	_ =	swait.ge [sflag:s14], $0x400  }
0x5d: {  	[sflag:s14] =	ssyncset.done $0x0  }
0x5e: {  	[sflag:s14] =	ssyncadd.s32 $0xFFFFFC00  }
0x5f: {  	[spmem:s1] =	stream.indirect.scatter.add.f32 [tilespmem:s15], [sflag:$0x1], $0x80, s3, s16, $0xb8;
	[tilespmem:$0x1C000] =	vst v63  }
0x60: {  	_ = 	snop  }
0x61: {  	[spmem:s1] =	stream.indirect.scatter.add.f32 [tilespmem:s15], [sflag:$0x1], $0x80, s16, s16, $0xb8;
	[tilespmem:$0x1C000] =	vst v63  }
0x62: {  	_ = 	snop  }
0x63: {  	[spmem:s1] =	stream.indirect.scatter.add.f32 [tilespmem:s15], [sflag:$0x1], $0x80, s17, s16, $0xb8;
	[tilespmem:$0x1C000] =	vst v63  }
0x64: {  	_ = 	snop  }
0x65: {  	[spmem:s1] =	stream.indirect.scatter.add.f32 [tilespmem:s15], [sflag:$0x1], $0x80, s18, s16, $0xb8;
	[tilespmem:$0x1C000] =	vst v63  }
0x66: {  	_ = 	snop  }
0x67: {  	[spmem:s1] =	stream.indirect.scatter.add.f32 [tilespmem:s15], [sflag:$0x1], $0x80, s19, s16, $0xb8;
	[tilespmem:$0x1C000] =	vst v63  }
0x68: {  	_ = 	snop  }
0x69: {  	[spmem:s1] =	stream.indirect.scatter.add.f32 [tilespmem:s15], [sflag:$0x1], $0x80, s20, s16, $0xb8;
	[tilespmem:$0x1C000] =	vst v63  }
0x6a: {  	_ = 	snop  }
0x6b: {  	[spmem:s1] =	stream.indirect.scatter.add.f32 [tilespmem:s15], [sflag:$0x1], $0x80, s21, s16, $0xb8;
	[tilespmem:$0x1C000] =	vst v63  }
0x6c: {  	_ = 	snop  }
0x6d: {  	[spmem:s1] =	stream.indirect.scatter.add.f32 [tilespmem:s15], [sflag:$0x1], $0x80, s22, s16, $0xb8;
	[tilespmem:$0x1C000] =	vst v63  }
0x6e: {  	_ =	swait.ge [sflag:s23], $0x4000  }
0x6f: {  	[sflag:s23] =	ssyncset.done $0x0  }
0x70: {  	[sflag:s23] =	ssyncadd.s32 $0xFFFFC000  }
0x71: {  	_ =	swait.ge [sflag:s23], $0x4000  }
0x72: {  	[sflag:s23] =	ssyncset.done $0x0  }
0x73: {  	[sflag:s23] =	ssyncadd.s32 $0xFFFFC000  }
0x74: {  	_ =	swait.ge [sflag:s23], $0x4000  }
0x75: {  	[sflag:s23] =	ssyncset.done $0x0  }
0x76: {  	[sflag:s23] =	ssyncadd.s32 $0xFFFFC000  }
0x77: {  	_ =	swait.ge [sflag:s23], $0x4000  }
0x78: {  	[sflag:s23] =	ssyncset.done $0x0  }
0x79: {  	[sflag:s23] =	ssyncadd.s32 $0xFFFFC000  }
0x7a: {  	_ =	swait.ge [sflag:s23], $0x4000  }
0x7b: {  	[sflag:s23] =	ssyncset.done $0x0  }
0x7c: {  	[sflag:s23] =	ssyncadd.s32 $0xFFFFC000  }
0x7d: {  	_ =	swait.ge [sflag:s23], $0x4000  }
0x7e: {  	[sflag:s23] =	ssyncset.done $0x0  }
0x7f: {  	[sflag:s23] =	ssyncadd.s32 $0xFFFFC000  }
.Ltmp0:
0x80: {  	_ =	swait.ge [sflag:s23], $0x4000;
	(pc) =	sbr.rel @p0 .LBB2_2-.Ltmp0, $4  }
0x81: {  	[sflag:s23] =	ssyncset.done $0x0  }
0x82: {  	[sflag:s23] =	ssyncadd.s32 $0xFFFFC000  }
0x83: {  	_ =	swait.ge [sflag:s23], $0x4000  }
0x84: {  	s31 =	smov.u32 s30;
	[sflag:s23] =	ssyncset.done $0x0  }
0x85: {  	s0 =	sadd.s32 s29, s12;
	[sflag:s23] =	ssyncadd.s32 $0xFFFFC000  }
0x86: {  	[tilespmem:s3], [sflag:$0x2] =	stream.linear.gather [hbm4b:s0+s3], $0x400, $0x38;
	[tilespmem:$0x1C000] =	vst v63  }
0x87: {  	_ =	swait.ge [sflag:s14], $0x400  }
0x88: {  	[sflag:s14] =	ssyncset.done $0x0  }
0x89: {  	[sflag:s14] =	ssyncadd.s32 $0xFFFFFC00  }
0x8a: {  	[spmem:s1] =	stream.indirect.scatter.add.f32 [tilespmem:s15], [sflag:$0x1], $0x80, s3, s16, $0xb8;
	[tilespmem:$0x1C000] =	vst v63  }
0x8b: {  	_ = 	snop  }
0x8c: {  	[spmem:s1] =	stream.indirect.scatter.add.f32 [tilespmem:s15], [sflag:$0x1], $0x80, s16, s16, $0xb8;
	[tilespmem:$0x1C000] =	vst v63  }
0x8d: {  	_ = 	snop  }
0x8e: {  	[spmem:s1] =	stream.indirect.scatter.add.f32 [tilespmem:s15], [sflag:$0x1], $0x80, s17, s16, $0xb8;
	[tilespmem:$0x1C000] =	vst v63  }
0x8f: {  	_ = 	snop  }
0x90: {  	[spmem:s1] =	stream.indirect.scatter.add.f32 [tilespmem:s15], [sflag:$0x1], $0x80, s18, s16, $0xb8;
	[tilespmem:$0x1C000] =	vst v63  }
0x91: {  	_ = 	snop  }
0x92: {  	[spmem:s1] =	stream.indirect.scatter.add.f32 [tilespmem:s15], [sflag:$0x1], $0x80, s19, s16, $0xb8;
	[tilespmem:$0x1C000] =	vst v63  }
0x93: {  	_ = 	snop  }
0x94: {  	[spmem:s1] =	stream.indirect.scatter.add.f32 [tilespmem:s15], [sflag:$0x1], $0x80, s20, s16, $0xb8;
	[tilespmem:$0x1C000] =	vst v63  }
0x95: {  	_ = 	snop  }
0x96: {  	[spmem:s1] =	stream.indirect.scatter.add.f32 [tilespmem:s15], [sflag:$0x1], $0x80, s21, s16, $0xb8;
	[tilespmem:$0x1C000] =	vst v63  }
0x97: {  	_ = 	snop  }
0x98: {  	[spmem:s1] =	stream.indirect.scatter.add.f32 [tilespmem:s15], [sflag:$0x1], $0x80, s22, s16, $0xb8;
	[tilespmem:$0x1C000] =	vst v63  }
0x99: {  	_ =	swait.ge [sflag:s23], $0x4000  }
0x9a: {  	[sflag:s23] =	ssyncset.done $0x0  }
0x9b: {  	[sflag:s23] =	ssyncadd.s32 $0xFFFFC000  }
0x9c: {  	_ =	swait.ge [sflag:s23], $0x4000  }
0x9d: {  	[sflag:s23] =	ssyncset.done $0x0  }
0x9e: {  	[sflag:s23] =	ssyncadd.s32 $0xFFFFC000  }
0x9f: {  	_ =	swait.ge [sflag:s23], $0x4000  }
0xa0: {  	[sflag:s23] =	ssyncset.done $0x0  }
0xa1: {  	[sflag:s23] =	ssyncadd.s32 $0xFFFFC000  }
0xa2: {  	_ =	swait.ge [sflag:s23], $0x4000  }
0xa3: {  	[sflag:s23] =	ssyncset.done $0x0  }
0xa4: {  	[sflag:s23] =	ssyncadd.s32 $0xFFFFC000  }
0xa5: {  	_ =	swait.ge [sflag:s23], $0x4000  }
0xa6: {  	[sflag:s23] =	ssyncset.done $0x0  }
0xa7: {  	[sflag:s23] =	ssyncadd.s32 $0xFFFFC000  }
0xa8: {  	_ =	swait.ge [sflag:s23], $0x4000  }
0xa9: {  	[sflag:s23] =	ssyncset.done $0x0  }
0xaa: {  	[sflag:s23] =	ssyncadd.s32 $0xFFFFC000  }
0xab: {  	_ =	swait.ge [sflag:s23], $0x4000  }
0xac: {  	[sflag:s23] =	ssyncset.done $0x0  }
0xad: {  	[sflag:s23] =	ssyncadd.s32 $0xFFFFC000  }
0xae: {  	_ =	swait.ge [sflag:s23], $0x4000  }
0xaf: {  	s28 =	sadd.s32 $0x1, s28;
	[sflag:s23] =	ssyncset.done $0x0  }
0xb0: {  	p0 =	sne.s32 s28, s11;
	[sflag:s23] =	ssyncadd.s32 $0xFFFFC000  }
.Ltmp1:
0xb1: {  	[bflag:$0x0] =	sbarrier.arrive $0xFFFF;
	(pc) =	sbr.rel @p0 .LBB2_1-.Ltmp1, $4  }
0xb2: {  	[hbm:s24], [sflag:s25] =	dma.local [spmem:s26], $0x2780  }
0xb3: {  	_ =	swait.ge [sflag:s14], $0x2780  }
0xb4: {  	[sflag:s14] =	ssyncset.done $0x0  }
0xb5: {  	[sflag:s14] =	ssyncadd.s32 $0xFFFFD880  }
0xb6: {  	_ =	sfence.sel $0x180000  }
0xb7: {  	[bflag:$0x0] =	sbarrier.arrive $0xFFFF  }
0xb8: {  	_ =	strace $0x90000047  }
0xb9: {  	[bflag:$0x2] =	sbarrier.arrive $0xFFFF  }
0xba: {  	p0 =	sne.s32 s2, $0x0;
	s0 =	rddreg [dreg:$0x2]  }
0xbb: {  	s0 =	sadd.s32 @!p0 $0x100000, s0  }
0xbc: {  	[sflag:s0] =	ssyncadd.tile.s32 @!p0 $0x1;
	_ =	shalt  }
.Lfunc_end2:
_tile_overlayer_lowered:
.L_overlay_start_2:
0xbd: {  	(tag) =	ssettag $0x2  }
0xbe: {  	s0 =	rddreg [dreg:$0x0];
	s2 =	stileid.u32  }
0xbf: {  	s1 =	rddreg [dreg:$0x1];
	p0 =	sne.s32 s2, $0x0  }
0xc0: {  	s3 =	rddreg [dreg:$0x2];
	[bflag:$0x3] =	sbarrier.arrive $0xFFFF;
	s2 =	simm.s32 @!p0 $0x1C02  }
0xc1: {  	[timem:s3], [sflag:s2] =	dma.local @!p0 [hbm:s0], s1  }
0xc2: {  	s0 =	simm.s32 @!p0 $0x2  }
0xc3: {  	_ =	swait.ge @!p0 [sflag:s0], s1  }
0xc4: {  	s1 =	ssub.s32 @!p0 $0x0, s1;
	[sflag:s0] =	ssyncset.done @!p0 $0x0  }
0xc5: {  	[sflag:s0] =	ssyncadd.s32 @!p0 s1  }
0xc6: {  	[bflag:$0x3] =	sbarrier.arrive $0xFFFF  }
0xc7: {  	_ =	shalt  }

</sc_bundles>
